<compile_context>
chip_gen: v7x
topology: tpu7x:2x2x1
jax: 0.10.2.dev20260603
libtpu: 0.0.44.dev20260713+nightly
codegen_flags: <defaults>
</compile_context>

<pallas_src>
import functools

import jax
import jax.numpy as jnp
from jax import lax
from jax.experimental import pallas as pl
from jax.experimental.pallas import tpu as pltpu
from jax.experimental.pallas import tpu_sc as plsc

_SPARSITY = 0.5

_N = 128 * 32768
_K = max(int(_SPARSITY * _N - 1), 0) + 1
_W = 32
_C = _N // _W
_ROWS_PER_W = 128 // _W
_SUB = 8192
_NG = (_C // _SUB) // 2

_mesh = plsc.VectorSubcoreMesh(core_axis_name="c", subcore_axis_name="s")
_SC_PARAMS = pltpu.CompilerParams(needs_layout_passes=False)


@functools.partial(
    pl.kernel,
    mesh=_mesh,
    out_type=jax.ShapeDtypeStruct((2, 256, 128), jnp.int32),
    scratch_types=[
        pltpu.VMEM((2, _SUB), jnp.float32),
        pltpu.VMEM((256, 128), jnp.int32),
        pltpu.VMEM((2, 128), jnp.int32),
        pltpu.VMEM_SHARED((256, 128), jnp.int32),
        pltpu.SemaphoreType.DMA,
        pltpu.SemaphoreType.DMA,
    ],
    compiler_params=_SC_PARAMS,
)
def _sc_pass1(x_hbm, h1_hbm, buf, h1, idxr, sh1, s0, s1):
    cid = lax.axis_index("c")
    sid = lax.axis_index("s")
    row0 = (sid * 2 + cid) * _ROWS_PER_W

    def chunk(j):
        return x_hbm.at[row0 + lax.shift_right_logical(j, 2), pl.ds((j & 3) * _SUB, _SUB)]

    pltpu.make_async_copy(chunk(jnp.int32(0)), buf.at[0], s0).start()

    @plsc.parallel_loop(0, 256, 1, unroll=4)
    def _(r):
        for cc in range(8):
            h1[r, pl.ds(cc * 16, 16)] = jnp.zeros((16,), jnp.int32)

    for j in range(2):
        for cc in range(8):
            idxr[j, pl.ds(cc * 16, 16)] = lax.iota(jnp.int32, 16) + (j * 128 + cc * 16)

    @pl.when(sid == 0)
    def _():
        pltpu.sync_copy(h1, sh1)

    ones = jnp.ones((16,), jnp.int32)

    def process(b):
        @plsc.parallel_loop(0, _SUB // 16, 1, unroll=16)
        def _(i):
            v = buf[b, pl.ds(i * 16, 16)]
            u = lax.bitcast_convert_type(v, jnp.int32) & jnp.int32(0x7FFFFFFF)
            row = lax.shift_right_logical(u, 23)
            col = lax.shift_right_logical(u, 16) & jnp.int32(127)
            plsc.addupdate_scatter(h1, [row, col], ones)

    def g_body(g, _):
        pltpu.make_async_copy(chunk(g * 2 + 1), buf.at[1], s1).start()
        pltpu.make_async_copy(x_hbm.at[row0, pl.ds(0, _SUB)], buf.at[0], s0).wait()
        process(0)

        @pl.when(g < _NG - 1)
        def _():
            pltpu.make_async_copy(chunk(g * 2 + 2), buf.at[0], s0).start()

        pltpu.make_async_copy(x_hbm.at[row0, pl.ds(0, _SUB)], buf.at[1], s1).wait()
        process(1)
        return 0

    lax.fori_loop(0, _NG, g_body, 0)

    plsc.subcore_barrier()
    pltpu.sync_copy(h1.at[pl.ds(0, 128)], sh1.at[idxr.at[0]], add=True)
    pltpu.sync_copy(h1.at[pl.ds(128, 128)], sh1.at[idxr.at[1]], add=True)
    plsc.subcore_barrier()

    @pl.when(sid == 0)
    def _():
        pltpu.sync_copy(sh1, h1_hbm.at[cid])


def _prefix_rows(a):
    s = 1
    while s < a.shape[0]:
        pad = jnp.zeros((s, a.shape[1]), a.dtype)
        a = a + jnp.concatenate([pad, a[:-s]], axis=0)
        s *= 2
    return a


def _prefix_lanes(a):
    s = 1
    while s < a.shape[1]:
        pad = jnp.zeros((a.shape[0], s), a.dtype)
        a = a + jnp.concatenate([pad, a[:, :-s]], axis=1)
        s *= 2
    return a


def _flat_cum(h):
    incol = _prefix_lanes(h)
    rowtot = jnp.sum(h, axis=1, keepdims=True)
    rowcum = _prefix_rows(rowtot)
    return (rowcum - rowtot) + incol


def _tc_bin_kernel(h1_ref, o_ref):
    h = h1_ref[0] + h1_ref[1]
    cum = _flat_cum(h)
    b1 = jnp.sum((cum < _K).astype(jnp.int32))
    o_ref[...] = jnp.full((8, 128), b1, jnp.int32)


def _tc_select_bin(h1):
    return pl.pallas_call(
        _tc_bin_kernel,
        out_shape=jax.ShapeDtypeStruct((8, 128), jnp.int32),
    )(h1)


@functools.partial(
    pl.kernel,
    mesh=_mesh,
    out_type=jax.ShapeDtypeStruct((2, 512, 128), jnp.int32),
    scratch_types=[
        pltpu.VMEM((2, _SUB), jnp.float32),
        pltpu.VMEM((512, 128), jnp.int32),
        pltpu.VMEM((4, 128), jnp.int32),
        pltpu.VMEM((16,), jnp.int32),
        pltpu.VMEM_SHARED((512, 128), jnp.int32),
        pltpu.SemaphoreType.DMA,
        pltpu.SemaphoreType.DMA,
    ],
    compiler_params=_SC_PARAMS,
)
def _sc_pass2(x_hbm, b1_hbm, h2_hbm, buf, h2, idxr, b1v, sh2, s0, s1):
    cid = lax.axis_index("c")
    sid = lax.axis_index("s")
    row0 = (sid * 2 + cid) * _ROWS_PER_W

    def chunk(j):
        return x_hbm.at[row0 + lax.shift_right_logical(j, 2), pl.ds((j & 3) * _SUB, _SUB)]

    pltpu.make_async_copy(chunk(jnp.int32(0)), buf.at[0], s0).start()
    pltpu.sync_copy(b1_hbm.at[0, pl.ds(0, 16)], b1v)

    @plsc.parallel_loop(0, 512, 1, unroll=4)
    def _(r):
        for cc in range(8):
            h2[r, pl.ds(cc * 16, 16)] = jnp.zeros((16,), jnp.int32)

    for j in range(4):
        for cc in range(8):
            idxr[j, pl.ds(cc * 16, 16)] = lax.iota(jnp.int32, 16) + (j * 128 + cc * 16)

    @pl.when(sid == 0)
    def _():
        pltpu.sync_copy(h2, sh2)

    ones = jnp.ones((16,), jnp.int32)
    vb1 = b1v[...]

    def process(b):
        @plsc.parallel_loop(0, _SUB // 16, 1, unroll=16)
        def _(i):
            v = buf[b, pl.ds(i * 16, 16)]
            u = lax.bitcast_convert_type(v, jnp.int32) & jnp.int32(0x7FFFFFFF)
            m = lax.shift_right_logical(u, 16) == vb1
            row = lax.shift_right_logical(u, 7) & jnp.int32(511)
            col = u & jnp.int32(127)
            plsc.addupdate_scatter(h2, [row, col], ones, mask=m)

    def g_body(g, _):
        pltpu.make_async_copy(chunk(g * 2 + 1), buf.at[1], s1).start()
        pltpu.make_async_copy(x_hbm.at[row0, pl.ds(0, _SUB)], buf.at[0], s0).wait()
        process(0)

        @pl.when(g < _NG - 1)
        def _():
            pltpu.make_async_copy(chunk(g * 2 + 2), buf.at[0], s0).start()

        pltpu.make_async_copy(x_hbm.at[row0, pl.ds(0, _SUB)], buf.at[1], s1).wait()
        process(1)
        return 0

    lax.fori_loop(0, _NG, g_body, 0)

    plsc.subcore_barrier()
    for q in range(4):
        pltpu.sync_copy(h2.at[pl.ds(q * 128, 128)], sh2.at[idxr.at[q]], add=True)
    plsc.subcore_barrier()

    @pl.when(sid == 0)
    def _():
        pltpu.sync_copy(sh2, h2_hbm.at[cid])


def _tc_apply_kernel(x_ref, h1_ref, h2_ref, o_ref, t_smem):
    pid = pl.program_id(0)

    @pl.when(pid == 0)
    def _():
        h = h1_ref[0] + h1_ref[1]
        cum = _flat_cum(h)
        lt = cum < _K
        b1 = jnp.sum(lt.astype(jnp.int32))
        below = jnp.sum(h * lt.astype(jnp.int32))
        kp = _K - below
        h2 = h2_ref[0] + h2_ref[1]
        cum2 = _flat_cum(h2)
        low = jnp.sum((cum2 < kp).astype(jnp.int32))
        t_smem[0] = (b1 << 16) | low

    t = t_smem[0]
    xb = x_ref[...]
    u = lax.bitcast_convert_type(xb, jnp.int32) & jnp.int32(0x7FFFFFFF)
    o_ref[...] = jnp.where(u >= t, xb, jnp.float32(0.0))


def _tc_apply(x, h1, h2):
    return pl.pallas_call(
        _tc_apply_kernel,
        grid=(x.shape[0] // 8,),
        in_specs=[
            pl.BlockSpec((8, x.shape[1]), lambda i: (i, 0)),
            pl.BlockSpec((2, 256, 128), lambda i: (0, 0, 0)),
            pl.BlockSpec((2, 512, 128), lambda i: (0, 0, 0)),
        ],
        out_specs=pl.BlockSpec((8, x.shape[1]), lambda i: (i, 0)),
        out_shape=jax.ShapeDtypeStruct(x.shape, x.dtype),
        scratch_shapes=[pltpu.SMEM((1,), jnp.int32)],
    )(x, h1, h2)


def kernel(x, mask):
    del mask
    assert x.shape == (128, 32768) and x.dtype == jnp.float32
    h1 = _sc_pass1(x)
    b1v = _tc_select_bin(h1)
    h2 = _sc_pass2(x, b1v)
    return _tc_apply(x, h1, h2)

# --- scband reference (transcript-rebuilt; emitter-appended) ---
"""Pipeline reference for scband-magnitude-pruning-callback-75076028334744 (READ-ONLY COPY).

The authoritative reference and input builder live on the scoring server;
editing this copy changes nothing except your own understanding.
"""

import jax, jax.numpy as jnp
import numpy as np

SPARSITY = 0.5  # sparsity is a runtime float scalar in the torch module; baked in as a constant here

def setup_inputs(seed: int = 0) -> dict:
    key = jax.random.key(seed)
    k1, _ = jax.random.split(key)
    x = jax.random.normal(k1, (128, 32768), dtype=jnp.float32)
    # mask buffer (requires_grad=False nn.Parameter in torch); contents get overwritten each refresh
    mask = jnp.ones((128, 32768), dtype=jnp.float32)
    return {"x": x, "mask": mask}

def reference(x, mask):
    # running_average=False path: importance = align_tensor_to_shape(x.abs(), mask.shape) == x.abs()
    # (mask has identical shape to x, so alignment is identity)
    importance = jnp.abs(x)
    # find_prune_threshold: sort flattened importance, take value at idx = max(int(sparsity*n - 1), 0)
    values = jnp.sort(importance.reshape(-1))
    n = values.shape[0]
    idx = max(int(SPARSITY * n - 1), 0)
    threshold = values[idx]
    # mask.data[:] = importance >= threshold (in-place, no-grad buffer update)
    new_mask = (importance >= threshold).astype(x.dtype)
    # broadcast_mul(x, mask)
    out = x * new_mask
    return out

if __name__ == "__main__":
    import jax
    _d = setup_inputs()
    print(jax.jit(kernel)(*tuple(_d.values())))

</pallas_src>

<mosaic_0001>
#map = affine_map<(d0, d1) -> (0, 0)>
#map1 = affine_map<(d0, d1) -> (0, 0, 0)>
module attributes {stable_mosaic.version = 14 : i64} {
  func.func @_sc_pass2(%arg0: i32, %arg1: i32, %arg2: memref<128x32768xf32, #tpu.memory_space<hbm>>, %arg3: memref<8x128xi32, #tpu.memory_space<hbm>>, %arg4: memref<2x512x128xi32, #tpu.memory_space<hbm>>, %arg5: memref<2x8192xf32, #tpu.memory_space<vmem>>, %arg6: memref<512x128xi32, #tpu.memory_space<vmem>>, %arg7: memref<4x128xi32, #tpu.memory_space<vmem>>, %arg8: memref<16xi32, #tpu.memory_space<vmem>>, %arg9: memref<512x128xi32, #tpu.memory_space<vmem_shared>>, %arg10: memref<!tpu.dma_semaphore, #tpu.memory_space<semaphore_mem>>, %arg11: memref<!tpu.dma_semaphore, #tpu.memory_space<semaphore_mem>>) attributes {dimension_semantics = [#tpu.dimension_semantics<core_parallel>, #tpu.dimension_semantics<subcore_parallel>], iteration_bounds = array<i64: 2, 16>, scalar_prefetch = 0 : i64, scratch_operands = 7 : i64, tpu.core_type = #tpu.core_type<sc_vector_subcore>, window_params = [{transform_indices = #map}, {transform_indices = #map}, {transform_indices = #map1}]} {
    %mul3A = arith.constant 2 : i32
    %mul3A_0 = arith.muli %arg1, %mul3A : i32
    %add3A = arith.addi %mul3A_0, %arg0 : i32
    %mul3A_1 = arith.constant 4 : i32
    %mul3A_2 = arith.muli %add3A, %mul3A_1 : i32
    %shift_right_logical3A = arith.constant 0 : i32
    %shift_right_logical3A_3 = arith.constant 2 : i32
    %shift_right_logical3A_4 = arith.shrui %shift_right_logical3A, %shift_right_logical3A_3 : i32
    %add3A_5 = arith.addi %mul3A_2, %shift_right_logical3A_4 : i32
    %and3A = arith.constant 0 : i32
    %and3A_6 = arith.constant 3 : i32
    %and3A_7 = arith.andi %and3A, %and3A_6 : i32
    %mul3A_8 = arith.constant 8192 : i32
    %mul3A_9 = arith.muli %and3A_7, %mul3A_8 : i32
    %dma_start3A = arith.constant 0 : i32
    %dma_start3A_10 = arith.constant 0 : i32
    %dma_start3A_11 = tpu.memref_slice %arg5[%dma_start3A, %dma_start3A_10] : memref<2x8192xf32, #tpu.memory_space<vmem>> -> memref<1x8192xf32, #tpu.memory_space<vmem>>
    %dma_start3A_12 = tpu.memref_squeeze %dma_start3A_11 : memref<1x8192xf32, #tpu.memory_space<vmem>> -> memref<8192xf32, #tpu.memory_space<vmem>>
    %dma_start3A_13 = tpu.memref_slice %arg2[%add3A_5, %mul3A_9] : memref<128x32768xf32, #tpu.memory_space<hbm>> -> memref<1x8192xf32, #tpu.memory_space<hbm>>
    %dma_start3A_14 = tpu.memref_squeeze %dma_start3A_13 : memref<1x8192xf32, #tpu.memory_space<hbm>> -> memref<8192xf32, #tpu.memory_space<hbm>>
    %dma_start3A_15 = arith.constant 0 : i32
    %dma_start3A_16 = tpu.memref_slice %arg5[%dma_start3A, %dma_start3A_15] : memref<2x8192xf32, #tpu.memory_space<vmem>> -> memref<1x8192xf32, #tpu.memory_space<vmem>>
    %dma_start3A_17 = tpu.memref_squeeze %dma_start3A_16 : memref<1x8192xf32, #tpu.memory_space<vmem>> -> memref<8192xf32, #tpu.memory_space<vmem>>
    %dma_start3A_18 = tpu.memref_slice %arg2[%add3A_5, %mul3A_9] : memref<128x32768xf32, #tpu.memory_space<hbm>> -> memref<1x8192xf32, #tpu.memory_space<hbm>>
    %dma_start3A_19 = tpu.memref_squeeze %dma_start3A_18 : memref<1x8192xf32, #tpu.memory_space<hbm>> -> memref<8192xf32, #tpu.memory_space<hbm>>
    tpu.enqueue_dma source(%dma_start3A_19 : memref<8192xf32, #tpu.memory_space<hbm>>) target(%dma_start3A_17 : memref<8192xf32, #tpu.memory_space<vmem>>) target_semaphore(%arg10 : memref<!tpu.dma_semaphore, #tpu.memory_space<semaphore_mem>>)
    %run_scoped3A = arith.constant 0 : i32
    "tpu.region"() ({
      %run_scoped3A_296 = tpu.sem_alloc : memref<!tpu.dma_semaphore, #tpu.memory_space<semaphore_mem>>
      %dma_start3A_297 = arith.constant 0 : i32
      %dma_start3A_298 = tpu.memref_slice %arg3[%run_scoped3A, %dma_start3A_297] : memref<8x128xi32, #tpu.memory_space<hbm>> -> memref<1x16xi32, #tpu.memory_space<hbm>>
      %dma_start3A_299 = tpu.memref_squeeze %dma_start3A_298 : memref<1x16xi32, #tpu.memory_space<hbm>> -> memref<16xi32, #tpu.memory_space<hbm>>
      %dma_start3A_300 = arith.constant 0 : i32
      %dma_start3A_301 = tpu.memref_slice %arg3[%run_scoped3A, %dma_start3A_300] : memref<8x128xi32, #tpu.memory_space<hbm>> -> memref<1x16xi32, #tpu.memory_space<hbm>>
      %dma_start3A_302 = tpu.memref_squeeze %dma_start3A_301 : memref<1x16xi32, #tpu.memory_space<hbm>> -> memref<16xi32, #tpu.memory_space<hbm>>
      tpu.enqueue_dma source(%dma_start3A_302 : memref<16xi32, #tpu.memory_space<hbm>>) target(%arg8 : memref<16xi32, #tpu.memory_space<vmem>>) target_semaphore(%run_scoped3A_296 : memref<!tpu.dma_semaphore, #tpu.memory_space<semaphore_mem>>)
      %dma_wait3A = arith.constant 0 : i32
      %dma_wait3A_303 = tpu.memref_slice %arg3[%run_scoped3A, %dma_wait3A] : memref<8x128xi32, #tpu.memory_space<hbm>> -> memref<1x16xi32, #tpu.memory_space<hbm>>
      %dma_wait3A_304 = tpu.memref_squeeze %dma_wait3A_303 : memref<1x16xi32, #tpu.memory_space<hbm>> -> memref<16xi32, #tpu.memory_space<hbm>>
      %dma_wait3A_305 = arith.constant 0 : i32
      %dma_wait3A_306 = tpu.memref_slice %arg3[%run_scoped3A, %dma_wait3A_305] : memref<8x128xi32, #tpu.memory_space<hbm>> -> memref<1x16xi32, #tpu.memory_space<hbm>>
      %dma_wait3A_307 = tpu.memref_squeeze %dma_wait3A_306 : memref<1x16xi32, #tpu.memory_space<hbm>> -> memref<16xi32, #tpu.memory_space<hbm>>
      tpu.wait_dma2 semaphore(%run_scoped3A_296 : memref<!tpu.dma_semaphore, #tpu.memory_space<semaphore_mem>>) src(%dma_wait3A_307 : memref<16xi32, #tpu.memory_space<hbm>>) dst(%arg8 : memref<16xi32, #tpu.memory_space<vmem>>)
      tpu.yield
    }) : () -> ()
    %parallel_loop3A = arith.constant 0 : i32
    %parallel_loop3A_20 = arith.constant 512 : i32
    %parallel_loop3A_21 = arith.constant 1 : i32
    scf.for %parallel_loop3A_296 = %parallel_loop3A to %parallel_loop3A_20 step %parallel_loop3A_21  : i32 {
      %parallel_loop3A_297 = arith.constant 0 : i32
      %parallel_loop3A_298 = vector.broadcast %parallel_loop3A_297 : i32 to vector<16xi32>
      %parallel_loop3A_299 = arith.index_cast %parallel_loop3A_296 : i32 to index
      %parallel_loop3A_300 = arith.constant 0 : index
      %parallel_loop3A_301 = tpu.vector_load %arg6[%parallel_loop3A_299, %parallel_loop3A_300] {strides = array<i32>} : memref<512x128xi32, #tpu.memory_space<vmem>>, vector<16xi32>,
      tpu.vector_store %arg6[%parallel_loop3A_299, %parallel_loop3A_300], %parallel_loop3A_298 {strides = array<i32>} : memref<512x128xi32, #tpu.memory_space<vmem>>, vector<16xi32>,
      %parallel_loop3A_302 = arith.constant 0 : i32
      %parallel_loop3A_303 = vector.broadcast %parallel_loop3A_302 : i32 to vector<16xi32>
      %parallel_loop3A_304 = arith.index_cast %parallel_loop3A_296 : i32 to index
      %parallel_loop3A_305 = arith.constant 16 : index
      %parallel_loop3A_306 = tpu.vector_load %arg6[%parallel_loop3A_304, %parallel_loop3A_305] {strides = array<i32>} : memref<512x128xi32, #tpu.memory_space<vmem>>, vector<16xi32>,
      tpu.vector_store %arg6[%parallel_loop3A_304, %parallel_loop3A_305], %parallel_loop3A_303 {strides = array<i32>} : memref<512x128xi32, #tpu.memory_space<vmem>>, vector<16xi32>,
      %parallel_loop3A_307 = arith.constant 0 : i32
      %parallel_loop3A_308 = vector.broadcast %parallel_loop3A_307 : i32 to vector<16xi32>
      %parallel_loop3A_309 = arith.index_cast %parallel_loop3A_296 : i32 to index
      %parallel_loop3A_310 = arith.constant 32 : index
      %parallel_loop3A_311 = tpu.vector_load %arg6[%parallel_loop3A_309, %parallel_loop3A_310] {strides = array<i32>} : memref<512x128xi32, #tpu.memory_space<vmem>>, vector<16xi32>,
      tpu.vector_store %arg6[%parallel_loop3A_309, %parallel_loop3A_310], %parallel_loop3A_308 {strides = array<i32>} : memref<512x128xi32, #tpu.memory_space<vmem>>, vector<16xi32>,
      %parallel_loop3A_312 = arith.constant 0 : i32
      %parallel_loop3A_313 = vector.broadcast %parallel_loop3A_312 : i32 to vector<16xi32>
      %parallel_loop3A_314 = arith.index_cast %parallel_loop3A_296 : i32 to index
      %parallel_loop3A_315 = arith.constant 48 : index
      %parallel_loop3A_316 = tpu.vector_load %arg6[%parallel_loop3A_314, %parallel_loop3A_315] {strides = array<i32>} : memref<512x128xi32, #tpu.memory_space<vmem>>, vector<16xi32>,
      tpu.vector_store %arg6[%parallel_loop3A_314, %parallel_loop3A_315], %parallel_loop3A_313 {strides = array<i32>} : memref<512x128xi32, #tpu.memory_space<vmem>>, vector<16xi32>,
      %parallel_loop3A_317 = arith.constant 0 : i32
      %parallel_loop3A_318 = vector.broadcast %parallel_loop3A_317 : i32 to vector<16xi32>
      %parallel_loop3A_319 = arith.index_cast %parallel_loop3A_296 : i32 to index
      %parallel_loop3A_320 = arith.constant 64 : index
      %parallel_loop3A_321 = tpu.vector_load %arg6[%parallel_loop3A_319, %parallel_loop3A_320] {strides = array<i32>} : memref<512x128xi32, #tpu.memory_space<vmem>>, vector<16xi32>,
      tpu.vector_store %arg6[%parallel_loop3A_319, %parallel_loop3A_320], %parallel_loop3A_318 {strides = array<i32>} : memref<512x128xi32, #tpu.memory_space<vmem>>, vector<16xi32>,
      %parallel_loop3A_322 = arith.constant 0 : i32
      %parallel_loop3A_323 = vector.broadcast %parallel_loop3A_322 : i32 to vector<16xi32>
      %parallel_loop3A_324 = arith.index_cast %parallel_loop3A_296 : i32 to index
      %parallel_loop3A_325 = arith.constant 80 : index
      %parallel_loop3A_326 = tpu.vector_load %arg6[%parallel_loop3A_324, %parallel_loop3A_325] {strides = array<i32>} : memref<512x128xi32, #tpu.memory_space<vmem>>, vector<16xi32>,
      tpu.vector_store %arg6[%parallel_loop3A_324, %parallel_loop3A_325], %parallel_loop3A_323 {strides = array<i32>} : memref<512x128xi32, #tpu.memory_space<vmem>>, vector<16xi32>,
      %parallel_loop3A_327 = arith.constant 0 : i32
      %parallel_loop3A_328 = vector.broadcast %parallel_loop3A_327 : i32 to vector<16xi32>
      %parallel_loop3A_329 = arith.index_cast %parallel_loop3A_296 : i32 to index
      %parallel_loop3A_330 = arith.constant 96 : index
      %parallel_loop3A_331 = tpu.vector_load %arg6[%parallel_loop3A_329, %parallel_loop3A_330] {strides = array<i32>} : memref<512x128xi32, #tpu.memory_space<vmem>>, vector<16xi32>,
      tpu.vector_store %arg6[%parallel_loop3A_329, %parallel_loop3A_330], %parallel_loop3A_328 {strides = array<i32>} : memref<512x128xi32, #tpu.memory_space<vmem>>, vector<16xi32>,
      %parallel_loop3A_332 = arith.constant 0 : i32
      %parallel_loop3A_333 = vector.broadcast %parallel_loop3A_332 : i32 to vector<16xi32>
      %parallel_loop3A_334 = arith.index_cast %parallel_loop3A_296 : i32 to index
      %parallel_loop3A_335 = arith.constant 112 : index
      %parallel_loop3A_336 = tpu.vector_load %arg6[%parallel_loop3A_334, %parallel_loop3A_335] {strides = array<i32>} : memref<512x128xi32, #tpu.memory_space<vmem>>, vector<16xi32>,
      tpu.vector_store %arg6[%parallel_loop3A_334, %parallel_loop3A_335], %parallel_loop3A_333 {strides = array<i32>} : memref<512x128xi32, #tpu.memory_space<vmem>>, vector<16xi32>,
    } {sc.loop_unroll_factor = 4 : i64, sc.parallel_access}
    %iota3A = tpu.iota {dimensions = array<i32: 0>} : vector<16xi32>
    %add3A_22 = arith.constant 0 : i32
    %add3A_23 = vector.broadcast %add3A_22 : i32 to vector<16xi32>
    %add3A_24 = arith.addi %iota3A, %add3A_23 : vector<16xi32>
    %swap3A = arith.constant 0 : i32
    %swap3A_25 = arith.index_cast %swap3A : i32 to index
    %swap3A_26 = arith.constant 0 : index
    %swap3A_27 = tpu.vector_load %arg7[%swap3A_25, %swap3A_26] {strides = array<i32>} : memref<4x128xi32, #tpu.memory_space<vmem>>, vector<16xi32>,
    tpu.vector_store %arg7[%swap3A_25, %swap3A_26], %add3A_24 {strides = array<i32>} : memref<4x128xi32, #tpu.memory_space<vmem>>, vector<16xi32>,
    %iota3A_28 = tpu.iota {dimensions = array<i32: 0>} : vector<16xi32>
    %add3A_29 = arith.constant 16 : i32
    %add3A_30 = vector.broadcast %add3A_29 : i32 to vector<16xi32>
    %add3A_31 = arith.addi %iota3A_28, %add3A_30 : vector<16xi32>
    %swap3A_32 = arith.constant 0 : i32
    %swap3A_33 = arith.index_cast %swap3A_32 : i32 to index
    %swap3A_34 = arith.constant 16 : index
    %swap3A_35 = tpu.vector_load %arg7[%swap3A_33, %swap3A_34] {strides = array<i32>} : memref<4x128xi32, #tpu.memory_space<vmem>>, vector<16xi32>,
    tpu.vector_store %arg7[%swap3A_33, %swap3A_34], %add3A_31 {strides = array<i32>} : memref<4x128xi32, #tpu.memory_space<vmem>>, vector<16xi32>,
    %iota3A_36 = tpu.iota {dimensions = array<i32: 0>} : vector<16xi32>
    %add3A_37 = arith.constant 32 : i32
    %add3A_38 = vector.broadcast %add3A_37 : i32 to vector<16xi32>
    %add3A_39 = arith.addi %iota3A_36, %add3A_38 : vector<16xi32>
    %swap3A_40 = arith.constant 0 : i32
    %swap3A_41 = arith.index_cast %swap3A_40 : i32 to index
    %swap3A_42 = arith.constant 32 : index
    %swap3A_43 = tpu.vector_load %arg7[%swap3A_41, %swap3A_42] {strides = array<i32>} : memref<4x128xi32, #tpu.memory_space<vmem>>, vector<16xi32>,
    tpu.vector_store %arg7[%swap3A_41, %swap3A_42], %add3A_39 {strides = array<i32>} : memref<4x128xi32, #tpu.memory_space<vmem>>, vector<16xi32>,
    %iota3A_44 = tpu.iota {dimensions = array<i32: 0>} : vector<16xi32>
    %add3A_45 = arith.constant 48 : i32
    %add3A_46 = vector.broadcast %add3A_45 : i32 to vector<16xi32>
    %add3A_47 = arith.addi %iota3A_44, %add3A_46 : vector<16xi32>
    %swap3A_48 = arith.constant 0 : i32
    %swap3A_49 = arith.index_cast %swap3A_48 : i32 to index
    %swap3A_50 = arith.constant 48 : index
    %swap3A_51 = tpu.vector_load %arg7[%swap3A_49, %swap3A_50] {strides = array<i32>} : memref<4x128xi32, #tpu.memory_space<vmem>>, vector<16xi32>,
    tpu.vector_store %arg7[%swap3A_49, %swap3A_50], %add3A_47 {strides = array<i32>} : memref<4x128xi32, #tpu.memory_space<vmem>>, vector<16xi32>,
    %iota3A_52 = tpu.iota {dimensions = array<i32: 0>} : vector<16xi32>
    %add3A_53 = arith.constant 64 : i32
    %add3A_54 = vector.broadcast %add3A_53 : i32 to vector<16xi32>
    %add3A_55 = arith.addi %iota3A_52, %add3A_54 : vector<16xi32>
    %swap3A_56 = arith.constant 0 : i32
    %swap3A_57 = arith.index_cast %swap3A_56 : i32 to index
    %swap3A_58 = arith.constant 64 : index
    %swap3A_59 = tpu.vector_load %arg7[%swap3A_57, %swap3A_58] {strides = array<i32>} : memref<4x128xi32, #tpu.memory_space<vmem>>, vector<16xi32>,
    tpu.vector_store %arg7[%swap3A_57, %swap3A_58], %add3A_55 {strides = array<i32>} : memref<4x128xi32, #tpu.memory_space<vmem>>, vector<16xi32>,
    %iota3A_60 = tpu.iota {dimensions = array<i32: 0>} : vector<16xi32>
    %add3A_61 = arith.constant 80 : i32
    %add3A_62 = vector.broadcast %add3A_61 : i32 to vector<16xi32>
    %add3A_63 = arith.addi %iota3A_60, %add3A_62 : vector<16xi32>
    %swap3A_64 = arith.constant 0 : i32
    %swap3A_65 = arith.index_cast %swap3A_64 : i32 to index
    %swap3A_66 = arith.constant 80 : index
    %swap3A_67 = tpu.vector_load %arg7[%swap3A_65, %swap3A_66] {strides = array<i32>} : memref<4x128xi32, #tpu.memory_space<vmem>>, vector<16xi32>,
    tpu.vector_store %arg7[%swap3A_65, %swap3A_66], %add3A_63 {strides = array<i32>} : memref<4x128xi32, #tpu.memory_space<vmem>>, vector<16xi32>,
    %iota3A_68 = tpu.iota {dimensions = array<i32: 0>} : vector<16xi32>
    %add3A_69 = arith.constant 96 : i32
    %add3A_70 = vector.broadcast %add3A_69 : i32 to vector<16xi32>
    %add3A_71 = arith.addi %iota3A_68, %add3A_70 : vector<16xi32>
    %swap3A_72 = arith.constant 0 : i32
    %swap3A_73 = arith.index_cast %swap3A_72 : i32 to index
    %swap3A_74 = arith.constant 96 : index
    %swap3A_75 = tpu.vector_load %arg7[%swap3A_73, %swap3A_74] {strides = array<i32>} : memref<4x128xi32, #tpu.memory_space<vmem>>, vector<16xi32>,
    tpu.vector_store %arg7[%swap3A_73, %swap3A_74], %add3A_71 {strides = array<i32>} : memref<4x128xi32, #tpu.memory_space<vmem>>, vector<16xi32>,
    %iota3A_76 = tpu.iota {dimensions = array<i32: 0>} : vector<16xi32>
    %add3A_77 = arith.constant 112 : i32
    %add3A_78 = vector.broadcast %add3A_77 : i32 to vector<16xi32>
    %add3A_79 = arith.addi %iota3A_76, %add3A_78 : vector<16xi32>
    %swap3A_80 = arith.constant 0 : i32
    %swap3A_81 = arith.index_cast %swap3A_80 : i32 to index
    %swap3A_82 = arith.constant 112 : index
    %swap3A_83 = tpu.vector_load %arg7[%swap3A_81, %swap3A_82] {strides = array<i32>} : memref<4x128xi32, #tpu.memory_space<vmem>>, vector<16xi32>,
    tpu.vector_store %arg7[%swap3A_81, %swap3A_82], %add3A_79 {strides = array<i32>} : memref<4x128xi32, #tpu.memory_space<vmem>>, vector<16xi32>,
    %iota3A_84 = tpu.iota {dimensions = array<i32: 0>} : vector<16xi32>
    %add3A_85 = arith.constant 128 : i32
    %add3A_86 = vector.broadcast %add3A_85 : i32 to vector<16xi32>
    %add3A_87 = arith.addi %iota3A_84, %add3A_86 : vector<16xi32>
    %swap3A_88 = arith.constant 1 : i32
    %swap3A_89 = arith.index_cast %swap3A_88 : i32 to index
    %swap3A_90 = arith.constant 0 : index
    %swap3A_91 = tpu.vector_load %arg7[%swap3A_89, %swap3A_90] {strides = array<i32>} : memref<4x128xi32, #tpu.memory_space<vmem>>, vector<16xi32>,
    tpu.vector_store %arg7[%swap3A_89, %swap3A_90], %add3A_87 {strides = array<i32>} : memref<4x128xi32, #tpu.memory_space<vmem>>, vector<16xi32>,
    %iota3A_92 = tpu.iota {dimensions = array<i32: 0>} : vector<16xi32>
    %add3A_93 = arith.constant 144 : i32
    %add3A_94 = vector.broadcast %add3A_93 : i32 to vector<16xi32>
    %add3A_95 = arith.addi %iota3A_92, %add3A_94 : vector<16xi32>
    %swap3A_96 = arith.constant 1 : i32
    %swap3A_97 = arith.index_cast %swap3A_96 : i32 to index
    %swap3A_98 = arith.constant 16 : index
    %swap3A_99 = tpu.vector_load %arg7[%swap3A_97, %swap3A_98] {strides = array<i32>} : memref<4x128xi32, #tpu.memory_space<vmem>>, vector<16xi32>,
    tpu.vector_store %arg7[%swap3A_97, %swap3A_98], %add3A_95 {strides = array<i32>} : memref<4x128xi32, #tpu.memory_space<vmem>>, vector<16xi32>,
    %iota3A_100 = tpu.iota {dimensions = array<i32: 0>} : vector<16xi32>
    %add3A_101 = arith.constant 160 : i32
    %add3A_102 = vector.broadcast %add3A_101 : i32 to vector<16xi32>
    %add3A_103 = arith.addi %iota3A_100, %add3A_102 : vector<16xi32>
    %swap3A_104 = arith.constant 1 : i32
    %swap3A_105 = arith.index_cast %swap3A_104 : i32 to index
    %swap3A_106 = arith.constant 32 : index
    %swap3A_107 = tpu.vector_load %arg7[%swap3A_105, %swap3A_106] {strides = array<i32>} : memref<4x128xi32, #tpu.memory_space<vmem>>, vector<16xi32>,
    tpu.vector_store %arg7[%swap3A_105, %swap3A_106], %add3A_103 {strides = array<i32>} : memref<4x128xi32, #tpu.memory_space<vmem>>, vector<16xi32>,
    %iota3A_108 = tpu.iota {dimensions = array<i32: 0>} : vector<16xi32>
    %add3A_109 = arith.constant 176 : i32
    %add3A_110 = vector.broadcast %add3A_109 : i32 to vector<16xi32>
    %add3A_111 = arith.addi %iota3A_108, %add3A_110 : vector<16xi32>
    %swap3A_112 = arith.constant 1 : i32
    %swap3A_113 = arith.index_cast %swap3A_112 : i32 to index
    %swap3A_114 = arith.constant 48 : index
    %swap3A_115 = tpu.vector_load %arg7[%swap3A_113, %swap3A_114] {strides = array<i32>} : memref<4x128xi32, #tpu.memory_space<vmem>>, vector<16xi32>,
    tpu.vector_store %arg7[%swap3A_113, %swap3A_114], %add3A_111 {strides = array<i32>} : memref<4x128xi32, #tpu.memory_space<vmem>>, vector<16xi32>,
    %iota3A_116 = tpu.iota {dimensions = array<i32: 0>} : vector<16xi32>
    %add3A_117 = arith.constant 192 : i32
    %add3A_118 = vector.broadcast %add3A_117 : i32 to vector<16xi32>
    %add3A_119 = arith.addi %iota3A_116, %add3A_118 : vector<16xi32>
    %swap3A_120 = arith.constant 1 : i32
    %swap3A_121 = arith.index_cast %swap3A_120 : i32 to index
    %swap3A_122 = arith.constant 64 : index
    %swap3A_123 = tpu.vector_load %arg7[%swap3A_121, %swap3A_122] {strides = array<i32>} : memref<4x128xi32, #tpu.memory_space<vmem>>, vector<16xi32>,
    tpu.vector_store %arg7[%swap3A_121, %swap3A_122], %add3A_119 {strides = array<i32>} : memref<4x128xi32, #tpu.memory_space<vmem>>, vector<16xi32>,
    %iota3A_124 = tpu.iota {dimensions = array<i32: 0>} : vector<16xi32>
    %add3A_125 = arith.constant 208 : i32
    %add3A_126 = vector.broadcast %add3A_125 : i32 to vector<16xi32>
    %add3A_127 = arith.addi %iota3A_124, %add3A_126 : vector<16xi32>
    %swap3A_128 = arith.constant 1 : i32
    %swap3A_129 = arith.index_cast %swap3A_128 : i32 to index
    %swap3A_130 = arith.constant 80 : index
    %swap3A_131 = tpu.vector_load %arg7[%swap3A_129, %swap3A_130] {strides = array<i32>} : memref<4x128xi32, #tpu.memory_space<vmem>>, vector<16xi32>,
    tpu.vector_store %arg7[%swap3A_129, %swap3A_130], %add3A_127 {strides = array<i32>} : memref<4x128xi32, #tpu.memory_space<vmem>>, vector<16xi32>,
    %iota3A_132 = tpu.iota {dimensions = array<i32: 0>} : vector<16xi32>
    %add3A_133 = arith.constant 224 : i32
    %add3A_134 = vector.broadcast %add3A_133 : i32 to vector<16xi32>
    %add3A_135 = arith.addi %iota3A_132, %add3A_134 : vector<16xi32>
    %swap3A_136 = arith.constant 1 : i32
    %swap3A_137 = arith.index_cast %swap3A_136 : i32 to index
    %swap3A_138 = arith.constant 96 : index
    %swap3A_139 = tpu.vector_load %arg7[%swap3A_137, %swap3A_138] {strides = array<i32>} : memref<4x128xi32, #tpu.memory_space<vmem>>, vector<16xi32>,
    tpu.vector_store %arg7[%swap3A_137, %swap3A_138], %add3A_135 {strides = array<i32>} : memref<4x128xi32, #tpu.memory_space<vmem>>, vector<16xi32>,
    %iota3A_140 = tpu.iota {dimensions = array<i32: 0>} : vector<16xi32>
    %add3A_141 = arith.constant 240 : i32
    %add3A_142 = vector.broadcast %add3A_141 : i32 to vector<16xi32>
    %add3A_143 = arith.addi %iota3A_140, %add3A_142 : vector<16xi32>
    %swap3A_144 = arith.constant 1 : i32
    %swap3A_145 = arith.index_cast %swap3A_144 : i32 to index
    %swap3A_146 = arith.constant 112 : index
    %swap3A_147 = tpu.vector_load %arg7[%swap3A_145, %swap3A_146] {strides = array<i32>} : memref<4x128xi32, #tpu.memory_space<vmem>>, vector<16xi32>,
    tpu.vector_store %arg7[%swap3A_145, %swap3A_146], %add3A_143 {strides = array<i32>} : memref<4x128xi32, #tpu.memory_space<vmem>>, vector<16xi32>,
    %iota3A_148 = tpu.iota {dimensions = array<i32: 0>} : vector<16xi32>
    %add3A_149 = arith.constant 256 : i32
    %add3A_150 = vector.broadcast %add3A_149 : i32 to vector<16xi32>
    %add3A_151 = arith.addi %iota3A_148, %add3A_150 : vector<16xi32>
    %swap3A_152 = arith.constant 2 : i32
    %swap3A_153 = arith.index_cast %swap3A_152 : i32 to index
    %swap3A_154 = arith.constant 0 : index
    %swap3A_155 = tpu.vector_load %arg7[%swap3A_153, %swap3A_154] {strides = array<i32>} : memref<4x128xi32, #tpu.memory_space<vmem>>, vector<16xi32>,
    tpu.vector_store %arg7[%swap3A_153, %swap3A_154], %add3A_151 {strides = array<i32>} : memref<4x128xi32, #tpu.memory_space<vmem>>, vector<16xi32>,
    %iota3A_156 = tpu.iota {dimensions = array<i32: 0>} : vector<16xi32>
    %add3A_157 = arith.constant 272 : i32
    %add3A_158 = vector.broadcast %add3A_157 : i32 to vector<16xi32>
    %add3A_159 = arith.addi %iota3A_156, %add3A_158 : vector<16xi32>
    %swap3A_160 = arith.constant 2 : i32
    %swap3A_161 = arith.index_cast %swap3A_160 : i32 to index
    %swap3A_162 = arith.constant 16 : index
    %swap3A_163 = tpu.vector_load %arg7[%swap3A_161, %swap3A_162] {strides = array<i32>} : memref<4x128xi32, #tpu.memory_space<vmem>>, vector<16xi32>,
    tpu.vector_store %arg7[%swap3A_161, %swap3A_162], %add3A_159 {strides = array<i32>} : memref<4x128xi32, #tpu.memory_space<vmem>>, vector<16xi32>,
    %iota3A_164 = tpu.iota {dimensions = array<i32: 0>} : vector<16xi32>
    %add3A_165 = arith.constant 288 : i32
    %add3A_166 = vector.broadcast %add3A_165 : i32 to vector<16xi32>
    %add3A_167 = arith.addi %iota3A_164, %add3A_166 : vector<16xi32>
    %swap3A_168 = arith.constant 2 : i32
    %swap3A_169 = arith.index_cast %swap3A_168 : i32 to index
    %swap3A_170 = arith.constant 32 : index
    %swap3A_171 = tpu.vector_load %arg7[%swap3A_169, %swap3A_170] {strides = array<i32>} : memref<4x128xi32, #tpu.memory_space<vmem>>, vector<16xi32>,
    tpu.vector_store %arg7[%swap3A_169, %swap3A_170], %add3A_167 {strides = array<i32>} : memref<4x128xi32, #tpu.memory_space<vmem>>, vector<16xi32>,
    %iota3A_172 = tpu.iota {dimensions = array<i32: 0>} : vector<16xi32>
    %add3A_173 = arith.constant 304 : i32
    %add3A_174 = vector.broadcast %add3A_173 : i32 to vector<16xi32>
    %add3A_175 = arith.addi %iota3A_172, %add3A_174 : vector<16xi32>
    %swap3A_176 = arith.constant 2 : i32
    %swap3A_177 = arith.index_cast %swap3A_176 : i32 to index
    %swap3A_178 = arith.constant 48 : index
    %swap3A_179 = tpu.vector_load %arg7[%swap3A_177, %swap3A_178] {strides = array<i32>} : memref<4x128xi32, #tpu.memory_space<vmem>>, vector<16xi32>,
    tpu.vector_store %arg7[%swap3A_177, %swap3A_178], %add3A_175 {strides = array<i32>} : memref<4x128xi32, #tpu.memory_space<vmem>>, vector<16xi32>,
    %iota3A_180 = tpu.iota {dimensions = array<i32: 0>} : vector<16xi32>
    %add3A_181 = arith.constant 320 : i32
    %add3A_182 = vector.broadcast %add3A_181 : i32 to vector<16xi32>
    %add3A_183 = arith.addi %iota3A_180, %add3A_182 : vector<16xi32>
    %swap3A_184 = arith.constant 2 : i32
    %swap3A_185 = arith.index_cast %swap3A_184 : i32 to index
    %swap3A_186 = arith.constant 64 : index
    %swap3A_187 = tpu.vector_load %arg7[%swap3A_185, %swap3A_186] {strides = array<i32>} : memref<4x128xi32, #tpu.memory_space<vmem>>, vector<16xi32>,
    tpu.vector_store %arg7[%swap3A_185, %swap3A_186], %add3A_183 {strides = array<i32>} : memref<4x128xi32, #tpu.memory_space<vmem>>, vector<16xi32>,
    %iota3A_188 = tpu.iota {dimensions = array<i32: 0>} : vector<16xi32>
    %add3A_189 = arith.constant 336 : i32
    %add3A_190 = vector.broadcast %add3A_189 : i32 to vector<16xi32>
    %add3A_191 = arith.addi %iota3A_188, %add3A_190 : vector<16xi32>
    %swap3A_192 = arith.constant 2 : i32
    %swap3A_193 = arith.index_cast %swap3A_192 : i32 to index
    %swap3A_194 = arith.constant 80 : index
    %swap3A_195 = tpu.vector_load %arg7[%swap3A_193, %swap3A_194] {strides = array<i32>} : memref<4x128xi32, #tpu.memory_space<vmem>>, vector<16xi32>,
    tpu.vector_store %arg7[%swap3A_193, %swap3A_194], %add3A_191 {strides = array<i32>} : memref<4x128xi32, #tpu.memory_space<vmem>>, vector<16xi32>,
    %iota3A_196 = tpu.iota {dimensions = array<i32: 0>} : vector<16xi32>
    %add3A_197 = arith.constant 352 : i32
    %add3A_198 = vector.broadcast %add3A_197 : i32 to vector<16xi32>
    %add3A_199 = arith.addi %iota3A_196, %add3A_198 : vector<16xi32>
    %swap3A_200 = arith.constant 2 : i32
    %swap3A_201 = arith.index_cast %swap3A_200 : i32 to index
    %swap3A_202 = arith.constant 96 : index
    %swap3A_203 = tpu.vector_load %arg7[%swap3A_201, %swap3A_202] {strides = array<i32>} : memref<4x128xi32, #tpu.memory_space<vmem>>, vector<16xi32>,
    tpu.vector_store %arg7[%swap3A_201, %swap3A_202], %add3A_199 {strides = array<i32>} : memref<4x128xi32, #tpu.memory_space<vmem>>, vector<16xi32>,
    %iota3A_204 = tpu.iota {dimensions = array<i32: 0>} : vector<16xi32>
    %add3A_205 = arith.constant 368 : i32
    %add3A_206 = vector.broadcast %add3A_205 : i32 to vector<16xi32>
    %add3A_207 = arith.addi %iota3A_204, %add3A_206 : vector<16xi32>
    %swap3A_208 = arith.constant 2 : i32
    %swap3A_209 = arith.index_cast %swap3A_208 : i32 to index
    %swap3A_210 = arith.constant 112 : index
    %swap3A_211 = tpu.vector_load %arg7[%swap3A_209, %swap3A_210] {strides = array<i32>} : memref<4x128xi32, #tpu.memory_space<vmem>>, vector<16xi32>,
    tpu.vector_store %arg7[%swap3A_209, %swap3A_210], %add3A_207 {strides = array<i32>} : memref<4x128xi32, #tpu.memory_space<vmem>>, vector<16xi32>,
    %iota3A_212 = tpu.iota {dimensions = array<i32: 0>} : vector<16xi32>
    %add3A_213 = arith.constant 384 : i32
    %add3A_214 = vector.broadcast %add3A_213 : i32 to vector<16xi32>
    %add3A_215 = arith.addi %iota3A_212, %add3A_214 : vector<16xi32>
    %swap3A_216 = arith.constant 3 : i32
    %swap3A_217 = arith.index_cast %swap3A_216 : i32 to index
    %swap3A_218 = arith.constant 0 : index
    %swap3A_219 = tpu.vector_load %arg7[%swap3A_217, %swap3A_218] {strides = array<i32>} : memref<4x128xi32, #tpu.memory_space<vmem>>, vector<16xi32>,
    tpu.vector_store %arg7[%swap3A_217, %swap3A_218], %add3A_215 {strides = array<i32>} : memref<4x128xi32, #tpu.memory_space<vmem>>, vector<16xi32>,
    %iota3A_220 = tpu.iota {dimensions = array<i32: 0>} : vector<16xi32>
    %add3A_221 = arith.constant 400 : i32
    %add3A_222 = vector.broadcast %add3A_221 : i32 to vector<16xi32>
    %add3A_223 = arith.addi %iota3A_220, %add3A_222 : vector<16xi32>
    %swap3A_224 = arith.constant 3 : i32
    %swap3A_225 = arith.index_cast %swap3A_224 : i32 to index
    %swap3A_226 = arith.constant 16 : index
    %swap3A_227 = tpu.vector_load %arg7[%swap3A_225, %swap3A_226] {strides = array<i32>} : memref<4x128xi32, #tpu.memory_space<vmem>>, vector<16xi32>,
    tpu.vector_store %arg7[%swap3A_225, %swap3A_226], %add3A_223 {strides = array<i32>} : memref<4x128xi32, #tpu.memory_space<vmem>>, vector<16xi32>,
    %iota3A_228 = tpu.iota {dimensions = array<i32: 0>} : vector<16xi32>
    %add3A_229 = arith.constant 416 : i32
    %add3A_230 = vector.broadcast %add3A_229 : i32 to vector<16xi32>
    %add3A_231 = arith.addi %iota3A_228, %add3A_230 : vector<16xi32>
    %swap3A_232 = arith.constant 3 : i32
    %swap3A_233 = arith.index_cast %swap3A_232 : i32 to index
    %swap3A_234 = arith.constant 32 : index
    %swap3A_235 = tpu.vector_load %arg7[%swap3A_233, %swap3A_234] {strides = array<i32>} : memref<4x128xi32, #tpu.memory_space<vmem>>, vector<16xi32>,
    tpu.vector_store %arg7[%swap3A_233, %swap3A_234], %add3A_231 {strides = array<i32>} : memref<4x128xi32, #tpu.memory_space<vmem>>, vector<16xi32>,
    %iota3A_236 = tpu.iota {dimensions = array<i32: 0>} : vector<16xi32>
    %add3A_237 = arith.constant 432 : i32
    %add3A_238 = vector.broadcast %add3A_237 : i32 to vector<16xi32>
    %add3A_239 = arith.addi %iota3A_236, %add3A_238 : vector<16xi32>
    %swap3A_240 = arith.constant 3 : i32
    %swap3A_241 = arith.index_cast %swap3A_240 : i32 to index
    %swap3A_242 = arith.constant 48 : index
    %swap3A_243 = tpu.vector_load %arg7[%swap3A_241, %swap3A_242] {strides = array<i32>} : memref<4x128xi32, #tpu.memory_space<vmem>>, vector<16xi32>,
    tpu.vector_store %arg7[%swap3A_241, %swap3A_242], %add3A_239 {strides = array<i32>} : memref<4x128xi32, #tpu.memory_space<vmem>>, vector<16xi32>,
    %iota3A_244 = tpu.iota {dimensions = array<i32: 0>} : vector<16xi32>
    %add3A_245 = arith.constant 448 : i32
    %add3A_246 = vector.broadcast %add3A_245 : i32 to vector<16xi32>
    %add3A_247 = arith.addi %iota3A_244, %add3A_246 : vector<16xi32>
    %swap3A_248 = arith.constant 3 : i32
    %swap3A_249 = arith.index_cast %swap3A_248 : i32 to index
    %swap3A_250 = arith.constant 64 : index
    %swap3A_251 = tpu.vector_load %arg7[%swap3A_249, %swap3A_250] {strides = array<i32>} : memref<4x128xi32, #tpu.memory_space<vmem>>, vector<16xi32>,
    tpu.vector_store %arg7[%swap3A_249, %swap3A_250], %add3A_247 {strides = array<i32>} : memref<4x128xi32, #tpu.memory_space<vmem>>, vector<16xi32>,
    %iota3A_252 = tpu.iota {dimensions = array<i32: 0>} : vector<16xi32>
    %add3A_253 = arith.constant 464 : i32
    %add3A_254 = vector.broadcast %add3A_253 : i32 to vector<16xi32>
    %add3A_255 = arith.addi %iota3A_252, %add3A_254 : vector<16xi32>
    %swap3A_256 = arith.constant 3 : i32
    %swap3A_257 = arith.index_cast %swap3A_256 : i32 to index
    %swap3A_258 = arith.constant 80 : index
    %swap3A_259 = tpu.vector_load %arg7[%swap3A_257, %swap3A_258] {strides = array<i32>} : memref<4x128xi32, #tpu.memory_space<vmem>>, vector<16xi32>,
    tpu.vector_store %arg7[%swap3A_257, %swap3A_258], %add3A_255 {strides = array<i32>} : memref<4x128xi32, #tpu.memory_space<vmem>>, vector<16xi32>,
    %iota3A_260 = tpu.iota {dimensions = array<i32: 0>} : vector<16xi32>
    %add3A_261 = arith.constant 480 : i32
    %add3A_262 = vector.broadcast %add3A_261 : i32 to vector<16xi32>
    %add3A_263 = arith.addi %iota3A_260, %add3A_262 : vector<16xi32>
    %swap3A_264 = arith.constant 3 : i32
    %swap3A_265 = arith.index_cast %swap3A_264 : i32 to index
    %swap3A_266 = arith.constant 96 : index
    %swap3A_267 = tpu.vector_load %arg7[%swap3A_265, %swap3A_266] {strides = array<i32>} : memref<4x128xi32, #tpu.memory_space<vmem>>, vector<16xi32>,
    tpu.vector_store %arg7[%swap3A_265, %swap3A_266], %add3A_263 {strides = array<i32>} : memref<4x128xi32, #tpu.memory_space<vmem>>, vector<16xi32>,
    %iota3A_268 = tpu.iota {dimensions = array<i32: 0>} : vector<16xi32>
    %add3A_269 = arith.constant 496 : i32
    %add3A_270 = vector.broadcast %add3A_269 : i32 to vector<16xi32>
    %add3A_271 = arith.addi %iota3A_268, %add3A_270 : vector<16xi32>
    %swap3A_272 = arith.constant 3 : i32
    %swap3A_273 = arith.index_cast %swap3A_272 : i32 to index
    %swap3A_274 = arith.constant 112 : index
    %swap3A_275 = tpu.vector_load %arg7[%swap3A_273, %swap3A_274] {strides = array<i32>} : memref<4x128xi32, #tpu.memory_space<vmem>>, vector<16xi32>,
    tpu.vector_store %arg7[%swap3A_273, %swap3A_274], %add3A_271 {strides = array<i32>} : memref<4x128xi32, #tpu.memory_space<vmem>>, vector<16xi32>,
    %eq3A = arith.constant 0 : i32
    %eq3A_276 = arith.cmpi eq, %arg1, %eq3A : i32
    %convert_element_type3A = arith.extui %eq3A_276 : i1 to i32
    %cond3A = arith.constant 0 : i32
    %cond3A_277 = arith.cmpi ne, %convert_element_type3A, %cond3A : i32
    scf.if %cond3A_277 {
      "tpu.region"() ({
        %run_scoped3A_296 = tpu.sem_alloc : memref<!tpu.dma_semaphore, #tpu.memory_space<semaphore_mem>>
        tpu.enqueue_dma source(%arg6 : memref<512x128xi32, #tpu.memory_space<vmem>>) target(%arg9 : memref<512x128xi32, #tpu.memory_space<vmem_shared>>) target_semaphore(%run_scoped3A_296 : memref<!tpu.dma_semaphore, #tpu.memory_space<semaphore_mem>>)
        tpu.wait_dma2 semaphore(%run_scoped3A_296 : memref<!tpu.dma_semaphore, #tpu.memory_space<semaphore_mem>>) src(%arg6 : memref<512x128xi32, #tpu.memory_space<vmem>>) dst(%arg9 : memref<512x128xi32, #tpu.memory_space<vmem_shared>>)
        tpu.yield
      }) : () -> ()
    } else {
    }
    %broadcast_in_dim3A = arith.constant 1 : i32
    %broadcast_in_dim3A_278 = vector.broadcast %broadcast_in_dim3A : i32 to vector<16xi32>
    %get3A = arith.constant 0 : index
    %get3A_279 = tpu.vector_load %arg8[%get3A] {strides = array<i32>} : memref<16xi32, #tpu.memory_space<vmem>>, vector<16xi32>,
    %scan3A = arith.constant 0 : i32
    %scan3A_280 = arith.constant 0 : i32
    %scan3A_281 = arith.constant 8 : i32
    %scan3A_282 = arith.addi %scan3A_280, %scan3A_281 : i32
    %scan3A_283 = arith.constant 1 : i32
    %scan3A_284 = scf.for %scan3A_296 = %scan3A_280 to %scan3A_282 step %scan3A_283 iter_args(%scan3A_297 = %scan3A) -> (i32)  : i32 {
      %mul3A_298 = arith.constant 2 : i32
      %mul3A_299 = arith.muli %scan3A_296, %mul3A_298 : i32
      %add3A_300 = arith.constant 1 : i32
      %add3A_301 = arith.addi %mul3A_299, %add3A_300 : i32
      %shift_right_logical3A_302 = arith.constant 2 : i32
      %shift_right_logical3A_303 = arith.shrui %add3A_301, %shift_right_logical3A_302 : i32
      %add3A_304 = arith.addi %mul3A_2, %shift_right_logical3A_303 : i32
      %and3A_305 = arith.constant 3 : i32
      %and3A_306 = arith.andi %add3A_301, %and3A_305 : i32
      %mul3A_307 = arith.constant 8192 : i32
      %mul3A_308 = arith.muli %and3A_306, %mul3A_307 : i32
      %dma_start3A_309 = arith.constant 1 : i32
      %dma_start3A_310 = arith.constant 0 : i32
      %dma_start3A_311 = tpu.memref_slice %arg5[%dma_start3A_309, %dma_start3A_310] : memref<2x8192xf32, #tpu.memory_space<vmem>> -> memref<1x8192xf32, #tpu.memory_space<vmem>>
      %dma_start3A_312 = tpu.memref_squeeze %dma_start3A_311 : memref<1x8192xf32, #tpu.memory_space<vmem>> -> memref<8192xf32, #tpu.memory_space<vmem>>
      %dma_start3A_313 = tpu.memref_slice %arg2[%add3A_304, %mul3A_308] : memref<128x32768xf32, #tpu.memory_space<hbm>> -> memref<1x8192xf32, #tpu.memory_space<hbm>>
      %dma_start3A_314 = tpu.memref_squeeze %dma_start3A_313 : memref<1x8192xf32, #tpu.memory_space<hbm>> -> memref<8192xf32, #tpu.memory_space<hbm>>
      %dma_start3A_315 = arith.constant 0 : i32
      %dma_start3A_316 = tpu.memref_slice %arg5[%dma_start3A_309, %dma_start3A_315] : memref<2x8192xf32, #tpu.memory_space<vmem>> -> memref<1x8192xf32, #tpu.memory_space<vmem>>
      %dma_start3A_317 = tpu.memref_squeeze %dma_start3A_316 : memref<1x8192xf32, #tpu.memory_space<vmem>> -> memref<8192xf32, #tpu.memory_space<vmem>>
      %dma_start3A_318 = tpu.memref_slice %arg2[%add3A_304, %mul3A_308] : memref<128x32768xf32, #tpu.memory_space<hbm>> -> memref<1x8192xf32, #tpu.memory_space<hbm>>
      %dma_start3A_319 = tpu.memref_squeeze %dma_start3A_318 : memref<1x8192xf32, #tpu.memory_space<hbm>> -> memref<8192xf32, #tpu.memory_space<hbm>>
      tpu.enqueue_dma source(%dma_start3A_319 : memref<8192xf32, #tpu.memory_space<hbm>>) target(%dma_start3A_317 : memref<8192xf32, #tpu.memory_space<vmem>>) target_semaphore(%arg11 : memref<!tpu.dma_semaphore, #tpu.memory_space<semaphore_mem>>)
      %dma_wait3A = arith.constant 0 : i32
      %dma_wait3A_320 = arith.constant 0 : i32
      %dma_wait3A_321 = tpu.memref_slice %arg5[%dma_wait3A, %dma_wait3A_320] : memref<2x8192xf32, #tpu.memory_space<vmem>> -> memref<1x8192xf32, #tpu.memory_space<vmem>>
      %dma_wait3A_322 = tpu.memref_squeeze %dma_wait3A_321 : memref<1x8192xf32, #tpu.memory_space<vmem>> -> memref<8192xf32, #tpu.memory_space<vmem>>
      %dma_wait3A_323 = arith.constant 0 : i32
      %dma_wait3A_324 = tpu.memref_slice %arg2[%mul3A_2, %dma_wait3A_323] : memref<128x32768xf32, #tpu.memory_space<hbm>> -> memref<1x8192xf32, #tpu.memory_space<hbm>>
      %dma_wait3A_325 = tpu.memref_squeeze %dma_wait3A_324 : memref<1x8192xf32, #tpu.memory_space<hbm>> -> memref<8192xf32, #tpu.memory_space<hbm>>
      %dma_wait3A_326 = arith.constant 0 : i32
      %dma_wait3A_327 = tpu.memref_slice %arg5[%dma_wait3A, %dma_wait3A_326] : memref<2x8192xf32, #tpu.memory_space<vmem>> -> memref<1x8192xf32, #tpu.memory_space<vmem>>
      %dma_wait3A_328 = tpu.memref_squeeze %dma_wait3A_327 : memref<1x8192xf32, #tpu.memory_space<vmem>> -> memref<8192xf32, #tpu.memory_space<vmem>>
      %dma_wait3A_329 = arith.constant 0 : i32
      %dma_wait3A_330 = tpu.memref_slice %arg2[%mul3A_2, %dma_wait3A_329] : memref<128x32768xf32, #tpu.memory_space<hbm>> -> memref<1x8192xf32, #tpu.memory_space<hbm>>
      %dma_wait3A_331 = tpu.memref_squeeze %dma_wait3A_330 : memref<1x8192xf32, #tpu.memory_space<hbm>> -> memref<8192xf32, #tpu.memory_space<hbm>>
      tpu.wait_dma2 semaphore(%arg10 : memref<!tpu.dma_semaphore, #tpu.memory_space<semaphore_mem>>) src(%dma_wait3A_331 : memref<8192xf32, #tpu.memory_space<hbm>>) dst(%dma_wait3A_328 : memref<8192xf32, #tpu.memory_space<vmem>>)
      %parallel_loop3A_332 = arith.constant 0 : i32
      %parallel_loop3A_333 = arith.constant 512 : i32
      %parallel_loop3A_334 = arith.constant 1 : i32
      scf.for %parallel_loop3A_356 = %parallel_loop3A_332 to %parallel_loop3A_333 step %parallel_loop3A_334  : i32 {
        %parallel_loop3A_357 = arith.constant 16 : i32
        %parallel_loop3A_358 = arith.muli %parallel_loop3A_356, %parallel_loop3A_357 : i32
        %parallel_loop3A_359 = arith.constant 0 : i32
        %parallel_loop3A_360 = arith.index_cast %parallel_loop3A_359 : i32 to index
        %parallel_loop3A_361 = arith.index_cast %parallel_loop3A_358 : i32 to index
        %parallel_loop3A_362 = tpu.vector_load %arg5[%parallel_loop3A_360, %parallel_loop3A_361] {strides = array<i32>} : memref<2x8192xf32, #tpu.memory_space<vmem>>, vector<16xf32>,
        %parallel_loop3A_363 = tpu.bitcast %parallel_loop3A_362 : vector<16xf32> -> vector<16xi32>
        %parallel_loop3A_364 = arith.constant 2147483647 : i32
        %parallel_loop3A_365 = vector.broadcast %parallel_loop3A_364 : i32 to vector<16xi32>
        %parallel_loop3A_366 = arith.andi %parallel_loop3A_363, %parallel_loop3A_365 : vector<16xi32>
        %parallel_loop3A_367 = arith.constant 16 : i32
        %parallel_loop3A_368 = vector.broadcast %parallel_loop3A_367 : i32 to vector<16xi32>
        %parallel_loop3A_369 = arith.shrui %parallel_loop3A_366, %parallel_loop3A_368 : vector<16xi32>
        %parallel_loop3A_370 = arith.cmpi eq, %parallel_loop3A_369, %get3A_279 : vector<16xi32>
        %parallel_loop3A_371 = arith.constant 7 : i32
        %parallel_loop3A_372 = vector.broadcast %parallel_loop3A_371 : i32 to vector<16xi32>
        %parallel_loop3A_373 = arith.shrui %parallel_loop3A_366, %parallel_loop3A_372 : vector<16xi32>
        %parallel_loop3A_374 = arith.constant 511 : i32
        %parallel_loop3A_375 = vector.broadcast %parallel_loop3A_374 : i32 to vector<16xi32>
        %parallel_loop3A_376 = arith.andi %parallel_loop3A_373, %parallel_loop3A_375 : vector<16xi32>
        %parallel_loop3A_377 = arith.constant 127 : i32
        %parallel_loop3A_378 = vector.broadcast %parallel_loop3A_377 : i32 to vector<16xi32>
        %parallel_loop3A_379 = arith.andi %parallel_loop3A_366, %parallel_loop3A_378 : vector<16xi32>
        tpu.vector_store_idx %arg6[%parallel_loop3A_376, %parallel_loop3A_379], %broadcast_in_dim3A_278 masked %parallel_loop3A_370 {add = true} : memref<512x128xi32, #tpu.memory_space<vmem>>[vector<16xi32>, vector<16xi32>], vector<16xi32>, vector<16xi1>
      } {sc.loop_unroll_factor = 16 : i64, sc.parallel_access}
      %lt3A = arith.constant 7 : i32
      %lt3A_335 = arith.cmpi slt, %scan3A_296, %lt3A : i32
      %convert_element_type3A_336 = arith.extui %lt3A_335 : i1 to i32
      %cond3A_337 = arith.constant 0 : i32
      %cond3A_338 = arith.cmpi ne, %convert_element_type3A_336, %cond3A_337 : i32
      scf.if %cond3A_338 {
        %mul3A_356 = arith.constant 2 : i32
        %mul3A_357 = arith.muli %scan3A_296, %mul3A_356 : i32
        %add3A_358 = arith.constant 2 : i32
        %add3A_359 = arith.addi %mul3A_357, %add3A_358 : i32
        %shift_right_logical3A_360 = arith.constant 2 : i32
        %shift_right_logical3A_361 = arith.shrui %add3A_359, %shift_right_logical3A_360 : i32
        %add3A_362 = arith.addi %mul3A_2, %shift_right_logical3A_361 : i32
        %and3A_363 = arith.constant 3 : i32
        %and3A_364 = arith.andi %add3A_359, %and3A_363 : i32
        %mul3A_365 = arith.constant 8192 : i32
        %mul3A_366 = arith.muli %and3A_364, %mul3A_365 : i32
        %dma_start3A_367 = arith.constant 0 : i32
        %dma_start3A_368 = arith.constant 0 : i32
        %dma_start3A_369 = tpu.memref_slice %arg5[%dma_start3A_367, %dma_start3A_368] : memref<2x8192xf32, #tpu.memory_space<vmem>> -> memref<1x8192xf32, #tpu.memory_space<vmem>>
        %dma_start3A_370 = tpu.memref_squeeze %dma_start3A_369 : memref<1x8192xf32, #tpu.memory_space<vmem>> -> memref<8192xf32, #tpu.memory_space<vmem>>
        %dma_start3A_371 = tpu.memref_slice %arg2[%add3A_362, %mul3A_366] : memref<128x32768xf32, #tpu.memory_space<hbm>> -> memref<1x8192xf32, #tpu.memory_space<hbm>>
        %dma_start3A_372 = tpu.memref_squeeze %dma_start3A_371 : memref<1x8192xf32, #tpu.memory_space<hbm>> -> memref<8192xf32, #tpu.memory_space<hbm>>
        %dma_start3A_373 = arith.constant 0 : i32
        %dma_start3A_374 = tpu.memref_slice %arg5[%dma_start3A_367, %dma_start3A_373] : memref<2x8192xf32, #tpu.memory_space<vmem>> -> memref<1x8192xf32, #tpu.memory_space<vmem>>
        %dma_start3A_375 = tpu.memref_squeeze %dma_start3A_374 : memref<1x8192xf32, #tpu.memory_space<vmem>> -> memref<8192xf32, #tpu.memory_space<vmem>>
        %dma_start3A_376 = tpu.memref_slice %arg2[%add3A_362, %mul3A_366] : memref<128x32768xf32, #tpu.memory_space<hbm>> -> memref<1x8192xf32, #tpu.memory_space<hbm>>
        %dma_start3A_377 = tpu.memref_squeeze %dma_start3A_376 : memref<1x8192xf32, #tpu.memory_space<hbm>> -> memref<8192xf32, #tpu.memory_space<hbm>>
        tpu.enqueue_dma source(%dma_start3A_377 : memref<8192xf32, #tpu.memory_space<hbm>>) target(%dma_start3A_375 : memref<8192xf32, #tpu.memory_space<vmem>>) target_semaphore(%arg10 : memref<!tpu.dma_semaphore, #tpu.memory_space<semaphore_mem>>)
      } else {
      }
      %dma_wait3A_339 = arith.constant 1 : i32
      %dma_wait3A_340 = arith.constant 0 : i32
      %dma_wait3A_341 = tpu.memref_slice %arg5[%dma_wait3A_339, %dma_wait3A_340] : memref<2x8192xf32, #tpu.memory_space<vmem>> -> memref<1x8192xf32, #tpu.memory_space<vmem>>
      %dma_wait3A_342 = tpu.memref_squeeze %dma_wait3A_341 : memref<1x8192xf32, #tpu.memory_space<vmem>> -> memref<8192xf32, #tpu.memory_space<vmem>>
      %dma_wait3A_343 = arith.constant 0 : i32
      %dma_wait3A_344 = tpu.memref_slice %arg2[%mul3A_2, %dma_wait3A_343] : memref<128x32768xf32, #tpu.memory_space<hbm>> -> memref<1x8192xf32, #tpu.memory_space<hbm>>
      %dma_wait3A_345 = tpu.memref_squeeze %dma_wait3A_344 : memref<1x8192xf32, #tpu.memory_space<hbm>> -> memref<8192xf32, #tpu.memory_space<hbm>>
      %dma_wait3A_346 = arith.constant 0 : i32
      %dma_wait3A_347 = tpu.memref_slice %arg5[%dma_wait3A_339, %dma_wait3A_346] : memref<2x8192xf32, #tpu.memory_space<vmem>> -> memref<1x8192xf32, #tpu.memory_space<vmem>>
      %dma_wait3A_348 = tpu.memref_squeeze %dma_wait3A_347 : memref<1x8192xf32, #tpu.memory_space<vmem>> -> memref<8192xf32, #tpu.memory_space<vmem>>
      %dma_wait3A_349 = arith.constant 0 : i32
      %dma_wait3A_350 = tpu.memref_slice %arg2[%mul3A_2, %dma_wait3A_349] : memref<128x32768xf32, #tpu.memory_space<hbm>> -> memref<1x8192xf32, #tpu.memory_space<hbm>>
      %dma_wait3A_351 = tpu.memref_squeeze %dma_wait3A_350 : memref<1x8192xf32, #tpu.memory_space<hbm>> -> memref<8192xf32, #tpu.memory_space<hbm>>
      tpu.wait_dma2 semaphore(%arg11 : memref<!tpu.dma_semaphore, #tpu.memory_space<semaphore_mem>>) src(%dma_wait3A_351 : memref<8192xf32, #tpu.memory_space<hbm>>) dst(%dma_wait3A_348 : memref<8192xf32, #tpu.memory_space<vmem>>)
      %parallel_loop3A_352 = arith.constant 0 : i32
      %parallel_loop3A_353 = arith.constant 512 : i32
      %parallel_loop3A_354 = arith.constant 1 : i32
      scf.for %parallel_loop3A_356 = %parallel_loop3A_352 to %parallel_loop3A_353 step %parallel_loop3A_354  : i32 {
        %parallel_loop3A_357 = arith.constant 16 : i32
        %parallel_loop3A_358 = arith.muli %parallel_loop3A_356, %parallel_loop3A_357 : i32
        %parallel_loop3A_359 = arith.constant 1 : i32
        %parallel_loop3A_360 = arith.index_cast %parallel_loop3A_359 : i32 to index
        %parallel_loop3A_361 = arith.index_cast %parallel_loop3A_358 : i32 to index
        %parallel_loop3A_362 = tpu.vector_load %arg5[%parallel_loop3A_360, %parallel_loop3A_361] {strides = array<i32>} : memref<2x8192xf32, #tpu.memory_space<vmem>>, vector<16xf32>,
        %parallel_loop3A_363 = tpu.bitcast %parallel_loop3A_362 : vector<16xf32> -> vector<16xi32>
        %parallel_loop3A_364 = arith.constant 2147483647 : i32
        %parallel_loop3A_365 = vector.broadcast %parallel_loop3A_364 : i32 to vector<16xi32>
        %parallel_loop3A_366 = arith.andi %parallel_loop3A_363, %parallel_loop3A_365 : vector<16xi32>
        %parallel_loop3A_367 = arith.constant 16 : i32
        %parallel_loop3A_368 = vector.broadcast %parallel_loop3A_367 : i32 to vector<16xi32>
        %parallel_loop3A_369 = arith.shrui %parallel_loop3A_366, %parallel_loop3A_368 : vector<16xi32>
        %parallel_loop3A_370 = arith.cmpi eq, %parallel_loop3A_369, %get3A_279 : vector<16xi32>
        %parallel_loop3A_371 = arith.constant 7 : i32
        %parallel_loop3A_372 = vector.broadcast %parallel_loop3A_371 : i32 to vector<16xi32>
        %parallel_loop3A_373 = arith.shrui %parallel_loop3A_366, %parallel_loop3A_372 : vector<16xi32>
        %parallel_loop3A_374 = arith.constant 511 : i32
        %parallel_loop3A_375 = vector.broadcast %parallel_loop3A_374 : i32 to vector<16xi32>
        %parallel_loop3A_376 = arith.andi %parallel_loop3A_373, %parallel_loop3A_375 : vector<16xi32>
        %parallel_loop3A_377 = arith.constant 127 : i32
        %parallel_loop3A_378 = vector.broadcast %parallel_loop3A_377 : i32 to vector<16xi32>
        %parallel_loop3A_379 = arith.andi %parallel_loop3A_366, %parallel_loop3A_378 : vector<16xi32>
        tpu.vector_store_idx %arg6[%parallel_loop3A_376, %parallel_loop3A_379], %broadcast_in_dim3A_278 masked %parallel_loop3A_370 {add = true} : memref<512x128xi32, #tpu.memory_space<vmem>>[vector<16xi32>, vector<16xi32>], vector<16xi32>, vector<16xi1>
      } {sc.loop_unroll_factor = 16 : i64, sc.parallel_access}
      %scan3A_355 = arith.constant 0 : i32
      scf.yield %scan3A_355 : i32
    }
    %scan3A_285 = arith.constant 8 : i32
    %barrier3A = arith.constant 0 : index
    tpu.barrier barrier_id(%barrier3A)
    %run_scoped3A_286 = arith.constant 0 : i32
    "tpu.region"() ({
      %run_scoped3A_296 = tpu.sem_alloc : memref<!tpu.dma_semaphore, #tpu.memory_space<semaphore_mem>>
      %dma_start3A_297 = arith.constant 0 : i32
      %dma_start3A_298 = arith.constant 0 : i32
      %dma_start3A_299 = tpu.memref_slice %arg6[%dma_start3A_297, %dma_start3A_298] : memref<512x128xi32, #tpu.memory_space<vmem>> -> memref<128x128xi32, #tpu.memory_space<vmem>>
      %dma_start3A_300 = arith.constant 0 : i32
      %dma_start3A_301 = tpu.memref_slice %arg7[%run_scoped3A_286, %dma_start3A_300] : memref<4x128xi32, #tpu.memory_space<vmem>> -> memref<1x128xi32, #tpu.memory_space<vmem>>
      %dma_start3A_302 = tpu.memref_squeeze %dma_start3A_301 : memref<1x128xi32, #tpu.memory_space<vmem>> -> memref<128xi32, #tpu.memory_space<vmem>>
      %dma_start3A_303 = arith.constant 0 : i32
      %dma_start3A_304 = arith.constant 0 : i32
      %dma_start3A_305 = tpu.memref_slice %arg9[%dma_start3A_303, %dma_start3A_304] : memref<512x128xi32, #tpu.memory_space<vmem_shared>> -> memref<512x128xi32, #tpu.memory_space<vmem_shared>>
      tpu.enqueue_indirect_dma source(%dma_start3A_299 : memref<128x128xi32, #tpu.memory_space<vmem>>) target(%dma_start3A_305 : memref<512x128xi32, #tpu.memory_space<vmem_shared>>) offsets(%dma_start3A_302 : memref<128xi32, #tpu.memory_space<vmem>>) semaphore(%run_scoped3A_296 : memref<!tpu.dma_semaphore, #tpu.memory_space<semaphore_mem>>) {add = true}
      %dma_wait3A = arith.constant 0 : i32
      %dma_wait3A_306 = arith.constant 0 : i32
      %dma_wait3A_307 = tpu.memref_slice %arg6[%dma_wait3A, %dma_wait3A_306] : memref<512x128xi32, #tpu.memory_space<vmem>> -> memref<128x128xi32, #tpu.memory_space<vmem>>
      %dma_wait3A_308 = arith.constant 0 : i32
      %dma_wait3A_309 = tpu.memref_slice %arg7[%run_scoped3A_286, %dma_wait3A_308] : memref<4x128xi32, #tpu.memory_space<vmem>> -> memref<1x128xi32, #tpu.memory_space<vmem>>
      %dma_wait3A_310 = tpu.memref_squeeze %dma_wait3A_309 : memref<1x128xi32, #tpu.memory_space<vmem>> -> memref<128xi32, #tpu.memory_space<vmem>>
      %dma_wait3A_311 = arith.constant 0 : i32
      %dma_wait3A_312 = arith.constant 0 : i32
      %dma_wait3A_313 = tpu.memref_slice %arg9[%dma_wait3A_311, %dma_wait3A_312] : memref<512x128xi32, #tpu.memory_space<vmem_shared>> -> memref<512x128xi32, #tpu.memory_space<vmem_shared>>
      tpu.wait_indirect_dma semaphore(%run_scoped3A_296 : memref<!tpu.dma_semaphore, #tpu.memory_space<semaphore_mem>>) src(%dma_wait3A_307 : memref<128x128xi32, #tpu.memory_space<vmem>>) dst(%dma_wait3A_313 : memref<512x128xi32, #tpu.memory_space<vmem_shared>>)
      tpu.yield
    }) : () -> ()
    %run_scoped3A_287 = arith.constant 1 : i32
    "tpu.region"() ({
      %run_scoped3A_296 = tpu.sem_alloc : memref<!tpu.dma_semaphore, #tpu.memory_space<semaphore_mem>>
      %dma_start3A_297 = arith.constant 128 : i32
      %dma_start3A_298 = arith.constant 0 : i32
      %dma_start3A_299 = tpu.memref_slice %arg6[%dma_start3A_297, %dma_start3A_298] : memref<512x128xi32, #tpu.memory_space<vmem>> -> memref<128x128xi32, #tpu.memory_space<vmem>>
      %dma_start3A_300 = arith.constant 0 : i32
      %dma_start3A_301 = tpu.memref_slice %arg7[%run_scoped3A_287, %dma_start3A_300] : memref<4x128xi32, #tpu.memory_space<vmem>> -> memref<1x128xi32, #tpu.memory_space<vmem>>
      %dma_start3A_302 = tpu.memref_squeeze %dma_start3A_301 : memref<1x128xi32, #tpu.memory_space<vmem>> -> memref<128xi32, #tpu.memory_space<vmem>>
      %dma_start3A_303 = arith.constant 0 : i32
      %dma_start3A_304 = arith.constant 0 : i32
      %dma_start3A_305 = tpu.memref_slice %arg9[%dma_start3A_303, %dma_start3A_304] : memref<512x128xi32, #tpu.memory_space<vmem_shared>> -> memref<512x128xi32, #tpu.memory_space<vmem_shared>>
      tpu.enqueue_indirect_dma source(%dma_start3A_299 : memref<128x128xi32, #tpu.memory_space<vmem>>) target(%dma_start3A_305 : memref<512x128xi32, #tpu.memory_space<vmem_shared>>) offsets(%dma_start3A_302 : memref<128xi32, #tpu.memory_space<vmem>>) semaphore(%run_scoped3A_296 : memref<!tpu.dma_semaphore, #tpu.memory_space<semaphore_mem>>) {add = true}
      %dma_wait3A = arith.constant 128 : i32
      %dma_wait3A_306 = arith.constant 0 : i32
      %dma_wait3A_307 = tpu.memref_slice %arg6[%dma_wait3A, %dma_wait3A_306] : memref<512x128xi32, #tpu.memory_space<vmem>> -> memref<128x128xi32, #tpu.memory_space<vmem>>
      %dma_wait3A_308 = arith.constant 0 : i32
      %dma_wait3A_309 = tpu.memref_slice %arg7[%run_scoped3A_287, %dma_wait3A_308] : memref<4x128xi32, #tpu.memory_space<vmem>> -> memref<1x128xi32, #tpu.memory_space<vmem>>
      %dma_wait3A_310 = tpu.memref_squeeze %dma_wait3A_309 : memref<1x128xi32, #tpu.memory_space<vmem>> -> memref<128xi32, #tpu.memory_space<vmem>>
      %dma_wait3A_311 = arith.constant 0 : i32
      %dma_wait3A_312 = arith.constant 0 : i32
      %dma_wait3A_313 = tpu.memref_slice %arg9[%dma_wait3A_311, %dma_wait3A_312] : memref<512x128xi32, #tpu.memory_space<vmem_shared>> -> memref<512x128xi32, #tpu.memory_space<vmem_shared>>
      tpu.wait_indirect_dma semaphore(%run_scoped3A_296 : memref<!tpu.dma_semaphore, #tpu.memory_space<semaphore_mem>>) src(%dma_wait3A_307 : memref<128x128xi32, #tpu.memory_space<vmem>>) dst(%dma_wait3A_313 : memref<512x128xi32, #tpu.memory_space<vmem_shared>>)
      tpu.yield
    }) : () -> ()
    %run_scoped3A_288 = arith.constant 2 : i32
    "tpu.region"() ({
      %run_scoped3A_296 = tpu.sem_alloc : memref<!tpu.dma_semaphore, #tpu.memory_space<semaphore_mem>>
      %dma_start3A_297 = arith.constant 256 : i32
      %dma_start3A_298 = arith.constant 0 : i32
      %dma_start3A_299 = tpu.memref_slice %arg6[%dma_start3A_297, %dma_start3A_298] : memref<512x128xi32, #tpu.memory_space<vmem>> -> memref<128x128xi32, #tpu.memory_space<vmem>>
      %dma_start3A_300 = arith.constant 0 : i32
      %dma_start3A_301 = tpu.memref_slice %arg7[%run_scoped3A_288, %dma_start3A_300] : memref<4x128xi32, #tpu.memory_space<vmem>> -> memref<1x128xi32, #tpu.memory_space<vmem>>
      %dma_start3A_302 = tpu.memref_squeeze %dma_start3A_301 : memref<1x128xi32, #tpu.memory_space<vmem>> -> memref<128xi32, #tpu.memory_space<vmem>>
      %dma_start3A_303 = arith.constant 0 : i32
      %dma_start3A_304 = arith.constant 0 : i32
      %dma_start3A_305 = tpu.memref_slice %arg9[%dma_start3A_303, %dma_start3A_304] : memref<512x128xi32, #tpu.memory_space<vmem_shared>> -> memref<512x128xi32, #tpu.memory_space<vmem_shared>>
      tpu.enqueue_indirect_dma source(%dma_start3A_299 : memref<128x128xi32, #tpu.memory_space<vmem>>) target(%dma_start3A_305 : memref<512x128xi32, #tpu.memory_space<vmem_shared>>) offsets(%dma_start3A_302 : memref<128xi32, #tpu.memory_space<vmem>>) semaphore(%run_scoped3A_296 : memref<!tpu.dma_semaphore, #tpu.memory_space<semaphore_mem>>) {add = true}
      %dma_wait3A = arith.constant 256 : i32
      %dma_wait3A_306 = arith.constant 0 : i32
      %dma_wait3A_307 = tpu.memref_slice %arg6[%dma_wait3A, %dma_wait3A_306] : memref<512x128xi32, #tpu.memory_space<vmem>> -> memref<128x128xi32, #tpu.memory_space<vmem>>
      %dma_wait3A_308 = arith.constant 0 : i32
      %dma_wait3A_309 = tpu.memref_slice %arg7[%run_scoped3A_288, %dma_wait3A_308] : memref<4x128xi32, #tpu.memory_space<vmem>> -> memref<1x128xi32, #tpu.memory_space<vmem>>
      %dma_wait3A_310 = tpu.memref_squeeze %dma_wait3A_309 : memref<1x128xi32, #tpu.memory_space<vmem>> -> memref<128xi32, #tpu.memory_space<vmem>>
      %dma_wait3A_311 = arith.constant 0 : i32
      %dma_wait3A_312 = arith.constant 0 : i32
      %dma_wait3A_313 = tpu.memref_slice %arg9[%dma_wait3A_311, %dma_wait3A_312] : memref<512x128xi32, #tpu.memory_space<vmem_shared>> -> memref<512x128xi32, #tpu.memory_space<vmem_shared>>
      tpu.wait_indirect_dma semaphore(%run_scoped3A_296 : memref<!tpu.dma_semaphore, #tpu.memory_space<semaphore_mem>>) src(%dma_wait3A_307 : memref<128x128xi32, #tpu.memory_space<vmem>>) dst(%dma_wait3A_313 : memref<512x128xi32, #tpu.memory_space<vmem_shared>>)
      tpu.yield
    }) : () -> ()
    %run_scoped3A_289 = arith.constant 3 : i32
    "tpu.region"() ({
      %run_scoped3A_296 = tpu.sem_alloc : memref<!tpu.dma_semaphore, #tpu.memory_space<semaphore_mem>>
      %dma_start3A_297 = arith.constant 384 : i32
      %dma_start3A_298 = arith.constant 0 : i32
      %dma_start3A_299 = tpu.memref_slice %arg6[%dma_start3A_297, %dma_start3A_298] : memref<512x128xi32, #tpu.memory_space<vmem>> -> memref<128x128xi32, #tpu.memory_space<vmem>>
      %dma_start3A_300 = arith.constant 0 : i32
      %dma_start3A_301 = tpu.memref_slice %arg7[%run_scoped3A_289, %dma_start3A_300] : memref<4x128xi32, #tpu.memory_space<vmem>> -> memref<1x128xi32, #tpu.memory_space<vmem>>
      %dma_start3A_302 = tpu.memref_squeeze %dma_start3A_301 : memref<1x128xi32, #tpu.memory_space<vmem>> -> memref<128xi32, #tpu.memory_space<vmem>>
      %dma_start3A_303 = arith.constant 0 : i32
      %dma_start3A_304 = arith.constant 0 : i32
      %dma_start3A_305 = tpu.memref_slice %arg9[%dma_start3A_303, %dma_start3A_304] : memref<512x128xi32, #tpu.memory_space<vmem_shared>> -> memref<512x128xi32, #tpu.memory_space<vmem_shared>>
      tpu.enqueue_indirect_dma source(%dma_start3A_299 : memref<128x128xi32, #tpu.memory_space<vmem>>) target(%dma_start3A_305 : memref<512x128xi32, #tpu.memory_space<vmem_shared>>) offsets(%dma_start3A_302 : memref<128xi32, #tpu.memory_space<vmem>>) semaphore(%run_scoped3A_296 : memref<!tpu.dma_semaphore, #tpu.memory_space<semaphore_mem>>) {add = true}
      %dma_wait3A = arith.constant 384 : i32
      %dma_wait3A_306 = arith.constant 0 : i32
      %dma_wait3A_307 = tpu.memref_slice %arg6[%dma_wait3A, %dma_wait3A_306] : memref<512x128xi32, #tpu.memory_space<vmem>> -> memref<128x128xi32, #tpu.memory_space<vmem>>
      %dma_wait3A_308 = arith.constant 0 : i32
      %dma_wait3A_309 = tpu.memref_slice %arg7[%run_scoped3A_289, %dma_wait3A_308] : memref<4x128xi32, #tpu.memory_space<vmem>> -> memref<1x128xi32, #tpu.memory_space<vmem>>
      %dma_wait3A_310 = tpu.memref_squeeze %dma_wait3A_309 : memref<1x128xi32, #tpu.memory_space<vmem>> -> memref<128xi32, #tpu.memory_space<vmem>>
      %dma_wait3A_311 = arith.constant 0 : i32
      %dma_wait3A_312 = arith.constant 0 : i32
      %dma_wait3A_313 = tpu.memref_slice %arg9[%dma_wait3A_311, %dma_wait3A_312] : memref<512x128xi32, #tpu.memory_space<vmem_shared>> -> memref<512x128xi32, #tpu.memory_space<vmem_shared>>
      tpu.wait_indirect_dma semaphore(%run_scoped3A_296 : memref<!tpu.dma_semaphore, #tpu.memory_space<semaphore_mem>>) src(%dma_wait3A_307 : memref<128x128xi32, #tpu.memory_space<vmem>>) dst(%dma_wait3A_313 : memref<512x128xi32, #tpu.memory_space<vmem_shared>>)
      tpu.yield
    }) : () -> ()
    %barrier3A_290 = arith.constant 0 : index
    tpu.barrier barrier_id(%barrier3A_290)
    %eq3A_291 = arith.constant 0 : i32
    %eq3A_292 = arith.cmpi eq, %arg1, %eq3A_291 : i32
    %convert_element_type3A_293 = arith.extui %eq3A_292 : i1 to i32
    %cond3A_294 = arith.constant 0 : i32
    %cond3A_295 = arith.cmpi ne, %convert_element_type3A_293, %cond3A_294 : i32
    scf.if %cond3A_295 {
      "tpu.region"() ({
        %run_scoped3A_296 = tpu.sem_alloc : memref<!tpu.dma_semaphore, #tpu.memory_space<semaphore_mem>>
        %dma_start3A_297 = arith.constant 0 : i32
        %dma_start3A_298 = arith.constant 0 : i32
        %dma_start3A_299 = tpu.memref_slice %arg4[%arg0, %dma_start3A_297, %dma_start3A_298] : memref<2x512x128xi32, #tpu.memory_space<hbm>> -> memref<1x512x128xi32, #tpu.memory_space<hbm>>
        %dma_start3A_300 = tpu.memref_squeeze %dma_start3A_299 : memref<1x512x128xi32, #tpu.memory_space<hbm>> -> memref<512x128xi32, #tpu.memory_space<hbm>>
        tpu.enqueue_dma source(%arg9 : memref<512x128xi32, #tpu.memory_space<vmem_shared>>) target(%dma_start3A_300 : memref<512x128xi32, #tpu.memory_space<hbm>>) target_semaphore(%run_scoped3A_296 : memref<!tpu.dma_semaphore, #tpu.memory_space<semaphore_mem>>)
        %dma_wait3A = arith.constant 0 : i32
        %dma_wait3A_301 = arith.constant 0 : i32
        %dma_wait3A_302 = tpu.memref_slice %arg4[%arg0, %dma_wait3A, %dma_wait3A_301] : memref<2x512x128xi32, #tpu.memory_space<hbm>> -> memref<1x512x128xi32, #tpu.memory_space<hbm>>
        %dma_wait3A_303 = tpu.memref_squeeze %dma_wait3A_302 : memref<1x512x128xi32, #tpu.memory_space<hbm>> -> memref<512x128xi32, #tpu.memory_space<hbm>>
        tpu.wait_dma2 semaphore(%run_scoped3A_296 : memref<!tpu.dma_semaphore, #tpu.memory_space<semaphore_mem>>) src(%arg9 : memref<512x128xi32, #tpu.memory_space<vmem_shared>>) dst(%dma_wait3A_303 : memref<512x128xi32, #tpu.memory_space<hbm>>)
        tpu.yield
      }) : () -> ()
    } else {
    }
    return
  }
}

#map = affine_map<(d0, d1) -> (0, 0)>
#map1 = affine_map<(d0, d1) -> (0, 0, 0)>
module attributes {stable_mosaic.version = 14 : i64} {
  func.func @_sc_pass1(%arg0: i32, %arg1: i32, %arg2: memref<128x32768xf32, #tpu.memory_space<hbm>>, %arg3: memref<2x256x128xi32, #tpu.memory_space<hbm>>, %arg4: memref<2x8192xf32, #tpu.memory_space<vmem>>, %arg5: memref<256x128xi32, #tpu.memory_space<vmem>>, %arg6: memref<2x128xi32, #tpu.memory_space<vmem>>, %arg7: memref<256x128xi32, #tpu.memory_space<vmem_shared>>, %arg8: memref<!tpu.dma_semaphore, #tpu.memory_space<semaphore_mem>>, %arg9: memref<!tpu.dma_semaphore, #tpu.memory_space<semaphore_mem>>) attributes {dimension_semantics = [#tpu.dimension_semantics<core_parallel>, #tpu.dimension_semantics<subcore_parallel>], iteration_bounds = array<i64: 2, 16>, scalar_prefetch = 0 : i64, scratch_operands = 6 : i64, tpu.core_type = #tpu.core_type<sc_vector_subcore>, window_params = [{transform_indices = #map}, {transform_indices = #map1}]} {
    %mul3A = arith.constant 2 : i32
    %mul3A_0 = arith.muli %arg1, %mul3A : i32
    %add3A = arith.addi %mul3A_0, %arg0 : i32
    %mul3A_1 = arith.constant 4 : i32
    %mul3A_2 = arith.muli %add3A, %mul3A_1 : i32
    %shift_right_logical3A = arith.constant 0 : i32
    %shift_right_logical3A_3 = arith.constant 2 : i32
    %shift_right_logical3A_4 = arith.shrui %shift_right_logical3A, %shift_right_logical3A_3 : i32
    %add3A_5 = arith.addi %mul3A_2, %shift_right_logical3A_4 : i32
    %and3A = arith.constant 0 : i32
    %and3A_6 = arith.constant 3 : i32
    %and3A_7 = arith.andi %and3A, %and3A_6 : i32
    %mul3A_8 = arith.constant 8192 : i32
    %mul3A_9 = arith.muli %and3A_7, %mul3A_8 : i32
    %dma_start3A = arith.constant 0 : i32
    %dma_start3A_10 = arith.constant 0 : i32
    %dma_start3A_11 = tpu.memref_slice %arg4[%dma_start3A, %dma_start3A_10] : memref<2x8192xf32, #tpu.memory_space<vmem>> -> memref<1x8192xf32, #tpu.memory_space<vmem>>
    %dma_start3A_12 = tpu.memref_squeeze %dma_start3A_11 : memref<1x8192xf32, #tpu.memory_space<vmem>> -> memref<8192xf32, #tpu.memory_space<vmem>>
    %dma_start3A_13 = tpu.memref_slice %arg2[%add3A_5, %mul3A_9] : memref<128x32768xf32, #tpu.memory_space<hbm>> -> memref<1x8192xf32, #tpu.memory_space<hbm>>
    %dma_start3A_14 = tpu.memref_squeeze %dma_start3A_13 : memref<1x8192xf32, #tpu.memory_space<hbm>> -> memref<8192xf32, #tpu.memory_space<hbm>>
    %dma_start3A_15 = arith.constant 0 : i32
    %dma_start3A_16 = tpu.memref_slice %arg4[%dma_start3A, %dma_start3A_15] : memref<2x8192xf32, #tpu.memory_space<vmem>> -> memref<1x8192xf32, #tpu.memory_space<vmem>>
    %dma_start3A_17 = tpu.memref_squeeze %dma_start3A_16 : memref<1x8192xf32, #tpu.memory_space<vmem>> -> memref<8192xf32, #tpu.memory_space<vmem>>
    %dma_start3A_18 = tpu.memref_slice %arg2[%add3A_5, %mul3A_9] : memref<128x32768xf32, #tpu.memory_space<hbm>> -> memref<1x8192xf32, #tpu.memory_space<hbm>>
    %dma_start3A_19 = tpu.memref_squeeze %dma_start3A_18 : memref<1x8192xf32, #tpu.memory_space<hbm>> -> memref<8192xf32, #tpu.memory_space<hbm>>
    tpu.enqueue_dma source(%dma_start3A_19 : memref<8192xf32, #tpu.memory_space<hbm>>) target(%dma_start3A_17 : memref<8192xf32, #tpu.memory_space<vmem>>) target_semaphore(%arg8 : memref<!tpu.dma_semaphore, #tpu.memory_space<semaphore_mem>>)
    %parallel_loop3A = arith.constant 0 : i32
    %parallel_loop3A_20 = arith.constant 256 : i32
    %parallel_loop3A_21 = arith.constant 1 : i32
    scf.for %parallel_loop3A_164 = %parallel_loop3A to %parallel_loop3A_20 step %parallel_loop3A_21  : i32 {
      %parallel_loop3A_165 = arith.constant 0 : i32
      %parallel_loop3A_166 = vector.broadcast %parallel_loop3A_165 : i32 to vector<16xi32>
      %parallel_loop3A_167 = arith.index_cast %parallel_loop3A_164 : i32 to index
      %parallel_loop3A_168 = arith.constant 0 : index
      %parallel_loop3A_169 = tpu.vector_load %arg5[%parallel_loop3A_167, %parallel_loop3A_168] {strides = array<i32>} : memref<256x128xi32, #tpu.memory_space<vmem>>, vector<16xi32>,
      tpu.vector_store %arg5[%parallel_loop3A_167, %parallel_loop3A_168], %parallel_loop3A_166 {strides = array<i32>} : memref<256x128xi32, #tpu.memory_space<vmem>>, vector<16xi32>,
      %parallel_loop3A_170 = arith.constant 0 : i32
      %parallel_loop3A_171 = vector.broadcast %parallel_loop3A_170 : i32 to vector<16xi32>
      %parallel_loop3A_172 = arith.index_cast %parallel_loop3A_164 : i32 to index
      %parallel_loop3A_173 = arith.constant 16 : index
      %parallel_loop3A_174 = tpu.vector_load %arg5[%parallel_loop3A_172, %parallel_loop3A_173] {strides = array<i32>} : memref<256x128xi32, #tpu.memory_space<vmem>>, vector<16xi32>,
      tpu.vector_store %arg5[%parallel_loop3A_172, %parallel_loop3A_173], %parallel_loop3A_171 {strides = array<i32>} : memref<256x128xi32, #tpu.memory_space<vmem>>, vector<16xi32>,
      %parallel_loop3A_175 = arith.constant 0 : i32
      %parallel_loop3A_176 = vector.broadcast %parallel_loop3A_175 : i32 to vector<16xi32>
      %parallel_loop3A_177 = arith.index_cast %parallel_loop3A_164 : i32 to index
      %parallel_loop3A_178 = arith.constant 32 : index
      %parallel_loop3A_179 = tpu.vector_load %arg5[%parallel_loop3A_177, %parallel_loop3A_178] {strides = array<i32>} : memref<256x128xi32, #tpu.memory_space<vmem>>, vector<16xi32>,
      tpu.vector_store %arg5[%parallel_loop3A_177, %parallel_loop3A_178], %parallel_loop3A_176 {strides = array<i32>} : memref<256x128xi32, #tpu.memory_space<vmem>>, vector<16xi32>,
      %parallel_loop3A_180 = arith.constant 0 : i32
      %parallel_loop3A_181 = vector.broadcast %parallel_loop3A_180 : i32 to vector<16xi32>
      %parallel_loop3A_182 = arith.index_cast %parallel_loop3A_164 : i32 to index
      %parallel_loop3A_183 = arith.constant 48 : index
      %parallel_loop3A_184 = tpu.vector_load %arg5[%parallel_loop3A_182, %parallel_loop3A_183] {strides = array<i32>} : memref<256x128xi32, #tpu.memory_space<vmem>>, vector<16xi32>,
      tpu.vector_store %arg5[%parallel_loop3A_182, %parallel_loop3A_183], %parallel_loop3A_181 {strides = array<i32>} : memref<256x128xi32, #tpu.memory_space<vmem>>, vector<16xi32>,
      %parallel_loop3A_185 = arith.constant 0 : i32
      %parallel_loop3A_186 = vector.broadcast %parallel_loop3A_185 : i32 to vector<16xi32>
      %parallel_loop3A_187 = arith.index_cast %parallel_loop3A_164 : i32 to index
      %parallel_loop3A_188 = arith.constant 64 : index
      %parallel_loop3A_189 = tpu.vector_load %arg5[%parallel_loop3A_187, %parallel_loop3A_188] {strides = array<i32>} : memref<256x128xi32, #tpu.memory_space<vmem>>, vector<16xi32>,
      tpu.vector_store %arg5[%parallel_loop3A_187, %parallel_loop3A_188], %parallel_loop3A_186 {strides = array<i32>} : memref<256x128xi32, #tpu.memory_space<vmem>>, vector<16xi32>,
      %parallel_loop3A_190 = arith.constant 0 : i32
      %parallel_loop3A_191 = vector.broadcast %parallel_loop3A_190 : i32 to vector<16xi32>
      %parallel_loop3A_192 = arith.index_cast %parallel_loop3A_164 : i32 to index
      %parallel_loop3A_193 = arith.constant 80 : index
      %parallel_loop3A_194 = tpu.vector_load %arg5[%parallel_loop3A_192, %parallel_loop3A_193] {strides = array<i32>} : memref<256x128xi32, #tpu.memory_space<vmem>>, vector<16xi32>,
      tpu.vector_store %arg5[%parallel_loop3A_192, %parallel_loop3A_193], %parallel_loop3A_191 {strides = array<i32>} : memref<256x128xi32, #tpu.memory_space<vmem>>, vector<16xi32>,
      %parallel_loop3A_195 = arith.constant 0 : i32
      %parallel_loop3A_196 = vector.broadcast %parallel_loop3A_195 : i32 to vector<16xi32>
      %parallel_loop3A_197 = arith.index_cast %parallel_loop3A_164 : i32 to index
      %parallel_loop3A_198 = arith.constant 96 : index
      %parallel_loop3A_199 = tpu.vector_load %arg5[%parallel_loop3A_197, %parallel_loop3A_198] {strides = array<i32>} : memref<256x128xi32, #tpu.memory_space<vmem>>, vector<16xi32>,
      tpu.vector_store %arg5[%parallel_loop3A_197, %parallel_loop3A_198], %parallel_loop3A_196 {strides = array<i32>} : memref<256x128xi32, #tpu.memory_space<vmem>>, vector<16xi32>,
      %parallel_loop3A_200 = arith.constant 0 : i32
      %parallel_loop3A_201 = vector.broadcast %parallel_loop3A_200 : i32 to vector<16xi32>
      %parallel_loop3A_202 = arith.index_cast %parallel_loop3A_164 : i32 to index
      %parallel_loop3A_203 = arith.constant 112 : index
      %parallel_loop3A_204 = tpu.vector_load %arg5[%parallel_loop3A_202, %parallel_loop3A_203] {strides = array<i32>} : memref<256x128xi32, #tpu.memory_space<vmem>>, vector<16xi32>,
      tpu.vector_store %arg5[%parallel_loop3A_202, %parallel_loop3A_203], %parallel_loop3A_201 {strides = array<i32>} : memref<256x128xi32, #tpu.memory_space<vmem>>, vector<16xi32>,
    } {sc.loop_unroll_factor = 4 : i64, sc.parallel_access}
    %iota3A = tpu.iota {dimensions = array<i32: 0>} : vector<16xi32>
    %add3A_22 = arith.constant 0 : i32
    %add3A_23 = vector.broadcast %add3A_22 : i32 to vector<16xi32>
    %add3A_24 = arith.addi %iota3A, %add3A_23 : vector<16xi32>
    %swap3A = arith.constant 0 : i32
    %swap3A_25 = arith.index_cast %swap3A : i32 to index
    %swap3A_26 = arith.constant 0 : index
    %swap3A_27 = tpu.vector_load %arg6[%swap3A_25, %swap3A_26] {strides = array<i32>} : memref<2x128xi32, #tpu.memory_space<vmem>>, vector<16xi32>,
    tpu.vector_store %arg6[%swap3A_25, %swap3A_26], %add3A_24 {strides = array<i32>} : memref<2x128xi32, #tpu.memory_space<vmem>>, vector<16xi32>,
    %iota3A_28 = tpu.iota {dimensions = array<i32: 0>} : vector<16xi32>
    %add3A_29 = arith.constant 16 : i32
    %add3A_30 = vector.broadcast %add3A_29 : i32 to vector<16xi32>
    %add3A_31 = arith.addi %iota3A_28, %add3A_30 : vector<16xi32>
    %swap3A_32 = arith.constant 0 : i32
    %swap3A_33 = arith.index_cast %swap3A_32 : i32 to index
    %swap3A_34 = arith.constant 16 : index
    %swap3A_35 = tpu.vector_load %arg6[%swap3A_33, %swap3A_34] {strides = array<i32>} : memref<2x128xi32, #tpu.memory_space<vmem>>, vector<16xi32>,
    tpu.vector_store %arg6[%swap3A_33, %swap3A_34], %add3A_31 {strides = array<i32>} : memref<2x128xi32, #tpu.memory_space<vmem>>, vector<16xi32>,
    %iota3A_36 = tpu.iota {dimensions = array<i32: 0>} : vector<16xi32>
    %add3A_37 = arith.constant 32 : i32
    %add3A_38 = vector.broadcast %add3A_37 : i32 to vector<16xi32>
    %add3A_39 = arith.addi %iota3A_36, %add3A_38 : vector<16xi32>
    %swap3A_40 = arith.constant 0 : i32
    %swap3A_41 = arith.index_cast %swap3A_40 : i32 to index
    %swap3A_42 = arith.constant 32 : index
    %swap3A_43 = tpu.vector_load %arg6[%swap3A_41, %swap3A_42] {strides = array<i32>} : memref<2x128xi32, #tpu.memory_space<vmem>>, vector<16xi32>,
    tpu.vector_store %arg6[%swap3A_41, %swap3A_42], %add3A_39 {strides = array<i32>} : memref<2x128xi32, #tpu.memory_space<vmem>>, vector<16xi32>,
    %iota3A_44 = tpu.iota {dimensions = array<i32: 0>} : vector<16xi32>
    %add3A_45 = arith.constant 48 : i32
    %add3A_46 = vector.broadcast %add3A_45 : i32 to vector<16xi32>
    %add3A_47 = arith.addi %iota3A_44, %add3A_46 : vector<16xi32>
    %swap3A_48 = arith.constant 0 : i32
    %swap3A_49 = arith.index_cast %swap3A_48 : i32 to index
    %swap3A_50 = arith.constant 48 : index
    %swap3A_51 = tpu.vector_load %arg6[%swap3A_49, %swap3A_50] {strides = array<i32>} : memref<2x128xi32, #tpu.memory_space<vmem>>, vector<16xi32>,
    tpu.vector_store %arg6[%swap3A_49, %swap3A_50], %add3A_47 {strides = array<i32>} : memref<2x128xi32, #tpu.memory_space<vmem>>, vector<16xi32>,
    %iota3A_52 = tpu.iota {dimensions = array<i32: 0>} : vector<16xi32>
    %add3A_53 = arith.constant 64 : i32
    %add3A_54 = vector.broadcast %add3A_53 : i32 to vector<16xi32>
    %add3A_55 = arith.addi %iota3A_52, %add3A_54 : vector<16xi32>
    %swap3A_56 = arith.constant 0 : i32
    %swap3A_57 = arith.index_cast %swap3A_56 : i32 to index
    %swap3A_58 = arith.constant 64 : index
    %swap3A_59 = tpu.vector_load %arg6[%swap3A_57, %swap3A_58] {strides = array<i32>} : memref<2x128xi32, #tpu.memory_space<vmem>>, vector<16xi32>,
    tpu.vector_store %arg6[%swap3A_57, %swap3A_58], %add3A_55 {strides = array<i32>} : memref<2x128xi32, #tpu.memory_space<vmem>>, vector<16xi32>,
    %iota3A_60 = tpu.iota {dimensions = array<i32: 0>} : vector<16xi32>
    %add3A_61 = arith.constant 80 : i32
    %add3A_62 = vector.broadcast %add3A_61 : i32 to vector<16xi32>
    %add3A_63 = arith.addi %iota3A_60, %add3A_62 : vector<16xi32>
    %swap3A_64 = arith.constant 0 : i32
    %swap3A_65 = arith.index_cast %swap3A_64 : i32 to index
    %swap3A_66 = arith.constant 80 : index
    %swap3A_67 = tpu.vector_load %arg6[%swap3A_65, %swap3A_66] {strides = array<i32>} : memref<2x128xi32, #tpu.memory_space<vmem>>, vector<16xi32>,
    tpu.vector_store %arg6[%swap3A_65, %swap3A_66], %add3A_63 {strides = array<i32>} : memref<2x128xi32, #tpu.memory_space<vmem>>, vector<16xi32>,
    %iota3A_68 = tpu.iota {dimensions = array<i32: 0>} : vector<16xi32>
    %add3A_69 = arith.constant 96 : i32
    %add3A_70 = vector.broadcast %add3A_69 : i32 to vector<16xi32>
    %add3A_71 = arith.addi %iota3A_68, %add3A_70 : vector<16xi32>
    %swap3A_72 = arith.constant 0 : i32
    %swap3A_73 = arith.index_cast %swap3A_72 : i32 to index
    %swap3A_74 = arith.constant 96 : index
    %swap3A_75 = tpu.vector_load %arg6[%swap3A_73, %swap3A_74] {strides = array<i32>} : memref<2x128xi32, #tpu.memory_space<vmem>>, vector<16xi32>,
    tpu.vector_store %arg6[%swap3A_73, %swap3A_74], %add3A_71 {strides = array<i32>} : memref<2x128xi32, #tpu.memory_space<vmem>>, vector<16xi32>,
    %iota3A_76 = tpu.iota {dimensions = array<i32: 0>} : vector<16xi32>
    %add3A_77 = arith.constant 112 : i32
    %add3A_78 = vector.broadcast %add3A_77 : i32 to vector<16xi32>
    %add3A_79 = arith.addi %iota3A_76, %add3A_78 : vector<16xi32>
    %swap3A_80 = arith.constant 0 : i32
    %swap3A_81 = arith.index_cast %swap3A_80 : i32 to index
    %swap3A_82 = arith.constant 112 : index
    %swap3A_83 = tpu.vector_load %arg6[%swap3A_81, %swap3A_82] {strides = array<i32>} : memref<2x128xi32, #tpu.memory_space<vmem>>, vector<16xi32>,
    tpu.vector_store %arg6[%swap3A_81, %swap3A_82], %add3A_79 {strides = array<i32>} : memref<2x128xi32, #tpu.memory_space<vmem>>, vector<16xi32>,
    %iota3A_84 = tpu.iota {dimensions = array<i32: 0>} : vector<16xi32>
    %add3A_85 = arith.constant 128 : i32
    %add3A_86 = vector.broadcast %add3A_85 : i32 to vector<16xi32>
    %add3A_87 = arith.addi %iota3A_84, %add3A_86 : vector<16xi32>
    %swap3A_88 = arith.constant 1 : i32
    %swap3A_89 = arith.index_cast %swap3A_88 : i32 to index
    %swap3A_90 = arith.constant 0 : index
    %swap3A_91 = tpu.vector_load %arg6[%swap3A_89, %swap3A_90] {strides = array<i32>} : memref<2x128xi32, #tpu.memory_space<vmem>>, vector<16xi32>,
    tpu.vector_store %arg6[%swap3A_89, %swap3A_90], %add3A_87 {strides = array<i32>} : memref<2x128xi32, #tpu.memory_space<vmem>>, vector<16xi32>,
    %iota3A_92 = tpu.iota {dimensions = array<i32: 0>} : vector<16xi32>
    %add3A_93 = arith.constant 144 : i32
    %add3A_94 = vector.broadcast %add3A_93 : i32 to vector<16xi32>
    %add3A_95 = arith.addi %iota3A_92, %add3A_94 : vector<16xi32>
    %swap3A_96 = arith.constant 1 : i32
    %swap3A_97 = arith.index_cast %swap3A_96 : i32 to index
    %swap3A_98 = arith.constant 16 : index
    %swap3A_99 = tpu.vector_load %arg6[%swap3A_97, %swap3A_98] {strides = array<i32>} : memref<2x128xi32, #tpu.memory_space<vmem>>, vector<16xi32>,
    tpu.vector_store %arg6[%swap3A_97, %swap3A_98], %add3A_95 {strides = array<i32>} : memref<2x128xi32, #tpu.memory_space<vmem>>, vector<16xi32>,
    %iota3A_100 = tpu.iota {dimensions = array<i32: 0>} : vector<16xi32>
    %add3A_101 = arith.constant 160 : i32
    %add3A_102 = vector.broadcast %add3A_101 : i32 to vector<16xi32>
    %add3A_103 = arith.addi %iota3A_100, %add3A_102 : vector<16xi32>
    %swap3A_104 = arith.constant 1 : i32
    %swap3A_105 = arith.index_cast %swap3A_104 : i32 to index
    %swap3A_106 = arith.constant 32 : index
    %swap3A_107 = tpu.vector_load %arg6[%swap3A_105, %swap3A_106] {strides = array<i32>} : memref<2x128xi32, #tpu.memory_space<vmem>>, vector<16xi32>,
    tpu.vector_store %arg6[%swap3A_105, %swap3A_106], %add3A_103 {strides = array<i32>} : memref<2x128xi32, #tpu.memory_space<vmem>>, vector<16xi32>,
    %iota3A_108 = tpu.iota {dimensions = array<i32: 0>} : vector<16xi32>
    %add3A_109 = arith.constant 176 : i32
    %add3A_110 = vector.broadcast %add3A_109 : i32 to vector<16xi32>
    %add3A_111 = arith.addi %iota3A_108, %add3A_110 : vector<16xi32>
    %swap3A_112 = arith.constant 1 : i32
    %swap3A_113 = arith.index_cast %swap3A_112 : i32 to index
    %swap3A_114 = arith.constant 48 : index
    %swap3A_115 = tpu.vector_load %arg6[%swap3A_113, %swap3A_114] {strides = array<i32>} : memref<2x128xi32, #tpu.memory_space<vmem>>, vector<16xi32>,
    tpu.vector_store %arg6[%swap3A_113, %swap3A_114], %add3A_111 {strides = array<i32>} : memref<2x128xi32, #tpu.memory_space<vmem>>, vector<16xi32>,
    %iota3A_116 = tpu.iota {dimensions = array<i32: 0>} : vector<16xi32>
    %add3A_117 = arith.constant 192 : i32
    %add3A_118 = vector.broadcast %add3A_117 : i32 to vector<16xi32>
    %add3A_119 = arith.addi %iota3A_116, %add3A_118 : vector<16xi32>
    %swap3A_120 = arith.constant 1 : i32
    %swap3A_121 = arith.index_cast %swap3A_120 : i32 to index
    %swap3A_122 = arith.constant 64 : index
    %swap3A_123 = tpu.vector_load %arg6[%swap3A_121, %swap3A_122] {strides = array<i32>} : memref<2x128xi32, #tpu.memory_space<vmem>>, vector<16xi32>,
    tpu.vector_store %arg6[%swap3A_121, %swap3A_122], %add3A_119 {strides = array<i32>} : memref<2x128xi32, #tpu.memory_space<vmem>>, vector<16xi32>,
    %iota3A_124 = tpu.iota {dimensions = array<i32: 0>} : vector<16xi32>
    %add3A_125 = arith.constant 208 : i32
    %add3A_126 = vector.broadcast %add3A_125 : i32 to vector<16xi32>
    %add3A_127 = arith.addi %iota3A_124, %add3A_126 : vector<16xi32>
    %swap3A_128 = arith.constant 1 : i32
    %swap3A_129 = arith.index_cast %swap3A_128 : i32 to index
    %swap3A_130 = arith.constant 80 : index
    %swap3A_131 = tpu.vector_load %arg6[%swap3A_129, %swap3A_130] {strides = array<i32>} : memref<2x128xi32, #tpu.memory_space<vmem>>, vector<16xi32>,
    tpu.vector_store %arg6[%swap3A_129, %swap3A_130], %add3A_127 {strides = array<i32>} : memref<2x128xi32, #tpu.memory_space<vmem>>, vector<16xi32>,
    %iota3A_132 = tpu.iota {dimensions = array<i32: 0>} : vector<16xi32>
    %add3A_133 = arith.constant 224 : i32
    %add3A_134 = vector.broadcast %add3A_133 : i32 to vector<16xi32>
    %add3A_135 = arith.addi %iota3A_132, %add3A_134 : vector<16xi32>
    %swap3A_136 = arith.constant 1 : i32
    %swap3A_137 = arith.index_cast %swap3A_136 : i32 to index
    %swap3A_138 = arith.constant 96 : index
    %swap3A_139 = tpu.vector_load %arg6[%swap3A_137, %swap3A_138] {strides = array<i32>} : memref<2x128xi32, #tpu.memory_space<vmem>>, vector<16xi32>,
    tpu.vector_store %arg6[%swap3A_137, %swap3A_138], %add3A_135 {strides = array<i32>} : memref<2x128xi32, #tpu.memory_space<vmem>>, vector<16xi32>,
    %iota3A_140 = tpu.iota {dimensions = array<i32: 0>} : vector<16xi32>
    %add3A_141 = arith.constant 240 : i32
    %add3A_142 = vector.broadcast %add3A_141 : i32 to vector<16xi32>
    %add3A_143 = arith.addi %iota3A_140, %add3A_142 : vector<16xi32>
    %swap3A_144 = arith.constant 1 : i32
    %swap3A_145 = arith.index_cast %swap3A_144 : i32 to index
    %swap3A_146 = arith.constant 112 : index
    %swap3A_147 = tpu.vector_load %arg6[%swap3A_145, %swap3A_146] {strides = array<i32>} : memref<2x128xi32, #tpu.memory_space<vmem>>, vector<16xi32>,
    tpu.vector_store %arg6[%swap3A_145, %swap3A_146], %add3A_143 {strides = array<i32>} : memref<2x128xi32, #tpu.memory_space<vmem>>, vector<16xi32>,
    %eq3A = arith.constant 0 : i32
    %eq3A_148 = arith.cmpi eq, %arg1, %eq3A : i32
    %convert_element_type3A = arith.extui %eq3A_148 : i1 to i32
    %cond3A = arith.constant 0 : i32
    %cond3A_149 = arith.cmpi ne, %convert_element_type3A, %cond3A : i32
    scf.if %cond3A_149 {
      "tpu.region"() ({
        %run_scoped3A_164 = tpu.sem_alloc : memref<!tpu.dma_semaphore, #tpu.memory_space<semaphore_mem>>
        tpu.enqueue_dma source(%arg5 : memref<256x128xi32, #tpu.memory_space<vmem>>) target(%arg7 : memref<256x128xi32, #tpu.memory_space<vmem_shared>>) target_semaphore(%run_scoped3A_164 : memref<!tpu.dma_semaphore, #tpu.memory_space<semaphore_mem>>)
        tpu.wait_dma2 semaphore(%run_scoped3A_164 : memref<!tpu.dma_semaphore, #tpu.memory_space<semaphore_mem>>) src(%arg5 : memref<256x128xi32, #tpu.memory_space<vmem>>) dst(%arg7 : memref<256x128xi32, #tpu.memory_space<vmem_shared>>)
        tpu.yield
      }) : () -> ()
    } else {
    }
    %broadcast_in_dim3A = arith.constant 1 : i32
    %broadcast_in_dim3A_150 = vector.broadcast %broadcast_in_dim3A : i32 to vector<16xi32>
    %scan3A = arith.constant 0 : i32
    %scan3A_151 = arith.constant 0 : i32
    %scan3A_152 = arith.constant 8 : i32
    %scan3A_153 = arith.addi %scan3A_151, %scan3A_152 : i32
    %scan3A_154 = arith.constant 1 : i32
    %scan3A_155 = scf.for %scan3A_164 = %scan3A_151 to %scan3A_153 step %scan3A_154 iter_args(%scan3A_165 = %scan3A) -> (i32)  : i32 {
      %mul3A_166 = arith.constant 2 : i32
      %mul3A_167 = arith.muli %scan3A_164, %mul3A_166 : i32
      %add3A_168 = arith.constant 1 : i32
      %add3A_169 = arith.addi %mul3A_167, %add3A_168 : i32
      %shift_right_logical3A_170 = arith.constant 2 : i32
      %shift_right_logical3A_171 = arith.shrui %add3A_169, %shift_right_logical3A_170 : i32
      %add3A_172 = arith.addi %mul3A_2, %shift_right_logical3A_171 : i32
      %and3A_173 = arith.constant 3 : i32
      %and3A_174 = arith.andi %add3A_169, %and3A_173 : i32
      %mul3A_175 = arith.constant 8192 : i32
      %mul3A_176 = arith.muli %and3A_174, %mul3A_175 : i32
      %dma_start3A_177 = arith.constant 1 : i32
      %dma_start3A_178 = arith.constant 0 : i32
      %dma_start3A_179 = tpu.memref_slice %arg4[%dma_start3A_177, %dma_start3A_178] : memref<2x8192xf32, #tpu.memory_space<vmem>> -> memref<1x8192xf32, #tpu.memory_space<vmem>>
      %dma_start3A_180 = tpu.memref_squeeze %dma_start3A_179 : memref<1x8192xf32, #tpu.memory_space<vmem>> -> memref<8192xf32, #tpu.memory_space<vmem>>
      %dma_start3A_181 = tpu.memref_slice %arg2[%add3A_172, %mul3A_176] : memref<128x32768xf32, #tpu.memory_space<hbm>> -> memref<1x8192xf32, #tpu.memory_space<hbm>>
      %dma_start3A_182 = tpu.memref_squeeze %dma_start3A_181 : memref<1x8192xf32, #tpu.memory_space<hbm>> -> memref<8192xf32, #tpu.memory_space<hbm>>
      %dma_start3A_183 = arith.constant 0 : i32
      %dma_start3A_184 = tpu.memref_slice %arg4[%dma_start3A_177, %dma_start3A_183] : memref<2x8192xf32, #tpu.memory_space<vmem>> -> memref<1x8192xf32, #tpu.memory_space<vmem>>
      %dma_start3A_185 = tpu.memref_squeeze %dma_start3A_184 : memref<1x8192xf32, #tpu.memory_space<vmem>> -> memref<8192xf32, #tpu.memory_space<vmem>>
      %dma_start3A_186 = tpu.memref_slice %arg2[%add3A_172, %mul3A_176] : memref<128x32768xf32, #tpu.memory_space<hbm>> -> memref<1x8192xf32, #tpu.memory_space<hbm>>
      %dma_start3A_187 = tpu.memref_squeeze %dma_start3A_186 : memref<1x8192xf32, #tpu.memory_space<hbm>> -> memref<8192xf32, #tpu.memory_space<hbm>>
      tpu.enqueue_dma source(%dma_start3A_187 : memref<8192xf32, #tpu.memory_space<hbm>>) target(%dma_start3A_185 : memref<8192xf32, #tpu.memory_space<vmem>>) target_semaphore(%arg9 : memref<!tpu.dma_semaphore, #tpu.memory_space<semaphore_mem>>)
      %dma_wait3A = arith.constant 0 : i32
      %dma_wait3A_188 = arith.constant 0 : i32
      %dma_wait3A_189 = tpu.memref_slice %arg4[%dma_wait3A, %dma_wait3A_188] : memref<2x8192xf32, #tpu.memory_space<vmem>> -> memref<1x8192xf32, #tpu.memory_space<vmem>>
      %dma_wait3A_190 = tpu.memref_squeeze %dma_wait3A_189 : memref<1x8192xf32, #tpu.memory_space<vmem>> -> memref<8192xf32, #tpu.memory_space<vmem>>
      %dma_wait3A_191 = arith.constant 0 : i32
      %dma_wait3A_192 = tpu.memref_slice %arg2[%mul3A_2, %dma_wait3A_191] : memref<128x32768xf32, #tpu.memory_space<hbm>> -> memref<1x8192xf32, #tpu.memory_space<hbm>>
      %dma_wait3A_193 = tpu.memref_squeeze %dma_wait3A_192 : memref<1x8192xf32, #tpu.memory_space<hbm>> -> memref<8192xf32, #tpu.memory_space<hbm>>
      %dma_wait3A_194 = arith.constant 0 : i32
      %dma_wait3A_195 = tpu.memref_slice %arg4[%dma_wait3A, %dma_wait3A_194] : memref<2x8192xf32, #tpu.memory_space<vmem>> -> memref<1x8192xf32, #tpu.memory_space<vmem>>
      %dma_wait3A_196 = tpu.memref_squeeze %dma_wait3A_195 : memref<1x8192xf32, #tpu.memory_space<vmem>> -> memref<8192xf32, #tpu.memory_space<vmem>>
      %dma_wait3A_197 = arith.constant 0 : i32
      %dma_wait3A_198 = tpu.memref_slice %arg2[%mul3A_2, %dma_wait3A_197] : memref<128x32768xf32, #tpu.memory_space<hbm>> -> memref<1x8192xf32, #tpu.memory_space<hbm>>
      %dma_wait3A_199 = tpu.memref_squeeze %dma_wait3A_198 : memref<1x8192xf32, #tpu.memory_space<hbm>> -> memref<8192xf32, #tpu.memory_space<hbm>>
      tpu.wait_dma2 semaphore(%arg8 : memref<!tpu.dma_semaphore, #tpu.memory_space<semaphore_mem>>) src(%dma_wait3A_199 : memref<8192xf32, #tpu.memory_space<hbm>>) dst(%dma_wait3A_196 : memref<8192xf32, #tpu.memory_space<vmem>>)
      %parallel_loop3A_200 = arith.constant 0 : i32
      %parallel_loop3A_201 = arith.constant 512 : i32
      %parallel_loop3A_202 = arith.constant 1 : i32
      scf.for %parallel_loop3A_224 = %parallel_loop3A_200 to %parallel_loop3A_201 step %parallel_loop3A_202  : i32 {
        %parallel_loop3A_225 = arith.constant 16 : i32
        %parallel_loop3A_226 = arith.muli %parallel_loop3A_224, %parallel_loop3A_225 : i32
        %parallel_loop3A_227 = arith.constant 0 : i32
        %parallel_loop3A_228 = arith.index_cast %parallel_loop3A_227 : i32 to index
        %parallel_loop3A_229 = arith.index_cast %parallel_loop3A_226 : i32 to index
        %parallel_loop3A_230 = tpu.vector_load %arg4[%parallel_loop3A_228, %parallel_loop3A_229] {strides = array<i32>} : memref<2x8192xf32, #tpu.memory_space<vmem>>, vector<16xf32>,
        %parallel_loop3A_231 = tpu.bitcast %parallel_loop3A_230 : vector<16xf32> -> vector<16xi32>
        %parallel_loop3A_232 = arith.constant 2147483647 : i32
        %parallel_loop3A_233 = vector.broadcast %parallel_loop3A_232 : i32 to vector<16xi32>
        %parallel_loop3A_234 = arith.andi %parallel_loop3A_231, %parallel_loop3A_233 : vector<16xi32>
        %parallel_loop3A_235 = arith.constant 23 : i32
        %parallel_loop3A_236 = vector.broadcast %parallel_loop3A_235 : i32 to vector<16xi32>
        %parallel_loop3A_237 = arith.shrui %parallel_loop3A_234, %parallel_loop3A_236 : vector<16xi32>
        %parallel_loop3A_238 = arith.constant 16 : i32
        %parallel_loop3A_239 = vector.broadcast %parallel_loop3A_238 : i32 to vector<16xi32>
        %parallel_loop3A_240 = arith.shrui %parallel_loop3A_234, %parallel_loop3A_239 : vector<16xi32>
        %parallel_loop3A_241 = arith.constant 127 : i32
        %parallel_loop3A_242 = vector.broadcast %parallel_loop3A_241 : i32 to vector<16xi32>
        %parallel_loop3A_243 = arith.andi %parallel_loop3A_240, %parallel_loop3A_242 : vector<16xi32>
        tpu.vector_store_idx %arg5[%parallel_loop3A_237, %parallel_loop3A_243], %broadcast_in_dim3A_150 {add = true} : memref<256x128xi32, #tpu.memory_space<vmem>>[vector<16xi32>, vector<16xi32>], vector<16xi32>,
      } {sc.loop_unroll_factor = 16 : i64, sc.parallel_access}
      %lt3A = arith.constant 7 : i32
      %lt3A_203 = arith.cmpi slt, %scan3A_164, %lt3A : i32
      %convert_element_type3A_204 = arith.extui %lt3A_203 : i1 to i32
      %cond3A_205 = arith.constant 0 : i32
      %cond3A_206 = arith.cmpi ne, %convert_element_type3A_204, %cond3A_205 : i32
      scf.if %cond3A_206 {
        %mul3A_224 = arith.constant 2 : i32
        %mul3A_225 = arith.muli %scan3A_164, %mul3A_224 : i32
        %add3A_226 = arith.constant 2 : i32
        %add3A_227 = arith.addi %mul3A_225, %add3A_226 : i32
        %shift_right_logical3A_228 = arith.constant 2 : i32
        %shift_right_logical3A_229 = arith.shrui %add3A_227, %shift_right_logical3A_228 : i32
        %add3A_230 = arith.addi %mul3A_2, %shift_right_logical3A_229 : i32
        %and3A_231 = arith.constant 3 : i32
        %and3A_232 = arith.andi %add3A_227, %and3A_231 : i32
        %mul3A_233 = arith.constant 8192 : i32
        %mul3A_234 = arith.muli %and3A_232, %mul3A_233 : i32
        %dma_start3A_235 = arith.constant 0 : i32
        %dma_start3A_236 = arith.constant 0 : i32
        %dma_start3A_237 = tpu.memref_slice %arg4[%dma_start3A_235, %dma_start3A_236] : memref<2x8192xf32, #tpu.memory_space<vmem>> -> memref<1x8192xf32, #tpu.memory_space<vmem>>
        %dma_start3A_238 = tpu.memref_squeeze %dma_start3A_237 : memref<1x8192xf32, #tpu.memory_space<vmem>> -> memref<8192xf32, #tpu.memory_space<vmem>>
        %dma_start3A_239 = tpu.memref_slice %arg2[%add3A_230, %mul3A_234] : memref<128x32768xf32, #tpu.memory_space<hbm>> -> memref<1x8192xf32, #tpu.memory_space<hbm>>
        %dma_start3A_240 = tpu.memref_squeeze %dma_start3A_239 : memref<1x8192xf32, #tpu.memory_space<hbm>> -> memref<8192xf32, #tpu.memory_space<hbm>>
        %dma_start3A_241 = arith.constant 0 : i32
        %dma_start3A_242 = tpu.memref_slice %arg4[%dma_start3A_235, %dma_start3A_241] : memref<2x8192xf32, #tpu.memory_space<vmem>> -> memref<1x8192xf32, #tpu.memory_space<vmem>>
        %dma_start3A_243 = tpu.memref_squeeze %dma_start3A_242 : memref<1x8192xf32, #tpu.memory_space<vmem>> -> memref<8192xf32, #tpu.memory_space<vmem>>
        %dma_start3A_244 = tpu.memref_slice %arg2[%add3A_230, %mul3A_234] : memref<128x32768xf32, #tpu.memory_space<hbm>> -> memref<1x8192xf32, #tpu.memory_space<hbm>>
        %dma_start3A_245 = tpu.memref_squeeze %dma_start3A_244 : memref<1x8192xf32, #tpu.memory_space<hbm>> -> memref<8192xf32, #tpu.memory_space<hbm>>
        tpu.enqueue_dma source(%dma_start3A_245 : memref<8192xf32, #tpu.memory_space<hbm>>) target(%dma_start3A_243 : memref<8192xf32, #tpu.memory_space<vmem>>) target_semaphore(%arg8 : memref<!tpu.dma_semaphore, #tpu.memory_space<semaphore_mem>>)
      } else {
      }
      %dma_wait3A_207 = arith.constant 1 : i32
      %dma_wait3A_208 = arith.constant 0 : i32
      %dma_wait3A_209 = tpu.memref_slice %arg4[%dma_wait3A_207, %dma_wait3A_208] : memref<2x8192xf32, #tpu.memory_space<vmem>> -> memref<1x8192xf32, #tpu.memory_space<vmem>>
      %dma_wait3A_210 = tpu.memref_squeeze %dma_wait3A_209 : memref<1x8192xf32, #tpu.memory_space<vmem>> -> memref<8192xf32, #tpu.memory_space<vmem>>
      %dma_wait3A_211 = arith.constant 0 : i32
      %dma_wait3A_212 = tpu.memref_slice %arg2[%mul3A_2, %dma_wait3A_211] : memref<128x32768xf32, #tpu.memory_space<hbm>> -> memref<1x8192xf32, #tpu.memory_space<hbm>>
      %dma_wait3A_213 = tpu.memref_squeeze %dma_wait3A_212 : memref<1x8192xf32, #tpu.memory_space<hbm>> -> memref<8192xf32, #tpu.memory_space<hbm>>
      %dma_wait3A_214 = arith.constant 0 : i32
      %dma_wait3A_215 = tpu.memref_slice %arg4[%dma_wait3A_207, %dma_wait3A_214] : memref<2x8192xf32, #tpu.memory_space<vmem>> -> memref<1x8192xf32, #tpu.memory_space<vmem>>
      %dma_wait3A_216 = tpu.memref_squeeze %dma_wait3A_215 : memref<1x8192xf32, #tpu.memory_space<vmem>> -> memref<8192xf32, #tpu.memory_space<vmem>>
      %dma_wait3A_217 = arith.constant 0 : i32
      %dma_wait3A_218 = tpu.memref_slice %arg2[%mul3A_2, %dma_wait3A_217] : memref<128x32768xf32, #tpu.memory_space<hbm>> -> memref<1x8192xf32, #tpu.memory_space<hbm>>
      %dma_wait3A_219 = tpu.memref_squeeze %dma_wait3A_218 : memref<1x8192xf32, #tpu.memory_space<hbm>> -> memref<8192xf32, #tpu.memory_space<hbm>>
      tpu.wait_dma2 semaphore(%arg9 : memref<!tpu.dma_semaphore, #tpu.memory_space<semaphore_mem>>) src(%dma_wait3A_219 : memref<8192xf32, #tpu.memory_space<hbm>>) dst(%dma_wait3A_216 : memref<8192xf32, #tpu.memory_space<vmem>>)
      %parallel_loop3A_220 = arith.constant 0 : i32
      %parallel_loop3A_221 = arith.constant 512 : i32
      %parallel_loop3A_222 = arith.constant 1 : i32
      scf.for %parallel_loop3A_224 = %parallel_loop3A_220 to %parallel_loop3A_221 step %parallel_loop3A_222  : i32 {
        %parallel_loop3A_225 = arith.constant 16 : i32
        %parallel_loop3A_226 = arith.muli %parallel_loop3A_224, %parallel_loop3A_225 : i32
        %parallel_loop3A_227 = arith.constant 1 : i32
        %parallel_loop3A_228 = arith.index_cast %parallel_loop3A_227 : i32 to index
        %parallel_loop3A_229 = arith.index_cast %parallel_loop3A_226 : i32 to index
        %parallel_loop3A_230 = tpu.vector_load %arg4[%parallel_loop3A_228, %parallel_loop3A_229] {strides = array<i32>} : memref<2x8192xf32, #tpu.memory_space<vmem>>, vector<16xf32>,
        %parallel_loop3A_231 = tpu.bitcast %parallel_loop3A_230 : vector<16xf32> -> vector<16xi32>
        %parallel_loop3A_232 = arith.constant 2147483647 : i32
        %parallel_loop3A_233 = vector.broadcast %parallel_loop3A_232 : i32 to vector<16xi32>
        %parallel_loop3A_234 = arith.andi %parallel_loop3A_231, %parallel_loop3A_233 : vector<16xi32>
        %parallel_loop3A_235 = arith.constant 23 : i32
        %parallel_loop3A_236 = vector.broadcast %parallel_loop3A_235 : i32 to vector<16xi32>
        %parallel_loop3A_237 = arith.shrui %parallel_loop3A_234, %parallel_loop3A_236 : vector<16xi32>
        %parallel_loop3A_238 = arith.constant 16 : i32
        %parallel_loop3A_239 = vector.broadcast %parallel_loop3A_238 : i32 to vector<16xi32>
        %parallel_loop3A_240 = arith.shrui %parallel_loop3A_234, %parallel_loop3A_239 : vector<16xi32>
        %parallel_loop3A_241 = arith.constant 127 : i32
        %parallel_loop3A_242 = vector.broadcast %parallel_loop3A_241 : i32 to vector<16xi32>
        %parallel_loop3A_243 = arith.andi %parallel_loop3A_240, %parallel_loop3A_242 : vector<16xi32>
        tpu.vector_store_idx %arg5[%parallel_loop3A_237, %parallel_loop3A_243], %broadcast_in_dim3A_150 {add = true} : memref<256x128xi32, #tpu.memory_space<vmem>>[vector<16xi32>, vector<16xi32>], vector<16xi32>,
      } {sc.loop_unroll_factor = 16 : i64, sc.parallel_access}
      %scan3A_223 = arith.constant 0 : i32
      scf.yield %scan3A_223 : i32
    }
    %scan3A_156 = arith.constant 8 : i32
    %barrier3A = arith.constant 0 : index
    tpu.barrier barrier_id(%barrier3A)
    %run_scoped3A = arith.constant 0 : i32
    "tpu.region"() ({
      %run_scoped3A_164 = tpu.sem_alloc : memref<!tpu.dma_semaphore, #tpu.memory_space<semaphore_mem>>
      %dma_start3A_165 = arith.constant 0 : i32
      %dma_start3A_166 = arith.constant 0 : i32
      %dma_start3A_167 = tpu.memref_slice %arg5[%dma_start3A_165, %dma_start3A_166] : memref<256x128xi32, #tpu.memory_space<vmem>> -> memref<128x128xi32, #tpu.memory_space<vmem>>
      %dma_start3A_168 = arith.constant 0 : i32
      %dma_start3A_169 = tpu.memref_slice %arg6[%run_scoped3A, %dma_start3A_168] : memref<2x128xi32, #tpu.memory_space<vmem>> -> memref<1x128xi32, #tpu.memory_space<vmem>>
      %dma_start3A_170 = tpu.memref_squeeze %dma_start3A_169 : memref<1x128xi32, #tpu.memory_space<vmem>> -> memref<128xi32, #tpu.memory_space<vmem>>
      %dma_start3A_171 = arith.constant 0 : i32
      %dma_start3A_172 = arith.constant 0 : i32
      %dma_start3A_173 = tpu.memref_slice %arg7[%dma_start3A_171, %dma_start3A_172] : memref<256x128xi32, #tpu.memory_space<vmem_shared>> -> memref<256x128xi32, #tpu.memory_space<vmem_shared>>
      tpu.enqueue_indirect_dma source(%dma_start3A_167 : memref<128x128xi32, #tpu.memory_space<vmem>>) target(%dma_start3A_173 : memref<256x128xi32, #tpu.memory_space<vmem_shared>>) offsets(%dma_start3A_170 : memref<128xi32, #tpu.memory_space<vmem>>) semaphore(%run_scoped3A_164 : memref<!tpu.dma_semaphore, #tpu.memory_space<semaphore_mem>>) {add = true}
      %dma_wait3A = arith.constant 0 : i32
      %dma_wait3A_174 = arith.constant 0 : i32
      %dma_wait3A_175 = tpu.memref_slice %arg5[%dma_wait3A, %dma_wait3A_174] : memref<256x128xi32, #tpu.memory_space<vmem>> -> memref<128x128xi32, #tpu.memory_space<vmem>>
      %dma_wait3A_176 = arith.constant 0 : i32
      %dma_wait3A_177 = tpu.memref_slice %arg6[%run_scoped3A, %dma_wait3A_176] : memref<2x128xi32, #tpu.memory_space<vmem>> -> memref<1x128xi32, #tpu.memory_space<vmem>>
      %dma_wait3A_178 = tpu.memref_squeeze %dma_wait3A_177 : memref<1x128xi32, #tpu.memory_space<vmem>> -> memref<128xi32, #tpu.memory_space<vmem>>
      %dma_wait3A_179 = arith.constant 0 : i32
      %dma_wait3A_180 = arith.constant 0 : i32
      %dma_wait3A_181 = tpu.memref_slice %arg7[%dma_wait3A_179, %dma_wait3A_180] : memref<256x128xi32, #tpu.memory_space<vmem_shared>> -> memref<256x128xi32, #tpu.memory_space<vmem_shared>>
      tpu.wait_indirect_dma semaphore(%run_scoped3A_164 : memref<!tpu.dma_semaphore, #tpu.memory_space<semaphore_mem>>) src(%dma_wait3A_175 : memref<128x128xi32, #tpu.memory_space<vmem>>) dst(%dma_wait3A_181 : memref<256x128xi32, #tpu.memory_space<vmem_shared>>)
      tpu.yield
    }) : () -> ()
    %run_scoped3A_157 = arith.constant 1 : i32
    "tpu.region"() ({
      %run_scoped3A_164 = tpu.sem_alloc : memref<!tpu.dma_semaphore, #tpu.memory_space<semaphore_mem>>
      %dma_start3A_165 = arith.constant 128 : i32
      %dma_start3A_166 = arith.constant 0 : i32
      %dma_start3A_167 = tpu.memref_slice %arg5[%dma_start3A_165, %dma_start3A_166] : memref<256x128xi32, #tpu.memory_space<vmem>> -> memref<128x128xi32, #tpu.memory_space<vmem>>
      %dma_start3A_168 = arith.constant 0 : i32
      %dma_start3A_169 = tpu.memref_slice %arg6[%run_scoped3A_157, %dma_start3A_168] : memref<2x128xi32, #tpu.memory_space<vmem>> -> memref<1x128xi32, #tpu.memory_space<vmem>>
      %dma_start3A_170 = tpu.memref_squeeze %dma_start3A_169 : memref<1x128xi32, #tpu.memory_space<vmem>> -> memref<128xi32, #tpu.memory_space<vmem>>
      %dma_start3A_171 = arith.constant 0 : i32
      %dma_start3A_172 = arith.constant 0 : i32
      %dma_start3A_173 = tpu.memref_slice %arg7[%dma_start3A_171, %dma_start3A_172] : memref<256x128xi32, #tpu.memory_space<vmem_shared>> -> memref<256x128xi32, #tpu.memory_space<vmem_shared>>
      tpu.enqueue_indirect_dma source(%dma_start3A_167 : memref<128x128xi32, #tpu.memory_space<vmem>>) target(%dma_start3A_173 : memref<256x128xi32, #tpu.memory_space<vmem_shared>>) offsets(%dma_start3A_170 : memref<128xi32, #tpu.memory_space<vmem>>) semaphore(%run_scoped3A_164 : memref<!tpu.dma_semaphore, #tpu.memory_space<semaphore_mem>>) {add = true}
      %dma_wait3A = arith.constant 128 : i32
      %dma_wait3A_174 = arith.constant 0 : i32
      %dma_wait3A_175 = tpu.memref_slice %arg5[%dma_wait3A, %dma_wait3A_174] : memref<256x128xi32, #tpu.memory_space<vmem>> -> memref<128x128xi32, #tpu.memory_space<vmem>>
      %dma_wait3A_176 = arith.constant 0 : i32
      %dma_wait3A_177 = tpu.memref_slice %arg6[%run_scoped3A_157, %dma_wait3A_176] : memref<2x128xi32, #tpu.memory_space<vmem>> -> memref<1x128xi32, #tpu.memory_space<vmem>>
      %dma_wait3A_178 = tpu.memref_squeeze %dma_wait3A_177 : memref<1x128xi32, #tpu.memory_space<vmem>> -> memref<128xi32, #tpu.memory_space<vmem>>
      %dma_wait3A_179 = arith.constant 0 : i32
      %dma_wait3A_180 = arith.constant 0 : i32
      %dma_wait3A_181 = tpu.memref_slice %arg7[%dma_wait3A_179, %dma_wait3A_180] : memref<256x128xi32, #tpu.memory_space<vmem_shared>> -> memref<256x128xi32, #tpu.memory_space<vmem_shared>>
      tpu.wait_indirect_dma semaphore(%run_scoped3A_164 : memref<!tpu.dma_semaphore, #tpu.memory_space<semaphore_mem>>) src(%dma_wait3A_175 : memref<128x128xi32, #tpu.memory_space<vmem>>) dst(%dma_wait3A_181 : memref<256x128xi32, #tpu.memory_space<vmem_shared>>)
      tpu.yield
    }) : () -> ()
    %barrier3A_158 = arith.constant 0 : index
    tpu.barrier barrier_id(%barrier3A_158)
    %eq3A_159 = arith.constant 0 : i32
    %eq3A_160 = arith.cmpi eq, %arg1, %eq3A_159 : i32
    %convert_element_type3A_161 = arith.extui %eq3A_160 : i1 to i32
    %cond3A_162 = arith.constant 0 : i32
    %cond3A_163 = arith.cmpi ne, %convert_element_type3A_161, %cond3A_162 : i32
    scf.if %cond3A_163 {
      "tpu.region"() ({
        %run_scoped3A_164 = tpu.sem_alloc : memref<!tpu.dma_semaphore, #tpu.memory_space<semaphore_mem>>
        %dma_start3A_165 = arith.constant 0 : i32
        %dma_start3A_166 = arith.constant 0 : i32
        %dma_start3A_167 = tpu.memref_slice %arg3[%arg0, %dma_start3A_165, %dma_start3A_166] : memref<2x256x128xi32, #tpu.memory_space<hbm>> -> memref<1x256x128xi32, #tpu.memory_space<hbm>>
        %dma_start3A_168 = tpu.memref_squeeze %dma_start3A_167 : memref<1x256x128xi32, #tpu.memory_space<hbm>> -> memref<256x128xi32, #tpu.memory_space<hbm>>
        tpu.enqueue_dma source(%arg7 : memref<256x128xi32, #tpu.memory_space<vmem_shared>>) target(%dma_start3A_168 : memref<256x128xi32, #tpu.memory_space<hbm>>) target_semaphore(%run_scoped3A_164 : memref<!tpu.dma_semaphore, #tpu.memory_space<semaphore_mem>>)
        %dma_wait3A = arith.constant 0 : i32
        %dma_wait3A_169 = arith.constant 0 : i32
        %dma_wait3A_170 = tpu.memref_slice %arg3[%arg0, %dma_wait3A, %dma_wait3A_169] : memref<2x256x128xi32, #tpu.memory_space<hbm>> -> memref<1x256x128xi32, #tpu.memory_space<hbm>>
        %dma_wait3A_171 = tpu.memref_squeeze %dma_wait3A_170 : memref<1x256x128xi32, #tpu.memory_space<hbm>> -> memref<256x128xi32, #tpu.memory_space<hbm>>
        tpu.wait_dma2 semaphore(%run_scoped3A_164 : memref<!tpu.dma_semaphore, #tpu.memory_space<semaphore_mem>>) src(%arg7 : memref<256x128xi32, #tpu.memory_space<vmem_shared>>) dst(%dma_wait3A_171 : memref<256x128xi32, #tpu.memory_space<hbm>>)
        tpu.yield
      }) : () -> ()
    } else {
    }
    return
  }
}

module attributes {stable_mosaic.version = 14 : i64} {
  func.func @_tc_bin_kernel(%arg0: memref<2x256x128xi32, #tpu.memory_space<vmem>>, %arg1: memref<8x128xi32, #tpu.memory_space<vmem>>) attributes {dimension_semantics = [], scalar_prefetch = 0 : i64, scratch_operands = 0 : i64, tpu.core_type = #tpu.core_type<tc>} {
    %get3A = arith.constant 0 : index
    %get3A_0 = arith.constant 0 : index
    %get3A_1 = arith.constant 0 : index
    %get3A_2 = vector.load %arg0[%get3A, %get3A_0, %get3A_1] : memref<2x256x128xi32, #tpu.memory_space<vmem>>, vector<1x256x128xi32>
    %get3A_3 = vector.shape_cast %get3A_2 : vector<1x256x128xi32> to vector<256x128xi32>
    %get3A_4 = arith.constant 1 : index
    %get3A_5 = arith.constant 0 : index
    %get3A_6 = arith.constant 0 : index
    %get3A_7 = vector.load %arg0[%get3A_4, %get3A_5, %get3A_6] : memref<2x256x128xi32, #tpu.memory_space<vmem>>, vector<1x256x128xi32>
    %get3A_8 = vector.shape_cast %get3A_7 : vector<1x256x128xi32> to vector<256x128xi32>
    %add3A = arith.addi %get3A_3, %get3A_8 : vector<256x128xi32>
    %broadcast_in_dim3A = arith.constant 0 : i32
    %broadcast_in_dim3A_9 = vector.broadcast %broadcast_in_dim3A : i32 to vector<256x1xi32>
    %slice3A = vector.extract_strided_slice %add3A {offsets = [0, 0], sizes = [256, 127], strides = [1, 1]} : vector<256x128xi32> to vector<256x127xi32>
    %concatenate3A = tpu.concatenate %broadcast_in_dim3A_9, %slice3A in 1 : vector<256x1xi32>, vector<256x127xi32> -> vector<256x128xi32>
    %add3A_10 = arith.addi %add3A, %concatenate3A : vector<256x128xi32>
    %broadcast_in_dim3A_11 = arith.constant 0 : i32
    %broadcast_in_dim3A_12 = vector.broadcast %broadcast_in_dim3A_11 : i32 to vector<256x2xi32>
    %slice3A_13 = vector.extract_strided_slice %add3A_10 {offsets = [0, 0], sizes = [256, 126], strides = [1, 1]} : vector<256x128xi32> to vector<256x126xi32>
    %concatenate3A_14 = tpu.concatenate %broadcast_in_dim3A_12, %slice3A_13 in 1 : vector<256x2xi32>, vector<256x126xi32> -> vector<256x128xi32>
    %add3A_15 = arith.addi %add3A_10, %concatenate3A_14 : vector<256x128xi32>
    %broadcast_in_dim3A_16 = arith.constant 0 : i32
    %broadcast_in_dim3A_17 = vector.broadcast %broadcast_in_dim3A_16 : i32 to vector<256x4xi32>
    %slice3A_18 = vector.extract_strided_slice %add3A_15 {offsets = [0, 0], sizes = [256, 124], strides = [1, 1]} : vector<256x128xi32> to vector<256x124xi32>
    %concatenate3A_19 = tpu.concatenate %broadcast_in_dim3A_17, %slice3A_18 in 1 : vector<256x4xi32>, vector<256x124xi32> -> vector<256x128xi32>
    %add3A_20 = arith.addi %add3A_15, %concatenate3A_19 : vector<256x128xi32>
    %broadcast_in_dim3A_21 = arith.constant 0 : i32
    %broadcast_in_dim3A_22 = vector.broadcast %broadcast_in_dim3A_21 : i32 to vector<256x8xi32>
    %slice3A_23 = vector.extract_strided_slice %add3A_20 {offsets = [0, 0], sizes = [256, 120], strides = [1, 1]} : vector<256x128xi32> to vector<256x120xi32>
    %concatenate3A_24 = tpu.concatenate %broadcast_in_dim3A_22, %slice3A_23 in 1 : vector<256x8xi32>, vector<256x120xi32> -> vector<256x128xi32>
    %add3A_25 = arith.addi %add3A_20, %concatenate3A_24 : vector<256x128xi32>
    %broadcast_in_dim3A_26 = arith.constant 0 : i32
    %broadcast_in_dim3A_27 = vector.broadcast %broadcast_in_dim3A_26 : i32 to vector<256x16xi32>
    %slice3A_28 = vector.extract_strided_slice %add3A_25 {offsets = [0, 0], sizes = [256, 112], strides = [1, 1]} : vector<256x128xi32> to vector<256x112xi32>
    %concatenate3A_29 = tpu.concatenate %broadcast_in_dim3A_27, %slice3A_28 in 1 : vector<256x16xi32>, vector<256x112xi32> -> vector<256x128xi32>
    %add3A_30 = arith.addi %add3A_25, %concatenate3A_29 : vector<256x128xi32>
    %broadcast_in_dim3A_31 = arith.constant 0 : i32
    %broadcast_in_dim3A_32 = vector.broadcast %broadcast_in_dim3A_31 : i32 to vector<256x32xi32>
    %slice3A_33 = vector.extract_strided_slice %add3A_30 {offsets = [0, 0], sizes = [256, 96], strides = [1, 1]} : vector<256x128xi32> to vector<256x96xi32>
    %concatenate3A_34 = tpu.concatenate %broadcast_in_dim3A_32, %slice3A_33 in 1 : vector<256x32xi32>, vector<256x96xi32> -> vector<256x128xi32>
    %add3A_35 = arith.addi %add3A_30, %concatenate3A_34 : vector<256x128xi32>
    %broadcast_in_dim3A_36 = arith.constant 0 : i32
    %broadcast_in_dim3A_37 = vector.broadcast %broadcast_in_dim3A_36 : i32 to vector<256x64xi32>
    %slice3A_38 = vector.extract_strided_slice %add3A_35 {offsets = [0, 0], sizes = [256, 64], strides = [1, 1]} : vector<256x128xi32> to vector<256x64xi32>
    %concatenate3A_39 = tpu.concatenate %broadcast_in_dim3A_37, %slice3A_38 in 1 : vector<256x64xi32>, vector<256x64xi32> -> vector<256x128xi32>
    %add3A_40 = arith.addi %add3A_35, %concatenate3A_39 : vector<256x128xi32>
    %reduce_sum3A = arith.constant dense<0> : vector<256xi32>
    %reduce_sum3A_41 = vector.multi_reduction <add>, %add3A, %reduce_sum3A [1] : vector<256x128xi32> to vector<256xi32>
    %broadcast_in_dim3A_42 = vector.shape_cast %reduce_sum3A_41 : vector<256xi32> to vector<256x1xi32>
    %broadcast_in_dim3A_43 = arith.constant 0 : i32
    %broadcast_in_dim3A_44 = vector.broadcast %broadcast_in_dim3A_43 : i32 to vector<1x1xi32>
    %slice3A_45 = vector.extract_strided_slice %broadcast_in_dim3A_42 {offsets = [0, 0], sizes = [255, 1], strides = [1, 1]} : vector<256x1xi32> to vector<255x1xi32>
    %concatenate3A_46 = tpu.concatenate %broadcast_in_dim3A_44, %slice3A_45 in 0 : vector<1x1xi32>, vector<255x1xi32> -> vector<256x1xi32>
    %add3A_47 = arith.addi %broadcast_in_dim3A_42, %concatenate3A_46 : vector<256x1xi32>
    %broadcast_in_dim3A_48 = arith.constant 0 : i32
    %broadcast_in_dim3A_49 = vector.broadcast %broadcast_in_dim3A_48 : i32 to vector<2x1xi32>
    %slice3A_50 = vector.extract_strided_slice %add3A_47 {offsets = [0, 0], sizes = [254, 1], strides = [1, 1]} : vector<256x1xi32> to vector<254x1xi32>
    %concatenate3A_51 = tpu.concatenate %broadcast_in_dim3A_49, %slice3A_50 in 0 : vector<2x1xi32>, vector<254x1xi32> -> vector<256x1xi32>
    %add3A_52 = arith.addi %add3A_47, %concatenate3A_51 : vector<256x1xi32>
    %broadcast_in_dim3A_53 = arith.constant 0 : i32
    %broadcast_in_dim3A_54 = vector.broadcast %broadcast_in_dim3A_53 : i32 to vector<4x1xi32>
    %slice3A_55 = vector.extract_strided_slice %add3A_52 {offsets = [0, 0], sizes = [252, 1], strides = [1, 1]} : vector<256x1xi32> to vector<252x1xi32>
    %concatenate3A_56 = tpu.concatenate %broadcast_in_dim3A_54, %slice3A_55 in 0 : vector<4x1xi32>, vector<252x1xi32> -> vector<256x1xi32>
    %add3A_57 = arith.addi %add3A_52, %concatenate3A_56 : vector<256x1xi32>
    %broadcast_in_dim3A_58 = arith.constant 0 : i32
    %broadcast_in_dim3A_59 = vector.broadcast %broadcast_in_dim3A_58 : i32 to vector<8x1xi32>
    %slice3A_60 = vector.extract_strided_slice %add3A_57 {offsets = [0, 0], sizes = [248, 1], strides = [1, 1]} : vector<256x1xi32> to vector<248x1xi32>
    %concatenate3A_61 = tpu.concatenate %broadcast_in_dim3A_59, %slice3A_60 in 0 : vector<8x1xi32>, vector<248x1xi32> -> vector<256x1xi32>
    %add3A_62 = arith.addi %add3A_57, %concatenate3A_61 : vector<256x1xi32>
    %broadcast_in_dim3A_63 = arith.constant 0 : i32
    %broadcast_in_dim3A_64 = vector.broadcast %broadcast_in_dim3A_63 : i32 to vector<16x1xi32>
    %slice3A_65 = vector.extract_strided_slice %add3A_62 {offsets = [0, 0], sizes = [240, 1], strides = [1, 1]} : vector<256x1xi32> to vector<240x1xi32>
    %concatenate3A_66 = tpu.concatenate %broadcast_in_dim3A_64, %slice3A_65 in 0 : vector<16x1xi32>, vector<240x1xi32> -> vector<256x1xi32>
    %add3A_67 = arith.addi %add3A_62, %concatenate3A_66 : vector<256x1xi32>
    %broadcast_in_dim3A_68 = arith.constant 0 : i32
    %broadcast_in_dim3A_69 = vector.broadcast %broadcast_in_dim3A_68 : i32 to vector<32x1xi32>
    %slice3A_70 = vector.extract_strided_slice %add3A_67 {offsets = [0, 0], sizes = [224, 1], strides = [1, 1]} : vector<256x1xi32> to vector<224x1xi32>
    %concatenate3A_71 = tpu.concatenate %broadcast_in_dim3A_69, %slice3A_70 in 0 : vector<32x1xi32>, vector<224x1xi32> -> vector<256x1xi32>
    %add3A_72 = arith.addi %add3A_67, %concatenate3A_71 : vector<256x1xi32>
    %broadcast_in_dim3A_73 = arith.constant 0 : i32
    %broadcast_in_dim3A_74 = vector.broadcast %broadcast_in_dim3A_73 : i32 to vector<64x1xi32>
    %slice3A_75 = vector.extract_strided_slice %add3A_72 {offsets = [0, 0], sizes = [192, 1], strides = [1, 1]} : vector<256x1xi32> to vector<192x1xi32>
    %concatenate3A_76 = tpu.concatenate %broadcast_in_dim3A_74, %slice3A_75 in 0 : vector<64x1xi32>, vector<192x1xi32> -> vector<256x1xi32>
    %add3A_77 = arith.addi %add3A_72, %concatenate3A_76 : vector<256x1xi32>
    %broadcast_in_dim3A_78 = arith.constant 0 : i32
    %broadcast_in_dim3A_79 = vector.broadcast %broadcast_in_dim3A_78 : i32 to vector<128x1xi32>
    %slice3A_80 = vector.extract_strided_slice %add3A_77 {offsets = [0, 0], sizes = [128, 1], strides = [1, 1]} : vector<256x1xi32> to vector<128x1xi32>
    %concatenate3A_81 = tpu.concatenate %broadcast_in_dim3A_79, %slice3A_80 in 0 : vector<128x1xi32>, vector<128x1xi32> -> vector<256x1xi32>
    %add3A_82 = arith.addi %add3A_77, %concatenate3A_81 : vector<256x1xi32>
    %sub3A = arith.subi %add3A_82, %broadcast_in_dim3A_42 : vector<256x1xi32>
    %add3A_83 = vector.broadcast %sub3A : vector<256x1xi32> to vector<256x128xi32>
    %add3A_84 = arith.addi %add3A_83, %add3A_40 : vector<256x128xi32>
    %lt3A = arith.constant 2097152 : i32
    %lt3A_85 = vector.broadcast %lt3A : i32 to vector<256x128xi32>
    %lt3A_86 = arith.cmpi slt, %add3A_84, %lt3A_85 : vector<256x128xi32>
    %convert_element_type3A = arith.extui %lt3A_86 : vector<256x128xi1> to vector<256x128xi32>
    %reduce_sum3A_87 = vector.shape_cast %convert_element_type3A : vector<256x128xi32> to vector<1x256x128xi32>
    %reduce_sum3A_88 = arith.constant dense<0> : vector<1xi32>
    %reduce_sum3A_89 = vector.multi_reduction <add>, %reduce_sum3A_87, %reduce_sum3A_88 [1, 2] : vector<1x256x128xi32> to vector<1xi32>
    %reduce_sum3A_90 = vector.shape_cast %reduce_sum3A_89 : vector<1xi32> to vector<1x1x1xi32>
    %reduce_sum3A_91 = vector.extract %reduce_sum3A_90[0, 0, 0] : i32 from vector<1x1x1xi32>
    %broadcast_in_dim3A_92 = vector.broadcast %reduce_sum3A_91 : i32 to vector<8x128xi32>
    %swap3A = arith.constant 0 : index
    %swap3A_93 = arith.constant 0 : index
    %swap3A_94 = vector.load %arg1[%swap3A, %swap3A_93] : memref<8x128xi32, #tpu.memory_space<vmem>>, vector<8x128xi32>
    tpu.vector_store %arg1[%swap3A, %swap3A_93], %broadcast_in_dim3A_92 {strides = array<i32>} : memref<8x128xi32, #tpu.memory_space<vmem>>, vector<8x128xi32>,
    return
  }
}

module attributes {stable_mosaic.version = 14 : i64} {
  func.func @_tc_apply_kernel(%arg0: i32, %arg1: memref<8x32768xf32, #tpu.memory_space<vmem>>, %arg2: memref<2x256x128xi32, #tpu.memory_space<vmem>>, %arg3: memref<2x512x128xi32, #tpu.memory_space<vmem>>, %arg4: memref<8x32768xf32, #tpu.memory_space<vmem>>, %arg5: memref<1xi32, #tpu.memory_space<smem>>) attributes {dimension_semantics = [#tpu.dimension_semantics<arbitrary>], iteration_bounds = array<i64: 16>, scalar_prefetch = 0 : i64, scratch_operands = 1 : i64, tpu.core_type = #tpu.core_type<tc>, window_params = [{transform_indices = @transform_0, window_bounds = array<i64: 8, 32768>}, {pipeline_mode = #tpu.pipeline_mode<synchronous>, transform_indices = @transform_1, window_bounds = array<i64: 2, 256, 128>}, {pipeline_mode = #tpu.pipeline_mode<synchronous>, transform_indices = @transform_2, window_bounds = array<i64: 2, 512, 128>}, {transform_indices = @transform_3, window_bounds = array<i64: 8, 32768>}]} {
    %eq3A = arith.constant 0 : i32
    %eq3A_0 = arith.cmpi eq, %arg0, %eq3A : i32
    %convert_element_type3A = arith.extui %eq3A_0 : i1 to i32
    %cond3A = arith.constant 0 : i32
    %cond3A_1 = arith.cmpi ne, %convert_element_type3A, %cond3A : i32
    scf.if %cond3A_1 {
      %get3A_11 = arith.constant 0 : index
      %get3A_12 = arith.constant 0 : index
      %get3A_13 = arith.constant 0 : index
      %get3A_14 = vector.load %arg2[%get3A_11, %get3A_12, %get3A_13] : memref<2x256x128xi32, #tpu.memory_space<vmem>>, vector<1x256x128xi32>
      %get3A_15 = vector.shape_cast %get3A_14 : vector<1x256x128xi32> to vector<256x128xi32>
      %get3A_16 = arith.constant 1 : index
      %get3A_17 = arith.constant 0 : index
      %get3A_18 = arith.constant 0 : index
      %get3A_19 = vector.load %arg2[%get3A_16, %get3A_17, %get3A_18] : memref<2x256x128xi32, #tpu.memory_space<vmem>>, vector<1x256x128xi32>
      %get3A_20 = vector.shape_cast %get3A_19 : vector<1x256x128xi32> to vector<256x128xi32>
      %add3A = arith.addi %get3A_15, %get3A_20 : vector<256x128xi32>
      %broadcast_in_dim3A_21 = arith.constant 0 : i32
      %broadcast_in_dim3A_22 = vector.broadcast %broadcast_in_dim3A_21 : i32 to vector<256x1xi32>
      %slice3A = vector.extract_strided_slice %add3A {offsets = [0, 0], sizes = [256, 127], strides = [1, 1]} : vector<256x128xi32> to vector<256x127xi32>
      %concatenate3A = tpu.concatenate %broadcast_in_dim3A_22, %slice3A in 1 : vector<256x1xi32>, vector<256x127xi32> -> vector<256x128xi32>
      %add3A_23 = arith.addi %add3A, %concatenate3A : vector<256x128xi32>
      %broadcast_in_dim3A_24 = arith.constant 0 : i32
      %broadcast_in_dim3A_25 = vector.broadcast %broadcast_in_dim3A_24 : i32 to vector<256x2xi32>
      %slice3A_26 = vector.extract_strided_slice %add3A_23 {offsets = [0, 0], sizes = [256, 126], strides = [1, 1]} : vector<256x128xi32> to vector<256x126xi32>
      %concatenate3A_27 = tpu.concatenate %broadcast_in_dim3A_25, %slice3A_26 in 1 : vector<256x2xi32>, vector<256x126xi32> -> vector<256x128xi32>
      %add3A_28 = arith.addi %add3A_23, %concatenate3A_27 : vector<256x128xi32>
      %broadcast_in_dim3A_29 = arith.constant 0 : i32
      %broadcast_in_dim3A_30 = vector.broadcast %broadcast_in_dim3A_29 : i32 to vector<256x4xi32>
      %slice3A_31 = vector.extract_strided_slice %add3A_28 {offsets = [0, 0], sizes = [256, 124], strides = [1, 1]} : vector<256x128xi32> to vector<256x124xi32>
      %concatenate3A_32 = tpu.concatenate %broadcast_in_dim3A_30, %slice3A_31 in 1 : vector<256x4xi32>, vector<256x124xi32> -> vector<256x128xi32>
      %add3A_33 = arith.addi %add3A_28, %concatenate3A_32 : vector<256x128xi32>
      %broadcast_in_dim3A_34 = arith.constant 0 : i32
      %broadcast_in_dim3A_35 = vector.broadcast %broadcast_in_dim3A_34 : i32 to vector<256x8xi32>
      %slice3A_36 = vector.extract_strided_slice %add3A_33 {offsets = [0, 0], sizes = [256, 120], strides = [1, 1]} : vector<256x128xi32> to vector<256x120xi32>
      %concatenate3A_37 = tpu.concatenate %broadcast_in_dim3A_35, %slice3A_36 in 1 : vector<256x8xi32>, vector<256x120xi32> -> vector<256x128xi32>
      %add3A_38 = arith.addi %add3A_33, %concatenate3A_37 : vector<256x128xi32>
      %broadcast_in_dim3A_39 = arith.constant 0 : i32
      %broadcast_in_dim3A_40 = vector.broadcast %broadcast_in_dim3A_39 : i32 to vector<256x16xi32>
      %slice3A_41 = vector.extract_strided_slice %add3A_38 {offsets = [0, 0], sizes = [256, 112], strides = [1, 1]} : vector<256x128xi32> to vector<256x112xi32>
      %concatenate3A_42 = tpu.concatenate %broadcast_in_dim3A_40, %slice3A_41 in 1 : vector<256x16xi32>, vector<256x112xi32> -> vector<256x128xi32>
      %add3A_43 = arith.addi %add3A_38, %concatenate3A_42 : vector<256x128xi32>
      %broadcast_in_dim3A_44 = arith.constant 0 : i32
      %broadcast_in_dim3A_45 = vector.broadcast %broadcast_in_dim3A_44 : i32 to vector<256x32xi32>
      %slice3A_46 = vector.extract_strided_slice %add3A_43 {offsets = [0, 0], sizes = [256, 96], strides = [1, 1]} : vector<256x128xi32> to vector<256x96xi32>
      %concatenate3A_47 = tpu.concatenate %broadcast_in_dim3A_45, %slice3A_46 in 1 : vector<256x32xi32>, vector<256x96xi32> -> vector<256x128xi32>
      %add3A_48 = arith.addi %add3A_43, %concatenate3A_47 : vector<256x128xi32>
      %broadcast_in_dim3A_49 = arith.constant 0 : i32
      %broadcast_in_dim3A_50 = vector.broadcast %broadcast_in_dim3A_49 : i32 to vector<256x64xi32>
      %slice3A_51 = vector.extract_strided_slice %add3A_48 {offsets = [0, 0], sizes = [256, 64], strides = [1, 1]} : vector<256x128xi32> to vector<256x64xi32>
      %concatenate3A_52 = tpu.concatenate %broadcast_in_dim3A_50, %slice3A_51 in 1 : vector<256x64xi32>, vector<256x64xi32> -> vector<256x128xi32>
      %add3A_53 = arith.addi %add3A_48, %concatenate3A_52 : vector<256x128xi32>
      %reduce_sum3A = arith.constant dense<0> : vector<256xi32>
      %reduce_sum3A_54 = vector.multi_reduction <add>, %add3A, %reduce_sum3A [1] : vector<256x128xi32> to vector<256xi32>
      %broadcast_in_dim3A_55 = vector.shape_cast %reduce_sum3A_54 : vector<256xi32> to vector<256x1xi32>
      %broadcast_in_dim3A_56 = arith.constant 0 : i32
      %broadcast_in_dim3A_57 = vector.broadcast %broadcast_in_dim3A_56 : i32 to vector<1x1xi32>
      %slice3A_58 = vector.extract_strided_slice %broadcast_in_dim3A_55 {offsets = [0, 0], sizes = [255, 1], strides = [1, 1]} : vector<256x1xi32> to vector<255x1xi32>
      %concatenate3A_59 = tpu.concatenate %broadcast_in_dim3A_57, %slice3A_58 in 0 : vector<1x1xi32>, vector<255x1xi32> -> vector<256x1xi32>
      %add3A_60 = arith.addi %broadcast_in_dim3A_55, %concatenate3A_59 : vector<256x1xi32>
      %broadcast_in_dim3A_61 = arith.constant 0 : i32
      %broadcast_in_dim3A_62 = vector.broadcast %broadcast_in_dim3A_61 : i32 to vector<2x1xi32>
      %slice3A_63 = vector.extract_strided_slice %add3A_60 {offsets = [0, 0], sizes = [254, 1], strides = [1, 1]} : vector<256x1xi32> to vector<254x1xi32>
      %concatenate3A_64 = tpu.concatenate %broadcast_in_dim3A_62, %slice3A_63 in 0 : vector<2x1xi32>, vector<254x1xi32> -> vector<256x1xi32>
      %add3A_65 = arith.addi %add3A_60, %concatenate3A_64 : vector<256x1xi32>
      %broadcast_in_dim3A_66 = arith.constant 0 : i32
      %broadcast_in_dim3A_67 = vector.broadcast %broadcast_in_dim3A_66 : i32 to vector<4x1xi32>
      %slice3A_68 = vector.extract_strided_slice %add3A_65 {offsets = [0, 0], sizes = [252, 1], strides = [1, 1]} : vector<256x1xi32> to vector<252x1xi32>
      %concatenate3A_69 = tpu.concatenate %broadcast_in_dim3A_67, %slice3A_68 in 0 : vector<4x1xi32>, vector<252x1xi32> -> vector<256x1xi32>
      %add3A_70 = arith.addi %add3A_65, %concatenate3A_69 : vector<256x1xi32>
      %broadcast_in_dim3A_71 = arith.constant 0 : i32
      %broadcast_in_dim3A_72 = vector.broadcast %broadcast_in_dim3A_71 : i32 to vector<8x1xi32>
      %slice3A_73 = vector.extract_strided_slice %add3A_70 {offsets = [0, 0], sizes = [248, 1], strides = [1, 1]} : vector<256x1xi32> to vector<248x1xi32>
      %concatenate3A_74 = tpu.concatenate %broadcast_in_dim3A_72, %slice3A_73 in 0 : vector<8x1xi32>, vector<248x1xi32> -> vector<256x1xi32>
      %add3A_75 = arith.addi %add3A_70, %concatenate3A_74 : vector<256x1xi32>
      %broadcast_in_dim3A_76 = arith.constant 0 : i32
      %broadcast_in_dim3A_77 = vector.broadcast %broadcast_in_dim3A_76 : i32 to vector<16x1xi32>
      %slice3A_78 = vector.extract_strided_slice %add3A_75 {offsets = [0, 0], sizes = [240, 1], strides = [1, 1]} : vector<256x1xi32> to vector<240x1xi32>
      %concatenate3A_79 = tpu.concatenate %broadcast_in_dim3A_77, %slice3A_78 in 0 : vector<16x1xi32>, vector<240x1xi32> -> vector<256x1xi32>
      %add3A_80 = arith.addi %add3A_75, %concatenate3A_79 : vector<256x1xi32>
      %broadcast_in_dim3A_81 = arith.constant 0 : i32
      %broadcast_in_dim3A_82 = vector.broadcast %broadcast_in_dim3A_81 : i32 to vector<32x1xi32>
      %slice3A_83 = vector.extract_strided_slice %add3A_80 {offsets = [0, 0], sizes = [224, 1], strides = [1, 1]} : vector<256x1xi32> to vector<224x1xi32>
      %concatenate3A_84 = tpu.concatenate %broadcast_in_dim3A_82, %slice3A_83 in 0 : vector<32x1xi32>, vector<224x1xi32> -> vector<256x1xi32>
      %add3A_85 = arith.addi %add3A_80, %concatenate3A_84 : vector<256x1xi32>
      %broadcast_in_dim3A_86 = arith.constant 0 : i32
      %broadcast_in_dim3A_87 = vector.broadcast %broadcast_in_dim3A_86 : i32 to vector<64x1xi32>
      %slice3A_88 = vector.extract_strided_slice %add3A_85 {offsets = [0, 0], sizes = [192, 1], strides = [1, 1]} : vector<256x1xi32> to vector<192x1xi32>
      %concatenate3A_89 = tpu.concatenate %broadcast_in_dim3A_87, %slice3A_88 in 0 : vector<64x1xi32>, vector<192x1xi32> -> vector<256x1xi32>
      %add3A_90 = arith.addi %add3A_85, %concatenate3A_89 : vector<256x1xi32>
      %broadcast_in_dim3A_91 = arith.constant 0 : i32
      %broadcast_in_dim3A_92 = vector.broadcast %broadcast_in_dim3A_91 : i32 to vector<128x1xi32>
      %slice3A_93 = vector.extract_strided_slice %add3A_90 {offsets = [0, 0], sizes = [128, 1], strides = [1, 1]} : vector<256x1xi32> to vector<128x1xi32>
      %concatenate3A_94 = tpu.concatenate %broadcast_in_dim3A_92, %slice3A_93 in 0 : vector<128x1xi32>, vector<128x1xi32> -> vector<256x1xi32>
      %add3A_95 = arith.addi %add3A_90, %concatenate3A_94 : vector<256x1xi32>
      %sub3A = arith.subi %add3A_95, %broadcast_in_dim3A_55 : vector<256x1xi32>
      %add3A_96 = vector.broadcast %sub3A : vector<256x1xi32> to vector<256x128xi32>
      %add3A_97 = arith.addi %add3A_96, %add3A_53 : vector<256x128xi32>
      %lt3A = arith.constant 2097152 : i32
      %lt3A_98 = vector.broadcast %lt3A : i32 to vector<256x128xi32>
      %lt3A_99 = arith.cmpi slt, %add3A_97, %lt3A_98 : vector<256x128xi32>
      %convert_element_type3A_100 = arith.extui %lt3A_99 : vector<256x128xi1> to vector<256x128xi32>
      %reduce_sum3A_101 = vector.shape_cast %convert_element_type3A_100 : vector<256x128xi32> to vector<1x256x128xi32>
      %reduce_sum3A_102 = arith.constant dense<0> : vector<1xi32>
      %reduce_sum3A_103 = vector.multi_reduction <add>, %reduce_sum3A_101, %reduce_sum3A_102 [1, 2] : vector<1x256x128xi32> to vector<1xi32>
      %reduce_sum3A_104 = vector.shape_cast %reduce_sum3A_103 : vector<1xi32> to vector<1x1x1xi32>
      %reduce_sum3A_105 = vector.extract %reduce_sum3A_104[0, 0, 0] : i32 from vector<1x1x1xi32>
      %convert_element_type3A_106 = arith.extui %lt3A_99 : vector<256x128xi1> to vector<256x128xi32>
      %mul3A = arith.muli %add3A, %convert_element_type3A_106 : vector<256x128xi32>
      %reduce_sum3A_107 = vector.shape_cast %mul3A : vector<256x128xi32> to vector<1x256x128xi32>
      %reduce_sum3A_108 = arith.constant dense<0> : vector<1xi32>
      %reduce_sum3A_109 = vector.multi_reduction <add>, %reduce_sum3A_107, %reduce_sum3A_108 [1, 2] : vector<1x256x128xi32> to vector<1xi32>
      %reduce_sum3A_110 = vector.shape_cast %reduce_sum3A_109 : vector<1xi32> to vector<1x1x1xi32>
      %reduce_sum3A_111 = vector.extract %reduce_sum3A_110[0, 0, 0] : i32 from vector<1x1x1xi32>
      %sub3A_112 = arith.constant 2097152 : i32
      %sub3A_113 = arith.subi %sub3A_112, %reduce_sum3A_111 : i32
      %get3A_114 = arith.constant 0 : index
      %get3A_115 = arith.constant 0 : index
      %get3A_116 = arith.constant 0 : index
      %get3A_117 = vector.load %arg3[%get3A_114, %get3A_115, %get3A_116] : memref<2x512x128xi32, #tpu.memory_space<vmem>>, vector<1x512x128xi32>
      %get3A_118 = vector.shape_cast %get3A_117 : vector<1x512x128xi32> to vector<512x128xi32>
      %get3A_119 = arith.constant 1 : index
      %get3A_120 = arith.constant 0 : index
      %get3A_121 = arith.constant 0 : index
      %get3A_122 = vector.load %arg3[%get3A_119, %get3A_120, %get3A_121] : memref<2x512x128xi32, #tpu.memory_space<vmem>>, vector<1x512x128xi32>
      %get3A_123 = vector.shape_cast %get3A_122 : vector<1x512x128xi32> to vector<512x128xi32>
      %add3A_124 = arith.addi %get3A_118, %get3A_123 : vector<512x128xi32>
      %broadcast_in_dim3A_125 = arith.constant 0 : i32
      %broadcast_in_dim3A_126 = vector.broadcast %broadcast_in_dim3A_125 : i32 to vector<512x1xi32>
      %slice3A_127 = vector.extract_strided_slice %add3A_124 {offsets = [0, 0], sizes = [512, 127], strides = [1, 1]} : vector<512x128xi32> to vector<512x127xi32>
      %concatenate3A_128 = tpu.concatenate %broadcast_in_dim3A_126, %slice3A_127 in 1 : vector<512x1xi32>, vector<512x127xi32> -> vector<512x128xi32>
      %add3A_129 = arith.addi %add3A_124, %concatenate3A_128 : vector<512x128xi32>
      %broadcast_in_dim3A_130 = arith.constant 0 : i32
      %broadcast_in_dim3A_131 = vector.broadcast %broadcast_in_dim3A_130 : i32 to vector<512x2xi32>
      %slice3A_132 = vector.extract_strided_slice %add3A_129 {offsets = [0, 0], sizes = [512, 126], strides = [1, 1]} : vector<512x128xi32> to vector<512x126xi32>
      %concatenate3A_133 = tpu.concatenate %broadcast_in_dim3A_131, %slice3A_132 in 1 : vector<512x2xi32>, vector<512x126xi32> -> vector<512x128xi32>
      %add3A_134 = arith.addi %add3A_129, %concatenate3A_133 : vector<512x128xi32>
      %broadcast_in_dim3A_135 = arith.constant 0 : i32
      %broadcast_in_dim3A_136 = vector.broadcast %broadcast_in_dim3A_135 : i32 to vector<512x4xi32>
      %slice3A_137 = vector.extract_strided_slice %add3A_134 {offsets = [0, 0], sizes = [512, 124], strides = [1, 1]} : vector<512x128xi32> to vector<512x124xi32>
      %concatenate3A_138 = tpu.concatenate %broadcast_in_dim3A_136, %slice3A_137 in 1 : vector<512x4xi32>, vector<512x124xi32> -> vector<512x128xi32>
      %add3A_139 = arith.addi %add3A_134, %concatenate3A_138 : vector<512x128xi32>
      %broadcast_in_dim3A_140 = arith.constant 0 : i32
      %broadcast_in_dim3A_141 = vector.broadcast %broadcast_in_dim3A_140 : i32 to vector<512x8xi32>
      %slice3A_142 = vector.extract_strided_slice %add3A_139 {offsets = [0, 0], sizes = [512, 120], strides = [1, 1]} : vector<512x128xi32> to vector<512x120xi32>
      %concatenate3A_143 = tpu.concatenate %broadcast_in_dim3A_141, %slice3A_142 in 1 : vector<512x8xi32>, vector<512x120xi32> -> vector<512x128xi32>
      %add3A_144 = arith.addi %add3A_139, %concatenate3A_143 : vector<512x128xi32>
      %broadcast_in_dim3A_145 = arith.constant 0 : i32
      %broadcast_in_dim3A_146 = vector.broadcast %broadcast_in_dim3A_145 : i32 to vector<512x16xi32>
      %slice3A_147 = vector.extract_strided_slice %add3A_144 {offsets = [0, 0], sizes = [512, 112], strides = [1, 1]} : vector<512x128xi32> to vector<512x112xi32>
      %concatenate3A_148 = tpu.concatenate %broadcast_in_dim3A_146, %slice3A_147 in 1 : vector<512x16xi32>, vector<512x112xi32> -> vector<512x128xi32>
      %add3A_149 = arith.addi %add3A_144, %concatenate3A_148 : vector<512x128xi32>
      %broadcast_in_dim3A_150 = arith.constant 0 : i32
      %broadcast_in_dim3A_151 = vector.broadcast %broadcast_in_dim3A_150 : i32 to vector<512x32xi32>
      %slice3A_152 = vector.extract_strided_slice %add3A_149 {offsets = [0, 0], sizes = [512, 96], strides = [1, 1]} : vector<512x128xi32> to vector<512x96xi32>
      %concatenate3A_153 = tpu.concatenate %broadcast_in_dim3A_151, %slice3A_152 in 1 : vector<512x32xi32>, vector<512x96xi32> -> vector<512x128xi32>
      %add3A_154 = arith.addi %add3A_149, %concatenate3A_153 : vector<512x128xi32>
      %broadcast_in_dim3A_155 = arith.constant 0 : i32
      %broadcast_in_dim3A_156 = vector.broadcast %broadcast_in_dim3A_155 : i32 to vector<512x64xi32>
      %slice3A_157 = vector.extract_strided_slice %add3A_154 {offsets = [0, 0], sizes = [512, 64], strides = [1, 1]} : vector<512x128xi32> to vector<512x64xi32>
      %concatenate3A_158 = tpu.concatenate %broadcast_in_dim3A_156, %slice3A_157 in 1 : vector<512x64xi32>, vector<512x64xi32> -> vector<512x128xi32>
      %add3A_159 = arith.addi %add3A_154, %concatenate3A_158 : vector<512x128xi32>
      %reduce_sum3A_160 = arith.constant dense<0> : vector<512xi32>
      %reduce_sum3A_161 = vector.multi_reduction <add>, %add3A_124, %reduce_sum3A_160 [1] : vector<512x128xi32> to vector<512xi32>
      %broadcast_in_dim3A_162 = vector.shape_cast %reduce_sum3A_161 : vector<512xi32> to vector<512x1xi32>
      %broadcast_in_dim3A_163 = arith.constant 0 : i32
      %broadcast_in_dim3A_164 = vector.broadcast %broadcast_in_dim3A_163 : i32 to vector<1x1xi32>
      %slice3A_165 = vector.extract_strided_slice %broadcast_in_dim3A_162 {offsets = [0, 0], sizes = [511, 1], strides = [1, 1]} : vector<512x1xi32> to vector<511x1xi32>
      %concatenate3A_166 = tpu.concatenate %broadcast_in_dim3A_164, %slice3A_165 in 0 : vector<1x1xi32>, vector<511x1xi32> -> vector<512x1xi32>
      %add3A_167 = arith.addi %broadcast_in_dim3A_162, %concatenate3A_166 : vector<512x1xi32>
      %broadcast_in_dim3A_168 = arith.constant 0 : i32
      %broadcast_in_dim3A_169 = vector.broadcast %broadcast_in_dim3A_168 : i32 to vector<2x1xi32>
      %slice3A_170 = vector.extract_strided_slice %add3A_167 {offsets = [0, 0], sizes = [510, 1], strides = [1, 1]} : vector<512x1xi32> to vector<510x1xi32>
      %concatenate3A_171 = tpu.concatenate %broadcast_in_dim3A_169, %slice3A_170 in 0 : vector<2x1xi32>, vector<510x1xi32> -> vector<512x1xi32>
      %add3A_172 = arith.addi %add3A_167, %concatenate3A_171 : vector<512x1xi32>
      %broadcast_in_dim3A_173 = arith.constant 0 : i32
      %broadcast_in_dim3A_174 = vector.broadcast %broadcast_in_dim3A_173 : i32 to vector<4x1xi32>
      %slice3A_175 = vector.extract_strided_slice %add3A_172 {offsets = [0, 0], sizes = [508, 1], strides = [1, 1]} : vector<512x1xi32> to vector<508x1xi32>
      %concatenate3A_176 = tpu.concatenate %broadcast_in_dim3A_174, %slice3A_175 in 0 : vector<4x1xi32>, vector<508x1xi32> -> vector<512x1xi32>
      %add3A_177 = arith.addi %add3A_172, %concatenate3A_176 : vector<512x1xi32>
      %broadcast_in_dim3A_178 = arith.constant 0 : i32
      %broadcast_in_dim3A_179 = vector.broadcast %broadcast_in_dim3A_178 : i32 to vector<8x1xi32>
      %slice3A_180 = vector.extract_strided_slice %add3A_177 {offsets = [0, 0], sizes = [504, 1], strides = [1, 1]} : vector<512x1xi32> to vector<504x1xi32>
      %concatenate3A_181 = tpu.concatenate %broadcast_in_dim3A_179, %slice3A_180 in 0 : vector<8x1xi32>, vector<504x1xi32> -> vector<512x1xi32>
      %add3A_182 = arith.addi %add3A_177, %concatenate3A_181 : vector<512x1xi32>
      %broadcast_in_dim3A_183 = arith.constant 0 : i32
      %broadcast_in_dim3A_184 = vector.broadcast %broadcast_in_dim3A_183 : i32 to vector<16x1xi32>
      %slice3A_185 = vector.extract_strided_slice %add3A_182 {offsets = [0, 0], sizes = [496, 1], strides = [1, 1]} : vector<512x1xi32> to vector<496x1xi32>
      %concatenate3A_186 = tpu.concatenate %broadcast_in_dim3A_184, %slice3A_185 in 0 : vector<16x1xi32>, vector<496x1xi32> -> vector<512x1xi32>
      %add3A_187 = arith.addi %add3A_182, %concatenate3A_186 : vector<512x1xi32>
      %broadcast_in_dim3A_188 = arith.constant 0 : i32
      %broadcast_in_dim3A_189 = vector.broadcast %broadcast_in_dim3A_188 : i32 to vector<32x1xi32>
      %slice3A_190 = vector.extract_strided_slice %add3A_187 {offsets = [0, 0], sizes = [480, 1], strides = [1, 1]} : vector<512x1xi32> to vector<480x1xi32>
      %concatenate3A_191 = tpu.concatenate %broadcast_in_dim3A_189, %slice3A_190 in 0 : vector<32x1xi32>, vector<480x1xi32> -> vector<512x1xi32>
      %add3A_192 = arith.addi %add3A_187, %concatenate3A_191 : vector<512x1xi32>
      %broadcast_in_dim3A_193 = arith.constant 0 : i32
      %broadcast_in_dim3A_194 = vector.broadcast %broadcast_in_dim3A_193 : i32 to vector<64x1xi32>
      %slice3A_195 = vector.extract_strided_slice %add3A_192 {offsets = [0, 0], sizes = [448, 1], strides = [1, 1]} : vector<512x1xi32> to vector<448x1xi32>
      %concatenate3A_196 = tpu.concatenate %broadcast_in_dim3A_194, %slice3A_195 in 0 : vector<64x1xi32>, vector<448x1xi32> -> vector<512x1xi32>
      %add3A_197 = arith.addi %add3A_192, %concatenate3A_196 : vector<512x1xi32>
      %broadcast_in_dim3A_198 = arith.constant 0 : i32
      %broadcast_in_dim3A_199 = vector.broadcast %broadcast_in_dim3A_198 : i32 to vector<128x1xi32>
      %slice3A_200 = vector.extract_strided_slice %add3A_197 {offsets = [0, 0], sizes = [384, 1], strides = [1, 1]} : vector<512x1xi32> to vector<384x1xi32>
      %concatenate3A_201 = tpu.concatenate %broadcast_in_dim3A_199, %slice3A_200 in 0 : vector<128x1xi32>, vector<384x1xi32> -> vector<512x1xi32>
      %add3A_202 = arith.addi %add3A_197, %concatenate3A_201 : vector<512x1xi32>
      %broadcast_in_dim3A_203 = arith.constant 0 : i32
      %broadcast_in_dim3A_204 = vector.broadcast %broadcast_in_dim3A_203 : i32 to vector<256x1xi32>
      %slice3A_205 = vector.extract_strided_slice %add3A_202 {offsets = [0, 0], sizes = [256, 1], strides = [1, 1]} : vector<512x1xi32> to vector<256x1xi32>
      %concatenate3A_206 = tpu.concatenate %broadcast_in_dim3A_204, %slice3A_205 in 0 : vector<256x1xi32>, vector<256x1xi32> -> vector<512x1xi32>
      %add3A_207 = arith.addi %add3A_202, %concatenate3A_206 : vector<512x1xi32>
      %sub3A_208 = arith.subi %add3A_207, %broadcast_in_dim3A_162 : vector<512x1xi32>
      %add3A_209 = vector.broadcast %sub3A_208 : vector<512x1xi32> to vector<512x128xi32>
      %add3A_210 = arith.addi %add3A_209, %add3A_159 : vector<512x128xi32>
      %lt3A_211 = vector.broadcast %sub3A_113 : i32 to vector<512x128xi32>
      %lt3A_212 = arith.cmpi slt, %add3A_210, %lt3A_211 : vector<512x128xi32>
      %convert_element_type3A_213 = arith.extui %lt3A_212 : vector<512x128xi1> to vector<512x128xi32>
      %reduce_sum3A_214 = vector.shape_cast %convert_element_type3A_213 : vector<512x128xi32> to vector<1x512x128xi32>
      %reduce_sum3A_215 = arith.constant dense<0> : vector<1xi32>
      %reduce_sum3A_216 = vector.multi_reduction <add>, %reduce_sum3A_214, %reduce_sum3A_215 [1, 2] : vector<1x512x128xi32> to vector<1xi32>
      %reduce_sum3A_217 = vector.shape_cast %reduce_sum3A_216 : vector<1xi32> to vector<1x1x1xi32>
      %reduce_sum3A_218 = vector.extract %reduce_sum3A_217[0, 0, 0] : i32 from vector<1x1x1xi32>
      %shift_left3A = arith.constant 16 : i32
      %shift_left3A_219 = arith.shli %reduce_sum3A_105, %shift_left3A : i32
      %or3A = arith.ori %shift_left3A_219, %reduce_sum3A_218 : i32
      %swap3A_220 = arith.constant 0 : index
      %swap3A_221 = memref.load %arg5[%swap3A_220] : memref<1xi32, #tpu.memory_space<smem>>
      memref.store %or3A, %arg5[%swap3A_220] : memref<1xi32, #tpu.memory_space<smem>>
    } else {
    }
    %get3A = arith.constant 0 : index
    %get3A_2 = memref.load %arg5[%get3A] : memref<1xi32, #tpu.memory_space<smem>>
    %get3A_3 = arith.constant 0 : index
    %get3A_4 = arith.constant 0 : index
    %get3A_5 = vector.load %arg1[%get3A_3, %get3A_4] : memref<8x32768xf32, #tpu.memory_space<vmem>>, vector<8x32768xf32>
    %bitcast_convert_type3A = tpu.bitcast %get3A_5 : vector<8x32768xf32> -> vector<8x32768xi32>
    %and3A = arith.constant 2147483647 : i32
    %and3A_6 = vector.broadcast %and3A : i32 to vector<8x32768xi32>
    %and3A_7 = arith.andi %bitcast_convert_type3A, %and3A_6 : vector<8x32768xi32>
    %ge3A = vector.broadcast %get3A_2 : i32 to vector<8x32768xi32>
    %ge3A_8 = arith.cmpi sge, %and3A_7, %ge3A : vector<8x32768xi32>
    %jit3A = arith.constant 0.000000e+00 : f32
    %broadcast_in_dim3A = vector.broadcast %jit3A : f32 to vector<8x32768xf32>
    %select_n3A = arith.select %ge3A_8, %get3A_5, %broadcast_in_dim3A : vector<8x32768xi1>, vector<8x32768xf32>
    %swap3A = arith.constant 0 : index
    %swap3A_9 = arith.constant 0 : index
    %swap3A_10 = vector.load %arg4[%swap3A, %swap3A_9] : memref<8x32768xf32, #tpu.memory_space<vmem>>, vector<8x32768xf32>
    tpu.vector_store %arg4[%swap3A, %swap3A_9], %select_n3A {strides = array<i32>} : memref<8x32768xf32, #tpu.memory_space<vmem>>, vector<8x32768xf32>,
    return
  }
  func.func @transform_0(%arg0: i32) -> (i32, i32) {
    %c0_i32 = arith.constant 0 : i32
    %c0_i32_0 = arith.constant 0 : i32
    return %arg0, %c0_i32 : i32, i32
  }
  func.func @transform_1(%arg0: i32) -> (i32, i32, i32) {
    %c0_i32 = arith.constant 0 : i32
    %c0_i32_0 = arith.constant 0 : i32
    %c0_i32_1 = arith.constant 0 : i32
    %c0_i32_2 = arith.constant 0 : i32
    return %c0_i32, %c0_i32_0, %c0_i32_1 : i32, i32, i32
  }
  func.func @transform_2(%arg0: i32) -> (i32, i32, i32) {
    %c0_i32 = arith.constant 0 : i32
    %c0_i32_0 = arith.constant 0 : i32
    %c0_i32_1 = arith.constant 0 : i32
    %c0_i32_2 = arith.constant 0 : i32
    return %c0_i32, %c0_i32_0, %c0_i32_1 : i32, i32, i32
  }
  func.func @transform_3(%arg0: i32) -> (i32, i32) {
    %c0_i32 = arith.constant 0 : i32
    %c0_i32_0 = arith.constant 0 : i32
    return %arg0, %c0_i32 : i32, i32
  }
}

</mosaic_0001>

<sc_bundles>
// kernel: kernel.6.cloned.1.call-start
scs
__scs_entry_jumppad:
0x0: {  	(pc) =	sbr.rel $0x88, $3  }
0x1: {  	(tag) =	ssettag $0x0;
	lr =	simm.s32 $0x1  }
0x2: {  	[smem:$0x3FA0] =	sst lr;
	_ =	strace $0xD0000000  }
0x3: {  	_ = 	snop  }
0x4: {  	_ = 	snop  }
0x5: {  	_ = 	snop  }
0x6: {  	_ = 	snop  }
0x7: {  	_ = 	snop  }
__scs_overlays_trampoline_lowered:
0x8: {  	[smem:$0x3FAF] =	sst s0  }
0x9: {  	[smem:$0x3FB0] =	sst s1  }
0xa: {  	[smem:$0x3FB1] =	sst s2  }
0xb: {  	[smem:$0x3FB2] =	sst s3  }
0xc: {  	[smem:$0x3FB3] =	sst s4  }
0xd: {  	[smem:$0x3FB4] =	sst s5  }
0xe: {  	[smem:$0x3FB5] =	sst s6  }
0xf: {  	[smem:$0x3FB6] =	sst s7  }
0x10: {  	[smem:$0x3FB7] =	sst s8  }
0x11: {  	[smem:$0x3FB8] =	sst s9;
	s0 =	simm.s32 @!p0 $0x0  }
0x12: {  	s1 =	sld [smem:$0x3F9E];
	s0 =	simm.s32 @p0 $0x1  }
0x13: {  	[smem:$0x3FB9] =	sst s0;
	s0 =	simm.s32 @!p1 $0x0  }
0x14: {  	s2 =	sld [smem:$0x3F9D];
	s0 =	simm.s32 @p1 $0x1  }
0x15: {  	[smem:$0x3FBA] =	sst s0;
	s0 =	simm.s32 @!p2 $0x0  }
0x16: {  	s3 =	sld [smem:$0x3FDB];
	s0 =	simm.s32 @p2 $0x1  }
0x17: {  	s4 =	simm.s32 $0x1BF5;
	[smem:$0x3FBC] =	sst s0  }
0x18: {  	s0 =	sld [smem:$0x3F9F];
	_ =	swait.ge [sflag:s4], $0x0  }
0x19: {  	s7 =	sld [smem:$0x3FA0]  }
0x1a: {  	s8 =	sadd.s32 $0xFFFFE003, lr  }
0x1b: {  	s9 =	sadd.s32 $0xFFFFFEF7, lr;
	s5 =	simm.s32 $0xFFFFFFFF;
	p2 =	slt.u32 s8, $0xFFFFF086  }
0x1c: {  	p1 =	slt.u32 s9, $0xF7A;
	s5 =	simm.s32 @!p2 $0x0  }
0x1d: {  	s5 =	simm.s32 @p1 $0x1;
	p0 =	seq.s32 s7, s2  }
0x1e: {  	s7 =	smul.u32 @!p0 $0xF7A, s2;
	p2 =	seq.s32 @!p0 s5, $0x0  }
0x1f: {  	s9 =	smul.u32 $0xF7A, s1;
	s8 =	simm.s32 @!p0 $0x1BF5;
	p2 =	por !p2, p0  }
0x20: {  	[sflag:s8] =	ssyncset.s32 @!p0 $0xFFFFF086;
	s6 =	sadd.s32 @!p0 s3, s7;
	s7 =	simm.s32 @!p0 $0x108  }
0x21: {  	s3 =	sadd.s32 s3, s9;
	s6 =	sadd.s32 @!p0 $0x88, s6;
	s7 =	simm.s32 @p2 $0x1082  }
0x22: {  	[simem:s7], [sflag:s8] =	dma.local @!p0 [hbm:s6], $0xF7A  }
0x23: {  	s9 =	sor.u32 $0xD0000000, s2;
	s6 =	simm.s32 $0x108;
	_ =	swait.ge @!p0 [sflag:s8], $0x0  }
0x24: {  	s3 =	sadd.s32 $0x88, s3;
	s6 =	simm.s32 @!p1 $0x1082;
	[sflag:s4] =	ssyncset.s32 $0xFFFFF086  }
0x25: {  	[simem:s6], [sflag:s4] =	dma.local [hbm:s3], $0xF7A  }
0x26: {  	[smem:$0x3FA0] =	sst s1;
	(tag) =	ssettag s2;
	_ =	strace s9  }
0x27: {  	s1 =	sld [smem:$0x3FB0]  }
0x28: {  	s2 =	sld [smem:$0x3FB1]  }
0x29: {  	s4 =	sld [smem:$0x3FB3]  }
0x2a: {  	p0 =	seq.s32 s5, $0x0;
	s5 =	sld [smem:$0x3FB4]  }
0x2b: {  	s6 =	sld [smem:$0x3FB5]  }
0x2c: {  	s7 =	sld [smem:$0x3FB6]  }
0x2d: {  	s3 =	simm.s32 $0x108;
	s8 =	sld [smem:$0x3FB7]  }
0x2e: {  	s3 =	simm.s32 @!p0 $0x1082;
	s9 =	sld [smem:$0x3FB8]  }
0x2f: {  	lr =	sadd.s32 s0, s3;
	s0 =	sld [smem:$0x3FAF]  }
0x30: {  	s3 =	sld [smem:$0x3FB2]  }
0x31: {  	[smem:$0x3FBB] =	sst s10  }
0x32: {  	s10 =	sld [smem:$0x3FB9];
	_ =	sdelay $0x3  }
0x33: {  	p0 =	seq.s32 s10, $0x1;
	s10 =	sld [smem:$0x3FBB];
	_ =	sdelay $0x3  }
0x34: {  	[smem:$0x3FBB] =	sst s10  }
0x35: {  	s10 =	sld [smem:$0x3FBA];
	_ =	sdelay $0x3  }
0x36: {  	p1 =	seq.s32 s10, $0x1;
	s10 =	sld [smem:$0x3FBB];
	_ =	sdelay $0x3  }
0x37: {  	[smem:$0x3FBB] =	sst s10  }
0x38: {  	s10 =	sld [smem:$0x3FBC]  }
0x39: {  	_ = 	snop;
	(pc) =	sbr.ind lr, $3  }
0x3a: {  	_ = 	snop  }
0x3b: {  	_ = 	snop  }
0x3c: {  	p2 =	seq.s32 s10, $0x1;
	s10 =	sld [smem:$0x3FBB]  }
0x3d: {  	_ =	shalt  }
0x3e: {  	_ =	shalt  }
0x3f: {  	_ =	shalt  }
0x40: {  	_ =	shalt  }
0x41: {  	_ =	shalt  }
0x42: {  	_ =	shalt  }
0x43: {  	_ =	shalt  }
0x44: {  	_ =	shalt  }
0x45: {  	_ =	shalt  }
0x46: {  	_ =	shalt  }
0x47: {  	_ =	shalt  }
0x48: {  	_ =	shalt  }
0x49: {  	_ =	shalt  }
0x4a: {  	_ =	shalt  }
0x4b: {  	_ =	shalt  }
0x4c: {  	_ =	shalt  }
0x4d: {  	_ =	shalt  }
0x4e: {  	_ =	shalt  }
0x4f: {  	_ =	shalt  }
0x50: {  	_ =	shalt  }
0x51: {  	_ =	shalt  }
0x52: {  	_ =	shalt  }
0x53: {  	_ =	shalt  }
0x54: {  	_ =	shalt  }
0x55: {  	_ =	shalt  }
0x56: {  	_ =	shalt  }
0x57: {  	_ =	shalt  }
0x58: {  	_ =	shalt  }
0x59: {  	_ =	shalt  }
0x5a: {  	_ =	shalt  }
0x5b: {  	_ =	shalt  }
0x5c: {  	_ =	shalt  }
0x5d: {  	_ =	shalt  }
0x5e: {  	_ =	shalt  }
0x5f: {  	_ =	shalt  }
0x60: {  	_ =	shalt  }
0x61: {  	_ =	shalt  }
0x62: {  	_ =	shalt  }
0x63: {  	_ =	shalt  }
0x64: {  	_ =	shalt  }
0x65: {  	_ =	shalt  }
0x66: {  	_ =	shalt  }
0x67: {  	_ =	shalt  }
0x68: {  	_ =	shalt  }
0x69: {  	_ =	shalt  }
0x6a: {  	_ =	shalt  }
0x6b: {  	_ =	shalt  }
0x6c: {  	_ =	shalt  }
0x6d: {  	_ =	shalt  }
0x6e: {  	_ =	shalt  }
0x6f: {  	_ =	shalt  }
0x70: {  	_ =	shalt  }
0x71: {  	_ =	shalt  }
0x72: {  	_ =	shalt  }
0x73: {  	_ =	shalt  }
0x74: {  	_ =	shalt  }
0x75: {  	_ =	shalt  }
0x76: {  	_ =	shalt  }
0x77: {  	_ =	shalt  }
0x78: {  	_ =	shalt  }
0x79: {  	_ =	shalt  }
0x7a: {  	_ =	shalt  }
0x7b: {  	_ =	shalt  }
0x7c: {  	_ =	shalt  }
0x7d: {  	_ =	shalt  }
0x7e: {  	_ =	shalt  }
0x7f: {  	_ =	shalt  }
0x80: {  	_ =	shalt  }
0x81: {  	_ =	shalt  }
0x82: {  	_ =	shalt  }
0x83: {  	_ =	shalt  }
0x84: {  	_ =	shalt  }
0x85: {  	_ =	shalt  }
0x86: {  	_ =	shalt  }
0x87: {  	_ =	shalt  }
.Lfunc_end0:
.L_simem_size_0:
called_computation_lowered:
.L_overlay_start_0:
0x88: {  	s2 =	sld [smem:$0x3FD9]  }
0x89: {  	s3 =	sld [smem:$0x3FFE];
	_ =	sdelay $0x1  }
0x8a: {  	s1 =	srdreg.scid  }
0x8b: {  	s0 =	sand.u32 $0x1, s1  }
0x8c: {  	s17 =	sshll.u32 s0, $0xA;
	s2 =	sadd.s32 s3, s2  }
0x8d: {  	s2 =	sadd.s32 s2, s17  }
0x8e: {  	[smem:$0x3FC7] =	sst s2  }
0x8f: {  	_ = 	snop  }
0x90: {  	s2 =	sld [smem:$0x3FC9];
	(tm) =	ssettm $0x1  }
0x91: {  	s18 =	sld [smem:$0x3FFB];
	_ =	sdelay $0x3  }
0x92: {  	_ =	strace s18  }
0x93: {  	s3 =	sld [smem:$0x3FFC];
	_ =	sdelay $0x3  }
0x94: {  	_ =	strace s3  }
0x95: {  	s3 =	sld [smem:$0x3FFD];
	_ =	sdelay $0x3  }
0x96: {  	_ =	strace s3  }
0x97: {  	_ =	strace $0x8FFFFFFF  }
0x98: {  	s19 =	sld [smem:$0x3FDB];
	_ =	sdelay $0x1  }
0x99: {  	s4 =	simm.s32 $_scs_section_size  }
0x9a: {  	s5 =	simm.s32 $_size__tile_overlayer_lowered;
	s6 =	simm.s32 $_tile_overlayer_lowered  }
0x9b: {  	s22 =	simm.s32 $0x1BFF;
	s21 =	sshll.u32 s6, $0x1;
	s3 =	sadd.s32 s4, s19  }
0x9c: {  	s7 =	simm.s32 $0x0;
	s20 =	sshll.u32 s5, $0x1;
	s5 =	sadd.s32 s21, s3  }
0x9d: {  	[timem:s7], [sflag:s22] =	dma.local [hbm:s5], s20  }
0x9e: {  	_ =	swait.ge [sflag:s22], s20  }
0x9f: {  	s4 =	ssub.s32 $0x0, s20;
	[sflag:s22] =	ssyncset.done $0x0  }
0xa0: {  	[sflag:s22] =	ssyncadd.s32 s4;
	_ =	sdelay $0x1  }
0xa1: {  	s23 =	simm.s32 $0x1B8B  }
0xa2: {  	_ =	swait.ge [sflag:s23], $0x1  }
0xa3: {  	[sflag:s23] =	ssyncset.done $0x0  }
0xa4: {  	s25 =	simm.s32 $0x1B8E;
	s24 =	sld [smem:$0x3FFE];
	[sflag:s23] =	ssyncadd.s32 $0xFFFFFFFF  }
0xa5: {  	s26 =	simm.s32 $execute0_lowered;
	[smem:$0x3FD2] =	sst s25  }
0xa6: {  	s5 =	sshll.u32 s26, $0x1;
	_ =	strace $0x80000046;
	[dreg:$0x1] =	wrdreg $0xFFFFFFFF  }
0xa7: {  	s28 =	simm.s32 $_size_execute0_lowered;
	s3 =	sadd.s32 s3, s5;
	[dreg:$0x0] =	wrdreg $0x0  }
0xa8: {  	s5 =	sshll.u32 s28, $0x1;
	[dreg:$0x2] =	wrdreg s3  }
0xa9: {  	[dreg:$0x3] =	wrdreg s5  }
0xaa: {  	[dreg:$0x4] =	wrdreg $0xC0  }
0xab: {  	_ =	task [dreg:s7], $0x5FFFF  }
0xac: {  	[dreg:$0x1] =	wrdreg $0xFFFFFFFF  }
0xad: {  	[dreg:$0x0] =	wrdreg $0x60  }
0xae: {  	[dreg:$0x2] =	wrdreg s2  }
0xaf: {  	[dreg:$0x3] =	wrdreg s24  }
0xb0: {  	[dreg:$0x4] =	wrdreg $0xC1000  }
0xb1: {  	[dreg:$0x5] =	wrdreg $0x9  }
0xb2: {  	_ =	task.clear_ibuf [dreg:s7], $0x6FFFF;
	_ =	strace $0x90000046  }
0xb3: {  	s29 =	simm.s32 $0x9;
	_ =	strace $0x80000048  }
0xb4: {  	_ =	swait.ge [sflag:s29], $0x1  }
0xb5: {  	[sflag:s29] =	ssyncadd.s32 $0xFFFFFFFF  }
0xb6: {  	_ =	strace $0x90000048  }
0xb7: {  	_ =	sfence  }
0xb8: {  	s30 =	sld [smem:$0x0];
	_ =	sdelay $0x2  }
0xb9: {  	s31 =	sshll.u32 s1, $0xD;
	s1 =	sshrl.u32 s1, $0x2  }
0xba: {  	s3 =	sand.u32 $0x4000, s31;
	s1 =	sadd.s32 s1, s30  }
0xbb: {  	s0 =	sor.u32 s3, s0;
	s1 =	sshll.u32 s1, $0x11  }
0xbc: {  	s0 =	sor.u32 s1, s0  }
0xbd: {  	s0 =	sadd.s32 $0x8F2B, s0  }
0xbe: {  	[sflag:s0] =	ssyncadd.remote.s32 $0x1  }
0xbf: {  	_ =	sfence.sel $0xFFFF  }
0xc0: {  	[dreg:$0x0] =	wrdreg $0xFFFFFFFF;
	(pc) =	sbr.abs _section_cstart, $3  }
0xc1: {  	[dreg:$0x1] =	wrdreg $0xFFFFFFFF  }
0xc2: {  	_ =	task.clear_ibuf [dreg:s7], $0x2FFFF;
	_ =	strace $0x9FFFFFFF  }
0xc3: {  	(tm) =	ssettm $0x7FFFFFFF  }
tec
execute0_lowered:
.L_overlay_start_1:
0x0: {  	(tag) =	ssettag $0x1  }
0x1: {  	s1 =	rddreg [dreg:$0x0]  }
0x2: {  	s4 =	rddreg [dreg:$0x1]  }
0x3: {  	s2 =	rddreg [dreg:$0x2]  }
0x4: {  	s0 =	rddreg [dreg:$0x3];
	s3 =	simm.s32 $0x0  }
0x5: {  	s5 =	srdreg.scid;
	s10 =	stileid.u32;
	s12 =	simm.s32 $0x2  }
0x6: {  	s13 =	simm.s32 $0x80;
	s14 =	simm.s32 $0xC000;
	s15 =	simm.s32 $0x3  }
0x7: {  	s16 =	simm.s32 $0xC080;
	s17 =	simm.s32 $0x8000;
	s18 =	simm.s32 $0x0  }
0x8: {  	[smem:$0x7FF] =	sst s3;
	s5 =	sand.u32 $0x1, s5;
	s30 =	sshll.u32 s10, $0x3  }
0x9: {  	v0 =	vlaneseq.u32;
	v1 =	vimm.s32 $0x0;
	v17 =	vimm.s32 $0x1;
	s11 =	sshll.u32 s10, $0xF;
	p0 =	sne.s32 s10, $0x0;
	s10 =	simm.s32 $0x1  }
0xa: {  	v2 =	vor.u32 $0x10, v0;
	v3 =	vor.u32 $0x20, v0;
	v4 =	vor.u32 $0x30, v0;
	_ =	strace $0x80000047;
	s6 =	sshll.u32 s5, $0xC;
	s7 =	ssub.s32 $0x2, s5  }
0xb: {  	v5 =	vor.u32 $0x40, v0;
	v6 =	vor.u32 $0x50, v0;
	v7 =	vor.u32 $0x60, v0;
	s31 =	sshll.u32 s5, $0x6;
	s8 =	sadd.s32 s6, s4;
	s29 =	sshrl.u32 s7, $0x1  }
0xc: {  	v8 =	vor.u32 $0x70, v0;
	v9 =	vor.u32 $0x80, v0;
	v10 =	vor.u32 $0x90, v0;
	s4 =	sshll.u32 s5, $0x2;
	s9 =	ssub.s32 s7, s29;
	s7 =	sadd.s32 s1, s31  }
0xd: {  	v11 =	vor.u32 $0xA0, v0;
	v12 =	vor.u32 $0xB0, v0;
	v13 =	vor.u32 $0xC0, v0;
	s5 =	sor.u32 s4, s30;
	s8 =	sadd.s32 $0x2000, s8;
	s6 =	sadd.s32 s11, s7  }
0xe: {  	v14 =	vor.u32 $0xD0, v0;
	v15 =	vor.u32 $0xE0, v0;
	v16 =	vor.u32 $0xF0, v0;
	s7 =	sadd.s32 s1, s11;
	s9 =	smax.u32 s9, $0x1;
	s11 =	simm.s32 $0x4000  }
.LBB2_1:
0xf: {  	s19 =	simm.s32 $0x0;
	s20 =	simm.s32 $0x0  }
.LBB2_2:
0x10: {  	p1 =	sne.s32 s20, $0x1F80  }
.Ltmp0:
0x11: {  	_ = 	snop;
	(pc) =	sbr.rel @p1 .LBB2_2-.Ltmp0, $4  }
0x12: {  	_ = 	snop  }
0x13: {  	s21 =	sadd.s32 s20, s6  }
0x14: {  	[tilespmem:s19], [sflag:$0x1] =	stream.linear.gather [hbm4b:s21+s3], $0x80, $0x38;
	[tilespmem:$0xC900] =	vst v63  }
0x15: {  	s20 =	sadd.s32 $0x80, s20;
	s19 =	sadd.s32 $0x100, s19  }
0x16: {  	s19 =	simm.s32 $0x4100  }
0x17: {  	[tilespmem:s19+$0xFFFFFF00] =	vst v1  }
0x18: {  	[tilespmem:s19+$0xF0] =	vst v1  }
0x19: {  	[tilespmem:s19+$0xE0] =	vst v1  }
0x1a: {  	[tilespmem:s19+$0xD0] =	vst v1  }
0x1b: {  	[tilespmem:s19+$0xC0] =	vst v1  }
0x1c: {  	[tilespmem:s19+$0xB0] =	vst v1  }
0x1d: {  	[tilespmem:s19+$0xA0] =	vst v1  }
0x1e: {  	[tilespmem:s19+$0x90] =	vst v1  }
0x1f: {  	[tilespmem:s19+$0x80] =	vst v1  }
0x20: {  	[tilespmem:s19+$0x70] =	vst v1  }
0x21: {  	[tilespmem:s19+$0x60] =	vst v1  }
0x22: {  	[tilespmem:s19+$0x50] =	vst v1  }
0x23: {  	[tilespmem:s19+$0x40] =	vst v1  }
0x24: {  	[tilespmem:s19+$0x30] =	vst v1  }
0x25: {  	[tilespmem:s19+$0x20] =	vst v1  }
0x26: {  	[tilespmem:s19+$0x10] =	vst v1  }
0x27: {  	[tilespmem:s19+$0x0] =	vst v1  }
0x28: {  	[tilespmem:s19+$0xFFFFFFF0] =	vst v1  }
0x29: {  	[tilespmem:s19+$0xFFFFFFE0] =	vst v1  }
0x2a: {  	[tilespmem:s19+$0xFFFFFFD0] =	vst v1  }
0x2b: {  	[tilespmem:s19+$0xFFFFFFC0] =	vst v1  }
0x2c: {  	[tilespmem:s19+$0xFFFFFFB0] =	vst v1  }
0x2d: {  	[tilespmem:s19+$0xFFFFFFA0] =	vst v1  }
0x2e: {  	[tilespmem:s19+$0xFFFFFF90] =	vst v1  }
0x2f: {  	[tilespmem:s19+$0xFFFFFF80] =	vst v1  }
0x30: {  	[tilespmem:s19+$0xFFFFFF70] =	vst v1  }
0x31: {  	[tilespmem:s19+$0xFFFFFF60] =	vst v1  }
0x32: {  	[tilespmem:s19+$0xFFFFFF50] =	vst v1  }
0x33: {  	[tilespmem:s19+$0xFFFFFF40] =	vst v1  }
0x34: {  	[tilespmem:s19+$0xFFFFFF30] =	vst v1  }
0x35: {  	s20 =	simm.s32 $0x0;
	[tilespmem:s19+$0xFFFFFF20] =	vst v1  }
.LBB2_4:
0x36: {  	s20 =	sadd.s32 $0x4, s20;
	[tilespmem:s19+$0xFFFFFF10] =	vst v1;
	s19 =	sadd.s32 $0x200, s19  }
0x37: {  	[tilespmem:s19+$0xFFFFFF00] =	vst v1;
	p1 =	slt.u32 s20, $0xFC  }
0x38: {  	[tilespmem:s19+$0xF0] =	vst v1  }
0x39: {  	[tilespmem:s19+$0xE0] =	vst v1  }
0x3a: {  	[tilespmem:s19+$0xD0] =	vst v1  }
0x3b: {  	[tilespmem:s19+$0xC0] =	vst v1  }
0x3c: {  	[tilespmem:s19+$0xB0] =	vst v1  }
0x3d: {  	[tilespmem:s19+$0xA0] =	vst v1  }
0x3e: {  	[tilespmem:s19+$0x90] =	vst v1  }
0x3f: {  	[tilespmem:s19+$0x80] =	vst v1  }
0x40: {  	[tilespmem:s19+$0x70] =	vst v1  }
0x41: {  	[tilespmem:s19+$0x60] =	vst v1  }
0x42: {  	[tilespmem:s19+$0x50] =	vst v1  }
0x43: {  	[tilespmem:s19+$0x40] =	vst v1  }
0x44: {  	[tilespmem:s19+$0x30] =	vst v1  }
0x45: {  	[tilespmem:s19+$0x20] =	vst v1  }
0x46: {  	[tilespmem:s19+$0x10] =	vst v1  }
0x47: {  	[tilespmem:s19+$0x0] =	vst v1  }
0x48: {  	[tilespmem:s19+$0xFFFFFFF0] =	vst v1  }
0x49: {  	[tilespmem:s19+$0xFFFFFFE0] =	vst v1  }
0x4a: {  	[tilespmem:s19+$0xFFFFFFD0] =	vst v1  }
0x4b: {  	[tilespmem:s19+$0xFFFFFFC0] =	vst v1  }
0x4c: {  	[tilespmem:s19+$0xFFFFFFB0] =	vst v1  }
0x4d: {  	[tilespmem:s19+$0xFFFFFFA0] =	vst v1  }
0x4e: {  	[tilespmem:s19+$0xFFFFFF90] =	vst v1  }
0x4f: {  	[tilespmem:s19+$0xFFFFFF80] =	vst v1  }
0x50: {  	[tilespmem:s19+$0xFFFFFF70] =	vst v1  }
.Ltmp1:
0x51: {  	[tilespmem:s19+$0xFFFFFF60] =	vst v1;
	(pc) =	sbr.rel @p1 .LBB2_4-.Ltmp1, $4  }
0x52: {  	[tilespmem:s19+$0xFFFFFF50] =	vst v1  }
0x53: {  	[tilespmem:s19+$0xFFFFFF40] =	vst v1  }
0x54: {  	[tilespmem:s19+$0xFFFFFF30] =	vst v1  }
0x55: {  	[tilespmem:s19+$0xFFFFFF20] =	vst v1  }
0x56: {  	[tilespmem:s19+$0xFFFFFF10] =	vst v1  }
0x57: {  	[tilespmem:$0xC000] =	vst v0  }
0x58: {  	[tilespmem:$0xC010] =	vst v2  }
0x59: {  	[tilespmem:$0xC020] =	vst v3  }
0x5a: {  	[tilespmem:$0xC030] =	vst v4  }
0x5b: {  	[tilespmem:$0xC040] =	vst v5  }
0x5c: {  	[tilespmem:$0xC050] =	vst v6  }
0x5d: {  	[tilespmem:$0xC060] =	vst v7  }
0x5e: {  	[tilespmem:$0xC070] =	vst v8  }
0x5f: {  	[tilespmem:$0xC080] =	vst v9  }
0x60: {  	[tilespmem:$0xC090] =	vst v10  }
0x61: {  	[tilespmem:$0xC0A0] =	vst v11  }
0x62: {  	[tilespmem:$0xC0B0] =	vst v12  }
0x63: {  	[tilespmem:$0xC0C0] =	vst v13  }
0x64: {  	[tilespmem:$0xC0D0] =	vst v14  }
0x65: {  	[tilespmem:$0xC0E0] =	vst v15  }
0x66: {  	s19 =	simm.s32 @!p0 $0x4000;
	[tilespmem:$0xC0F0] =	vst v16  }
0x67: {  	[spmem:s2] =	stream.linear.scatter @!p0 [tilespmem:s19], [sflag:$0x3], $0x8000, $0x38;
	[tilespmem:$0xC900] =	vst v63  }
0x68: {  	s19 =	simm.s32 @!p0 $0x3  }
0x69: {  	_ =	swait.ge @!p0 [sflag:s19], $0x8000  }
0x6a: {  	[sflag:s19] =	ssyncset.done @!p0 $0x0  }
0x6b: {  	[sflag:s19] =	ssyncadd.s32 @!p0 $0xFFFF8000;
	s19 =	simm.s32 $0x0  }
.LBB2_6:
0x6c: {  	s20 =	sshll.u32 s19, $0xE;
	s21 =	sshrl.u32 s19, $0x1  }
0x6d: {  	s20 =	sand.u32 $0x4000, s20;
	s21 =	sadd.s32 s4, s21  }
0x6e: {  	s21 =	sshll.u32 s21, $0x4;
	s20 =	sadd.s32 s20, s7  }
0x6f: {  	s20 =	sadd.s32 s21, s20  }
0x70: {  	s22 =	simm.s32 $0x80;
	s20 =	sadd.s32 $0x2000, s20  }
0x71: {  	s23 =	simm.s32 $0x180;
	s21 =	simm.s32 $0x80;
	s24 =	sadd.s32 $0x0, s20  }
.LBB2_7:
0x72: {  	[tilespmem:s21], [sflag:$0x2] =	stream.linear.gather [hbm4b:s24+s3], $0x80, $0x38;
	[tilespmem:$0xC900] =	vst v63  }
0x73: {  	s24 =	smov.u32 s22;
	s21 =	smov.u32 s23;
	p1 =	sne.s32 s22, $0x1F80  }
.Ltmp2:
0x74: {  	s22 =	sadd.s32 $0x80, s22;
	(pc) =	sbr.rel @p1 .LBB2_7-.Ltmp2, $2  }
0x75: {  	_ =	sdelay $0x2  }
0x76: {  	s23 =	sadd.s32 $0x100, s23;
	s24 =	sadd.s32 s24, s20  }
0x77: {  	[tilespmem:s21], [sflag:$0x2] =	stream.linear.gather [hbm4b:s24+s3], $0x80, $0x38;
	[tilespmem:$0xC900] =	vst v63  }
0x78: {  	_ =	swait.ge [sflag:s10], $0x2000  }
0x79: {  	[sflag:s10] =	ssyncset.done $0x0  }
0x7a: {  	s20 =	simm.s32 $0x100;
	[sflag:s10] =	ssyncadd.s32 $0xFFFFE000  }
0x7b: {  	v18 =	vld [tilespmem:s20+$0xFFFFFF20]  }
0x7c: {  	v19 =	vld [tilespmem:s20+$0xFFFFFF30]  }
0x7d: {  	v20 =	vld [tilespmem:s20+$0xFFFFFF40]  }
0x7e: {  	v21 =	vld [tilespmem:s20+$0xFFFFFF50]  }
0x7f: {  	v22 =	vld [tilespmem:s20+$0xFFFFFF00]  }
0x80: {  	v23 =	vld [tilespmem:s20+$0x70]  }
0x81: {  	v24 =	vld [tilespmem:s20+$0x60]  }
0x82: {  	v25 =	vld [tilespmem:s20+$0x50]  }
0x83: {  	v26 =	vld [tilespmem:s20+$0x40]  }
0x84: {  	v27 =	vld [tilespmem:s20+$0x30]  }
0x85: {  	v28 =	vld [tilespmem:s20+$0x20];
	v22 =	vshrl.u32 v22, $0x10  }
0x86: {  	v29 =	vld [tilespmem:s20+$0x10];
	v23 =	vshrl.u32 v23, $0x10;
	v22 =	vand.u32 $0x7FFF, v22  }
0x87: {  	v32 =	vld [tilespmem:s20+$0xFFFFFF60];
	v24 =	vshrl.u32 v24, $0x10;
	v23 =	vand.u32 $0x7FFF, v23  }
0x88: {  	v30 =	vld [tilespmem:s20+$0x0];
	v25 =	vshrl.u32 v25, $0x10;
	v24 =	vand.u32 $0x7FFF, v24  }
0x89: {  	v31 =	vld [tilespmem:s20+$0xFFFFFF70];
	v27 =	vshrl.u32 v27, $0x10;
	v25 =	vand.u32 $0x7FFF, v25  }
0x8a: {  	v60 =	vld [tilespmem:s20+$0xFFFFFF10];
	v26 =	vshrl.u32 v26, $0x10;
	v56 =	vand.u32 $0x7FFF, v27  }
0x8b: {  	v57 =	vshrl.u32 v29, $0x10;
	v26 =	vand.u32 $0x7FFF, v26;
	[tilespmem:v22+s11+$0x0] =	vst.idx.add.s32.msk $0xffff, v17  }
0x8c: {  	v61 =	vshrl.u32 v32, $0x10;
	v27 =	vand.u32 $0x7FFF, v57;
	[tilespmem:v23+s11+$0x0] =	vst.idx.add.s32.msk $0xffff, v17  }
0x8d: {  	v59 =	vshrl.u32 v28, $0x10;
	v21 =	vshrl.u32 v21, $0x10;
	v28 =	vand.u32 $0x7FFF, v61;
	[tilespmem:v24+s11+$0x0] =	vst.idx.add.s32.msk $0xffff, v17  }
0x8e: {  	v19 =	vshrl.u32 v19, $0x10;
	v21 =	vand.u32 $0x7FFF, v21;
	[tilespmem:v25+s11+$0x0] =	vst.idx.add.s32.msk $0xffff, v17  }
0x8f: {  	v18 =	vshrl.u32 v18, $0x10;
	v19 =	vand.u32 $0x7FFF, v19;
	[tilespmem:v56+s11+$0x0] =	vst.idx.add.s32.msk $0xffff, v17  }
0x90: {  	v58 =	vshrl.u32 v30, $0x10;
	v63 =	vand.u32 $0x7FFF, v18;
	[tilespmem:v26+s11+$0x0] =	vst.idx.add.s32.msk $0xffff, v17  }
0x91: {  	v23 =	vand.u32 $0x7FFF, v58;
	[tilespmem:v27+s11+$0x0] =	vst.idx.add.s32.msk $0xffff, v17  }
0x92: {  	v62 =	vshrl.u32 v31, $0x10;
	v24 =	vand.u32 $0x7FFF, v59;
	[tilespmem:v28+s11+$0x0] =	vst.idx.add.s32.msk $0xffff, v17  }
0x93: {  	v18 =	vshrl.u32 v20, $0x10;
	v20 =	vshrl.u32 v60, $0x10;
	v22 =	vand.u32 $0x7FFF, v62;
	[tilespmem:v21+s11+$0x0] =	vst.idx.add.s32.msk $0xffff, v17  }
0x94: {  	[tilespmem:v19+s11+$0x0] =	vst.idx.add.s32.msk $0xffff, v17;
	v19 =	vand.u32 $0x7FFF, v20  }
0x95: {  	v18 =	vand.u32 $0x7FFF, v18;
	[tilespmem:v63+s11+$0x0] =	vst.idx.add.s32.msk $0xffff, v17  }
0x96: {  	[tilespmem:v23+s11+$0x0] =	vst.idx.add.s32.msk $0xffff, v17  }
0x97: {  	[tilespmem:v24+s11+$0x0] =	vst.idx.add.s32.msk $0xffff, v17  }
0x98: {  	s21 =	simm.s32 $0x0;
	[tilespmem:v22+s11+$0x0] =	vst.idx.add.s32.msk $0xffff, v17  }
.LBB2_9:
0x99: {  	s21 =	sadd.s32 $0x10, s21;
	[tilespmem:v19+s11+$0x0] =	vst.idx.add.s32.msk $0xffff, v17;
	s20 =	sadd.s32 $0x200, s20  }
0x9a: {  	p1 =	slt.u32 s21, $0x1F0;
	[tilespmem:v18+s11+$0x0] =	vst.idx.add.s32.msk $0xffff, v17  }
0x9b: {  	v19 =	vld [tilespmem:s20+$0xFFFFFF20]  }
0x9c: {  	v18 =	vld [tilespmem:s20+$0xFFFFFF30]  }
0x9d: {  	v20 =	vld [tilespmem:s20+$0xFFFFFF40]  }
0x9e: {  	v21 =	vld [tilespmem:s20+$0xFFFFFF50]  }
0x9f: {  	v22 =	vld [tilespmem:s20+$0xFFFFFF00]  }
0xa0: {  	v23 =	vld [tilespmem:s20+$0x70]  }
0xa1: {  	v24 =	vld [tilespmem:s20+$0x60]  }
0xa2: {  	v25 =	vld [tilespmem:s20+$0x50]  }
0xa3: {  	v26 =	vld [tilespmem:s20+$0x40]  }
0xa4: {  	v22 =	vshrl.u32 v22, $0x10;
	v27 =	vld [tilespmem:s20+$0x30]  }
0xa5: {  	v22 =	vand.u32 $0x7FFF, v22;
	v28 =	vld [tilespmem:s20+$0x20];
	v23 =	vshrl.u32 v23, $0x10  }
0xa6: {  	v29 =	vld [tilespmem:s20+$0x10];
	v24 =	vshrl.u32 v24, $0x10;
	v23 =	vand.u32 $0x7FFF, v23  }
0xa7: {  	v30 =	vld [tilespmem:s20+$0x0];
	v25 =	vshrl.u32 v25, $0x10;
	v24 =	vand.u32 $0x7FFF, v24  }
0xa8: {  	v31 =	vld [tilespmem:s20+$0xFFFFFF70];
	v26 =	vshrl.u32 v26, $0x10;
	v25 =	vand.u32 $0x7FFF, v25  }
0xa9: {  	v32 =	vld [tilespmem:s20+$0xFFFFFF60];
	v27 =	vshrl.u32 v27, $0x10  }
0xaa: {  	[tilespmem:v22+s11+$0x0] =	vst.idx.add.s32.msk $0xffff, v17;
	v22 =	vshrl.u32 v28, $0x10;
	v27 =	vand.u32 $0x7FFF, v27  }
0xab: {  	v26 =	vand.u32 $0x7FFF, v26;
	v28 =	vshrl.u32 v29, $0x10;
	v22 =	vand.u32 $0x7FFF, v22;
	[tilespmem:v23+s11+$0x0] =	vst.idx.add.s32.msk $0xffff, v17  }
0xac: {  	v23 =	vshrl.u32 v30, $0x10;
	v28 =	vand.u32 $0x7FFF, v28;
	[tilespmem:v24+s11+$0x0] =	vst.idx.add.s32.msk $0xffff, v17  }
0xad: {  	v24 =	vshrl.u32 v31, $0x10;
	v23 =	vand.u32 $0x7FFF, v23;
	[tilespmem:v25+s11+$0x0] =	vst.idx.add.s32.msk $0xffff, v17  }
0xae: {  	v25 =	vld [tilespmem:s20+$0xFFFFFF10];
	v29 =	vshrl.u32 v32, $0x10;
	v24 =	vand.u32 $0x7FFF, v24  }
0xaf: {  	v21 =	vshrl.u32 v21, $0x10;
	v29 =	vand.u32 $0x7FFF, v29;
	[tilespmem:v27+s11+$0x0] =	vst.idx.add.s32.msk $0xffff, v17  }
0xb0: {  	v20 =	vshrl.u32 v20, $0x10;
	v21 =	vand.u32 $0x7FFF, v21;
	[tilespmem:v26+s11+$0x0] =	vst.idx.add.s32.msk $0xffff, v17  }
0xb1: {  	v26 =	vshrl.u32 v18, $0x10;
	v18 =	vand.u32 $0x7FFF, v20;
	[tilespmem:v28+s11+$0x0] =	vst.idx.add.s32.msk $0xffff, v17  }
0xb2: {  	v19 =	vshrl.u32 v19, $0x10;
	v20 =	vand.u32 $0x7FFF, v26;
	[tilespmem:v23+s11+$0x0] =	vst.idx.add.s32.msk $0xffff, v17  }
0xb3: {  	v23 =	vshrl.u32 v25, $0x10;
	v25 =	vand.u32 $0x7FFF, v19;
	[tilespmem:v22+s11+$0x0] =	vst.idx.add.s32.msk $0xffff, v17  }
.Ltmp3:
0xb4: {  	v19 =	vand.u32 $0x7FFF, v23;
	[tilespmem:v29+s11+$0x0] =	vst.idx.add.s32.msk $0xffff, v17;
	(pc) =	sbr.rel @p1 .LBB2_9-.Ltmp3, $4  }
0xb5: {  	[tilespmem:v21+s11+$0x0] =	vst.idx.add.s32.msk $0xffff, v17  }
0xb6: {  	[tilespmem:v24+s11+$0x0] =	vst.idx.add.s32.msk $0xffff, v17  }
0xb7: {  	[tilespmem:v20+s11+$0x0] =	vst.idx.add.s32.msk $0xffff, v17  }
0xb8: {  	[tilespmem:v25+s11+$0x0] =	vst.idx.add.s32.msk $0xffff, v17  }
0xb9: {  	p1 =	seq.s32 s19, $0x7  }
.Ltmp4:
0xba: {  	_ = 	snop;
	(pc) =	sbr.rel @p1 .LBB2_14-.Ltmp4, $3  }
0xbb: {  	_ =	sdelay $0x1  }
0xbc: {  	[tilespmem:v19+s11+$0x0] =	vst.idx.add.s32.msk $0xffff, v17  }
0xbd: {  	[tilespmem:v18+s11+$0x0] =	vst.idx.add.s32.msk $0xffff, v17  }
0xbe: {  	s20 =	sshll.u32 s19, $0x1  }
0xbf: {  	s20 =	sadd.s32 $0x2, s20  }
0xc0: {  	s21 =	sshrl.u32 s20, $0x2  }
0xc1: {  	s21 =	sadd.s32 s21, s5  }
0xc2: {  	s20 =	sshll.u32 s20, $0xD;
	s22 =	sshll.u32 s21, $0xC;
	s21 =	sshll.u32 s21, $0x4  }
0xc3: {  	s20 =	sand.u32 $0x4000, s20;
	s22 =	sand.u32 $0xFFF8000, s22;
	s21 =	sand.u32 $0x70, s21  }
0xc4: {  	s20 =	sor.u32 s22, s20;
	s21 =	sadd.s32 s1, s21  }
0xc5: {  	s23 =	simm.s32 $0x100;
	s20 =	sadd.s32 s20, s21  }
0xc6: {  	s22 =	simm.s32 $0x80;
	s21 =	simm.s32 $0x0;
	s24 =	sadd.s32 $0x0, s20  }
.LBB2_12:
0xc7: {  	[tilespmem:s21], [sflag:$0x1] =	stream.linear.gather [hbm4b:s24+s3], $0x80, $0x38;
	[tilespmem:$0xC900] =	vst v63  }
0xc8: {  	s24 =	smov.u32 s22;
	s21 =	smov.u32 s23;
	p1 =	sne.s32 s22, $0x1F80  }
.Ltmp5:
0xc9: {  	s22 =	sadd.s32 $0x80, s22;
	(pc) =	sbr.rel @p1 .LBB2_12-.Ltmp5, $2  }
0xca: {  	_ =	sdelay $0x2  }
0xcb: {  	s23 =	sadd.s32 $0x100, s23;
	s24 =	sadd.s32 s24, s20  }
0xcc: {  	[tilespmem:s21], [sflag:$0x1] =	stream.linear.gather [hbm4b:s24+s3], $0x80, $0x38;
	[tilespmem:$0xC900] =	vst v63  }
.LBB2_14:
0xcd: {  	_ =	swait.ge [sflag:s12], $0x2000  }
0xce: {  	[sflag:s12] =	ssyncset.done $0x0  }
0xcf: {  	s20 =	simm.s32 $0x180;
	[sflag:s12] =	ssyncadd.s32 $0xFFFFE000  }
0xd0: {  	v18 =	vld [tilespmem:s20+$0xFFFFFF20]  }
0xd1: {  	v19 =	vld [tilespmem:s20+$0xFFFFFF30]  }
0xd2: {  	v20 =	vld [tilespmem:s20+$0xFFFFFF40]  }
0xd3: {  	v21 =	vld [tilespmem:s20+$0xFFFFFF50]  }
0xd4: {  	v22 =	vld [tilespmem:s20+$0xFFFFFF00]  }
0xd5: {  	v23 =	vld [tilespmem:s20+$0x70]  }
0xd6: {  	v24 =	vld [tilespmem:s20+$0x60]  }
0xd7: {  	v25 =	vld [tilespmem:s20+$0x50]  }
0xd8: {  	v26 =	vld [tilespmem:s20+$0x40]  }
0xd9: {  	v27 =	vld [tilespmem:s20+$0x30]  }
0xda: {  	v28 =	vld [tilespmem:s20+$0x20];
	v22 =	vshrl.u32 v22, $0x10  }
0xdb: {  	v29 =	vld [tilespmem:s20+$0x10];
	v23 =	vshrl.u32 v23, $0x10;
	v22 =	vand.u32 $0x7FFF, v22  }
0xdc: {  	v32 =	vld [tilespmem:s20+$0xFFFFFF60];
	v24 =	vshrl.u32 v24, $0x10;
	v23 =	vand.u32 $0x7FFF, v23  }
0xdd: {  	v30 =	vld [tilespmem:s20+$0x0];
	v25 =	vshrl.u32 v25, $0x10;
	v24 =	vand.u32 $0x7FFF, v24  }
0xde: {  	v31 =	vld [tilespmem:s20+$0xFFFFFF70];
	v27 =	vshrl.u32 v27, $0x10;
	v25 =	vand.u32 $0x7FFF, v25  }
0xdf: {  	v60 =	vld [tilespmem:s20+$0xFFFFFF10];
	v26 =	vshrl.u32 v26, $0x10;
	v56 =	vand.u32 $0x7FFF, v27  }
0xe0: {  	v57 =	vshrl.u32 v29, $0x10;
	v26 =	vand.u32 $0x7FFF, v26;
	[tilespmem:v22+s11+$0x0] =	vst.idx.add.s32.msk $0xffff, v17  }
0xe1: {  	v61 =	vshrl.u32 v32, $0x10;
	v27 =	vand.u32 $0x7FFF, v57;
	[tilespmem:v23+s11+$0x0] =	vst.idx.add.s32.msk $0xffff, v17  }
0xe2: {  	v59 =	vshrl.u32 v28, $0x10;
	v21 =	vshrl.u32 v21, $0x10;
	v28 =	vand.u32 $0x7FFF, v61;
	[tilespmem:v24+s11+$0x0] =	vst.idx.add.s32.msk $0xffff, v17  }
0xe3: {  	v19 =	vshrl.u32 v19, $0x10;
	v21 =	vand.u32 $0x7FFF, v21;
	[tilespmem:v25+s11+$0x0] =	vst.idx.add.s32.msk $0xffff, v17  }
0xe4: {  	v18 =	vshrl.u32 v18, $0x10;
	v19 =	vand.u32 $0x7FFF, v19;
	[tilespmem:v56+s11+$0x0] =	vst.idx.add.s32.msk $0xffff, v17  }
0xe5: {  	v58 =	vshrl.u32 v30, $0x10;
	v63 =	vand.u32 $0x7FFF, v18;
	[tilespmem:v26+s11+$0x0] =	vst.idx.add.s32.msk $0xffff, v17  }
0xe6: {  	v23 =	vand.u32 $0x7FFF, v58;
	[tilespmem:v27+s11+$0x0] =	vst.idx.add.s32.msk $0xffff, v17  }
0xe7: {  	v62 =	vshrl.u32 v31, $0x10;
	v24 =	vand.u32 $0x7FFF, v59;
	[tilespmem:v28+s11+$0x0] =	vst.idx.add.s32.msk $0xffff, v17  }
0xe8: {  	v18 =	vshrl.u32 v20, $0x10;
	v20 =	vshrl.u32 v60, $0x10;
	v22 =	vand.u32 $0x7FFF, v62;
	[tilespmem:v21+s11+$0x0] =	vst.idx.add.s32.msk $0xffff, v17  }
0xe9: {  	[tilespmem:v19+s11+$0x0] =	vst.idx.add.s32.msk $0xffff, v17;
	v19 =	vand.u32 $0x7FFF, v20  }
0xea: {  	v18 =	vand.u32 $0x7FFF, v18;
	[tilespmem:v63+s11+$0x0] =	vst.idx.add.s32.msk $0xffff, v17  }
0xeb: {  	[tilespmem:v23+s11+$0x0] =	vst.idx.add.s32.msk $0xffff, v17  }
0xec: {  	[tilespmem:v24+s11+$0x0] =	vst.idx.add.s32.msk $0xffff, v17  }
0xed: {  	s21 =	simm.s32 $0x0;
	[tilespmem:v22+s11+$0x0] =	vst.idx.add.s32.msk $0xffff, v17  }
.LBB2_15:
0xee: {  	s21 =	sadd.s32 $0x10, s21;
	[tilespmem:v19+s11+$0x0] =	vst.idx.add.s32.msk $0xffff, v17;
	s20 =	sadd.s32 $0x200, s20  }
0xef: {  	p1 =	slt.u32 s21, $0x1F0;
	[tilespmem:v18+s11+$0x0] =	vst.idx.add.s32.msk $0xffff, v17  }
0xf0: {  	v19 =	vld [tilespmem:s20+$0xFFFFFF20]  }
0xf1: {  	v18 =	vld [tilespmem:s20+$0xFFFFFF30]  }
0xf2: {  	v20 =	vld [tilespmem:s20+$0xFFFFFF40]  }
0xf3: {  	v21 =	vld [tilespmem:s20+$0xFFFFFF50]  }
0xf4: {  	v22 =	vld [tilespmem:s20+$0xFFFFFF00]  }
0xf5: {  	v23 =	vld [tilespmem:s20+$0x70]  }
0xf6: {  	v24 =	vld [tilespmem:s20+$0x60]  }
0xf7: {  	v25 =	vld [tilespmem:s20+$0x50]  }
0xf8: {  	v26 =	vld [tilespmem:s20+$0x40]  }
0xf9: {  	v22 =	vshrl.u32 v22, $0x10;
	v27 =	vld [tilespmem:s20+$0x30]  }
0xfa: {  	v22 =	vand.u32 $0x7FFF, v22;
	v28 =	vld [tilespmem:s20+$0x20];
	v23 =	vshrl.u32 v23, $0x10  }
0xfb: {  	v29 =	vld [tilespmem:s20+$0x10];
	v24 =	vshrl.u32 v24, $0x10;
	v23 =	vand.u32 $0x7FFF, v23  }
0xfc: {  	v30 =	vld [tilespmem:s20+$0x0];
	v25 =	vshrl.u32 v25, $0x10;
	v24 =	vand.u32 $0x7FFF, v24  }
0xfd: {  	v31 =	vld [tilespmem:s20+$0xFFFFFF70];
	v26 =	vshrl.u32 v26, $0x10;
	v25 =	vand.u32 $0x7FFF, v25  }
0xfe: {  	v32 =	vld [tilespmem:s20+$0xFFFFFF60];
	v27 =	vshrl.u32 v27, $0x10  }
0xff: {  	[tilespmem:v22+s11+$0x0] =	vst.idx.add.s32.msk $0xffff, v17;
	v22 =	vshrl.u32 v28, $0x10;
	v27 =	vand.u32 $0x7FFF, v27  }
0x100: {  	v26 =	vand.u32 $0x7FFF, v26;
	v28 =	vshrl.u32 v29, $0x10;
	v22 =	vand.u32 $0x7FFF, v22;
	[tilespmem:v23+s11+$0x0] =	vst.idx.add.s32.msk $0xffff, v17  }
0x101: {  	v23 =	vshrl.u32 v30, $0x10;
	v28 =	vand.u32 $0x7FFF, v28;
	[tilespmem:v24+s11+$0x0] =	vst.idx.add.s32.msk $0xffff, v17  }
0x102: {  	v24 =	vshrl.u32 v31, $0x10;
	v23 =	vand.u32 $0x7FFF, v23;
	[tilespmem:v25+s11+$0x0] =	vst.idx.add.s32.msk $0xffff, v17  }
0x103: {  	v25 =	vld [tilespmem:s20+$0xFFFFFF10];
	v29 =	vshrl.u32 v32, $0x10;
	v24 =	vand.u32 $0x7FFF, v24  }
0x104: {  	v21 =	vshrl.u32 v21, $0x10;
	v29 =	vand.u32 $0x7FFF, v29;
	[tilespmem:v27+s11+$0x0] =	vst.idx.add.s32.msk $0xffff, v17  }
0x105: {  	v20 =	vshrl.u32 v20, $0x10;
	v21 =	vand.u32 $0x7FFF, v21;
	[tilespmem:v26+s11+$0x0] =	vst.idx.add.s32.msk $0xffff, v17  }
0x106: {  	v26 =	vshrl.u32 v18, $0x10;
	v18 =	vand.u32 $0x7FFF, v20;
	[tilespmem:v28+s11+$0x0] =	vst.idx.add.s32.msk $0xffff, v17  }
0x107: {  	v19 =	vshrl.u32 v19, $0x10;
	v20 =	vand.u32 $0x7FFF, v26;
	[tilespmem:v23+s11+$0x0] =	vst.idx.add.s32.msk $0xffff, v17  }
0x108: {  	v23 =	vshrl.u32 v25, $0x10;
	v25 =	vand.u32 $0x7FFF, v19;
	[tilespmem:v22+s11+$0x0] =	vst.idx.add.s32.msk $0xffff, v17  }
.Ltmp6:
0x109: {  	v19 =	vand.u32 $0x7FFF, v23;
	[tilespmem:v29+s11+$0x0] =	vst.idx.add.s32.msk $0xffff, v17;
	(pc) =	sbr.rel @p1 .LBB2_15-.Ltmp6, $4  }
0x10a: {  	[tilespmem:v21+s11+$0x0] =	vst.idx.add.s32.msk $0xffff, v17  }
0x10b: {  	[tilespmem:v24+s11+$0x0] =	vst.idx.add.s32.msk $0xffff, v17  }
0x10c: {  	[tilespmem:v20+s11+$0x0] =	vst.idx.add.s32.msk $0xffff, v17  }
0x10d: {  	[tilespmem:v25+s11+$0x0] =	vst.idx.add.s32.msk $0xffff, v17  }
0x10e: {  	s19 =	sadd.s32 $0x1, s19  }
0x10f: {  	p1 =	sne.s32 s19, $0x8  }
.Ltmp7:
0x110: {  	_ = 	snop;
	(pc) =	sbr.rel @p1 .LBB2_6-.Ltmp7, $3  }
0x111: {  	_ =	sdelay $0x1  }
0x112: {  	[tilespmem:v19+s11+$0x0] =	vst.idx.add.s32.msk $0xffff, v17  }
0x113: {  	[tilespmem:v18+s11+$0x0] =	vst.idx.add.s32.msk $0xffff, v17  }
0x114: {  	[bflag:$0x0] =	sbarrier.arrive $0xFFFF  }
0x115: {  	[spmem:s2] =	stream.indirect.scatter.add.s32 [tilespmem:s11], [sflag:$0x3], $0x80, s14, s13, $0xb8;
	[tilespmem:$0xC900] =	vst v63  }
0x116: {  	_ =	swait.ge [sflag:s15], $0x4000  }
0x117: {  	[sflag:s15] =	ssyncset.done $0x0  }
0x118: {  	[sflag:s15] =	ssyncadd.s32 $0xFFFFC000  }
0x119: {  	[spmem:s2] =	stream.indirect.scatter.add.s32 [tilespmem:s17], [sflag:$0x3], $0x80, s16, s13, $0xb8;
	[tilespmem:$0xC900] =	vst v63  }
0x11a: {  	_ =	swait.ge [sflag:s15], $0x4000  }
0x11b: {  	[sflag:s15] =	ssyncset.done $0x0  }
0x11c: {  	s19 =	sshrl.u32 @!p0 s2, $0x3;
	s18 =	sadd.s32 $0x1, s18;
	[sflag:s15] =	ssyncadd.s32 $0xFFFFC000  }
0x11d: {  	s20 =	simm.s32 @!p0 $0x1C03;
	p1 =	sne.s32 s18, s9;
	[bflag:$0x0] =	sbarrier.arrive $0xFFFF  }
0x11e: {  	[hbm:s8], [sflag:s20] =	dma.local @!p0 [spmem:s19], $0x1000  }
.Ltmp8:
0x11f: {  	_ = 	snop;
	(pc) =	sbr.rel @p1 .LBB2_1-.Ltmp8, $4  }
0x120: {  	s19 =	simm.s32 @!p0 $0x3  }
0x121: {  	_ =	swait.ge @!p0 [sflag:s19], $0x1000  }
0x122: {  	[sflag:s19] =	ssyncset.done @!p0 $0x0  }
0x123: {  	[sflag:s19] =	ssyncadd.s32 @!p0 $0xFFFFF000  }
0x124: {  	_ =	sfence.sel $0x180000  }
0x125: {  	[bflag:$0x0] =	sbarrier.arrive $0xFFFF  }
0x126: {  	_ =	strace $0x90000047  }
0x127: {  	s0 =	sadd.s32 @!p0 $0x100000, s0;
	[bflag:$0x2] =	sbarrier.arrive $0xFFFF  }
0x128: {  	[sflag:s0] =	ssyncadd.tile.s32 @!p0 $0x1;
	_ =	shalt  }
.Lfunc_end2:
_tile_overlayer_lowered:
.L_overlay_start_2:
0x129: {  	(tag) =	ssettag $0x2  }
0x12a: {  	s0 =	rddreg [dreg:$0x0];
	s2 =	stileid.u32  }
0x12b: {  	s1 =	rddreg [dreg:$0x1];
	p0 =	sne.s32 s2, $0x0  }
0x12c: {  	s3 =	rddreg [dreg:$0x2];
	[bflag:$0x3] =	sbarrier.arrive $0xFFFF;
	s2 =	simm.s32 @!p0 $0x1C03  }
0x12d: {  	[timem:s3], [sflag:s2] =	dma.local @!p0 [hbm:s0], s1  }
0x12e: {  	s0 =	simm.s32 @!p0 $0x3  }
0x12f: {  	_ =	swait.ge @!p0 [sflag:s0], s1  }
0x130: {  	s1 =	ssub.s32 @!p0 $0x0, s1;
	[sflag:s0] =	ssyncset.done @!p0 $0x0  }
0x131: {  	[sflag:s0] =	ssyncadd.s32 @!p0 s1  }
0x132: {  	[bflag:$0x3] =	sbarrier.arrive $0xFFFF  }
0x133: {  	_ =	shalt  }

// kernel: kernel.9.cloned.1.call-start
scs
__scs_entry_jumppad:
0x0: {  	(pc) =	sbr.rel $0x88, $3  }
0x1: {  	(tag) =	ssettag $0x0;
	lr =	simm.s32 $0x1  }
0x2: {  	[smem:$0x3FA0] =	sst lr;
	_ =	strace $0xD0000000  }
0x3: {  	_ = 	snop  }
0x4: {  	_ = 	snop  }
0x5: {  	_ = 	snop  }
0x6: {  	_ = 	snop  }
0x7: {  	_ = 	snop  }
__scs_overlays_trampoline_lowered:
0x8: {  	[smem:$0x3FAF] =	sst s0  }
0x9: {  	[smem:$0x3FB0] =	sst s1  }
0xa: {  	[smem:$0x3FB1] =	sst s2  }
0xb: {  	[smem:$0x3FB2] =	sst s3  }
0xc: {  	[smem:$0x3FB3] =	sst s4  }
0xd: {  	[smem:$0x3FB4] =	sst s5  }
0xe: {  	[smem:$0x3FB5] =	sst s6  }
0xf: {  	[smem:$0x3FB6] =	sst s7  }
0x10: {  	[smem:$0x3FB7] =	sst s8  }
0x11: {  	[smem:$0x3FB8] =	sst s9;
	s0 =	simm.s32 @!p0 $0x0  }
0x12: {  	s1 =	sld [smem:$0x3F9E];
	s0 =	simm.s32 @p0 $0x1  }
0x13: {  	[smem:$0x3FB9] =	sst s0;
	s0 =	simm.s32 @!p1 $0x0  }
0x14: {  	s2 =	sld [smem:$0x3F9D];
	s0 =	simm.s32 @p1 $0x1  }
0x15: {  	[smem:$0x3FBA] =	sst s0;
	s0 =	simm.s32 @!p2 $0x0  }
0x16: {  	s3 =	sld [smem:$0x3FDB];
	s0 =	simm.s32 @p2 $0x1  }
0x17: {  	s4 =	simm.s32 $0x1BF5;
	[smem:$0x3FBC] =	sst s0  }
0x18: {  	s0 =	sld [smem:$0x3F9F];
	_ =	swait.ge [sflag:s4], $0x0  }
0x19: {  	s7 =	sld [smem:$0x3FA0]  }
0x1a: {  	s8 =	sadd.s32 $0xFFFFE003, lr  }
0x1b: {  	s9 =	sadd.s32 $0xFFFFFEF7, lr;
	s5 =	simm.s32 $0xFFFFFFFF;
	p2 =	slt.u32 s8, $0xFFFFF086  }
0x1c: {  	p1 =	slt.u32 s9, $0xF7A;
	s5 =	simm.s32 @!p2 $0x0  }
0x1d: {  	s5 =	simm.s32 @p1 $0x1;
	p0 =	seq.s32 s7, s2  }
0x1e: {  	s7 =	smul.u32 @!p0 $0xF7A, s2;
	p2 =	seq.s32 @!p0 s5, $0x0  }
0x1f: {  	s9 =	smul.u32 $0xF7A, s1;
	s8 =	simm.s32 @!p0 $0x1BF5;
	p2 =	por !p2, p0  }
0x20: {  	[sflag:s8] =	ssyncset.s32 @!p0 $0xFFFFF086;
	s6 =	sadd.s32 @!p0 s3, s7;
	s7 =	simm.s32 @!p0 $0x108  }
0x21: {  	s3 =	sadd.s32 s3, s9;
	s6 =	sadd.s32 @!p0 $0x88, s6;
	s7 =	simm.s32 @p2 $0x1082  }
0x22: {  	[simem:s7], [sflag:s8] =	dma.local @!p0 [hbm:s6], $0xF7A  }
0x23: {  	s9 =	sor.u32 $0xD0000000, s2;
	s6 =	simm.s32 $0x108;
	_ =	swait.ge @!p0 [sflag:s8], $0x0  }
0x24: {  	s3 =	sadd.s32 $0x88, s3;
	s6 =	simm.s32 @!p1 $0x1082;
	[sflag:s4] =	ssyncset.s32 $0xFFFFF086  }
0x25: {  	[simem:s6], [sflag:s4] =	dma.local [hbm:s3], $0xF7A  }
0x26: {  	[smem:$0x3FA0] =	sst s1;
	(tag) =	ssettag s2;
	_ =	strace s9  }
0x27: {  	s1 =	sld [smem:$0x3FB0]  }
0x28: {  	s2 =	sld [smem:$0x3FB1]  }
0x29: {  	s4 =	sld [smem:$0x3FB3]  }
0x2a: {  	p0 =	seq.s32 s5, $0x0;
	s5 =	sld [smem:$0x3FB4]  }
0x2b: {  	s6 =	sld [smem:$0x3FB5]  }
0x2c: {  	s7 =	sld [smem:$0x3FB6]  }
0x2d: {  	s3 =	simm.s32 $0x108;
	s8 =	sld [smem:$0x3FB7]  }
0x2e: {  	s3 =	simm.s32 @!p0 $0x1082;
	s9 =	sld [smem:$0x3FB8]  }
0x2f: {  	lr =	sadd.s32 s0, s3;
	s0 =	sld [smem:$0x3FAF]  }
0x30: {  	s3 =	sld [smem:$0x3FB2]  }
0x31: {  	[smem:$0x3FBB] =	sst s10  }
0x32: {  	s10 =	sld [smem:$0x3FB9];
	_ =	sdelay $0x3  }
0x33: {  	p0 =	seq.s32 s10, $0x1;
	s10 =	sld [smem:$0x3FBB];
	_ =	sdelay $0x3  }
0x34: {  	[smem:$0x3FBB] =	sst s10  }
0x35: {  	s10 =	sld [smem:$0x3FBA];
	_ =	sdelay $0x3  }
0x36: {  	p1 =	seq.s32 s10, $0x1;
	s10 =	sld [smem:$0x3FBB];
	_ =	sdelay $0x3  }
0x37: {  	[smem:$0x3FBB] =	sst s10  }
0x38: {  	s10 =	sld [smem:$0x3FBC]  }
0x39: {  	_ = 	snop;
	(pc) =	sbr.ind lr, $3  }
0x3a: {  	_ = 	snop  }
0x3b: {  	_ = 	snop  }
0x3c: {  	p2 =	seq.s32 s10, $0x1;
	s10 =	sld [smem:$0x3FBB]  }
0x3d: {  	_ =	shalt  }
0x3e: {  	_ =	shalt  }
0x3f: {  	_ =	shalt  }
0x40: {  	_ =	shalt  }
0x41: {  	_ =	shalt  }
0x42: {  	_ =	shalt  }
0x43: {  	_ =	shalt  }
0x44: {  	_ =	shalt  }
0x45: {  	_ =	shalt  }
0x46: {  	_ =	shalt  }
0x47: {  	_ =	shalt  }
0x48: {  	_ =	shalt  }
0x49: {  	_ =	shalt  }
0x4a: {  	_ =	shalt  }
0x4b: {  	_ =	shalt  }
0x4c: {  	_ =	shalt  }
0x4d: {  	_ =	shalt  }
0x4e: {  	_ =	shalt  }
0x4f: {  	_ =	shalt  }
0x50: {  	_ =	shalt  }
0x51: {  	_ =	shalt  }
0x52: {  	_ =	shalt  }
0x53: {  	_ =	shalt  }
0x54: {  	_ =	shalt  }
0x55: {  	_ =	shalt  }
0x56: {  	_ =	shalt  }
0x57: {  	_ =	shalt  }
0x58: {  	_ =	shalt  }
0x59: {  	_ =	shalt  }
0x5a: {  	_ =	shalt  }
0x5b: {  	_ =	shalt  }
0x5c: {  	_ =	shalt  }
0x5d: {  	_ =	shalt  }
0x5e: {  	_ =	shalt  }
0x5f: {  	_ =	shalt  }
0x60: {  	_ =	shalt  }
0x61: {  	_ =	shalt  }
0x62: {  	_ =	shalt  }
0x63: {  	_ =	shalt  }
0x64: {  	_ =	shalt  }
0x65: {  	_ =	shalt  }
0x66: {  	_ =	shalt  }
0x67: {  	_ =	shalt  }
0x68: {  	_ =	shalt  }
0x69: {  	_ =	shalt  }
0x6a: {  	_ =	shalt  }
0x6b: {  	_ =	shalt  }
0x6c: {  	_ =	shalt  }
0x6d: {  	_ =	shalt  }
0x6e: {  	_ =	shalt  }
0x6f: {  	_ =	shalt  }
0x70: {  	_ =	shalt  }
0x71: {  	_ =	shalt  }
0x72: {  	_ =	shalt  }
0x73: {  	_ =	shalt  }
0x74: {  	_ =	shalt  }
0x75: {  	_ =	shalt  }
0x76: {  	_ =	shalt  }
0x77: {  	_ =	shalt  }
0x78: {  	_ =	shalt  }
0x79: {  	_ =	shalt  }
0x7a: {  	_ =	shalt  }
0x7b: {  	_ =	shalt  }
0x7c: {  	_ =	shalt  }
0x7d: {  	_ =	shalt  }
0x7e: {  	_ =	shalt  }
0x7f: {  	_ =	shalt  }
0x80: {  	_ =	shalt  }
0x81: {  	_ =	shalt  }
0x82: {  	_ =	shalt  }
0x83: {  	_ =	shalt  }
0x84: {  	_ =	shalt  }
0x85: {  	_ =	shalt  }
0x86: {  	_ =	shalt  }
0x87: {  	_ =	shalt  }
.Lfunc_end0:
.L_simem_size_0:
called_computation.1_lowered:
.L_overlay_start_0:
0x88: {  	s2 =	sld [smem:$0x3FD9]  }
0x89: {  	s3 =	sld [smem:$0x3FFE];
	_ =	sdelay $0x1  }
0x8a: {  	s1 =	srdreg.scid  }
0x8b: {  	s0 =	sand.u32 $0x1, s1  }
0x8c: {  	s17 =	sshll.u32 s0, $0xA;
	s2 =	sadd.s32 s3, s2  }
0x8d: {  	s2 =	sadd.s32 s2, s17  }
0x8e: {  	[smem:$0x3FC7] =	sst s2  }
0x8f: {  	_ = 	snop  }
0x90: {  	s2 =	sld [smem:$0x3FC9]  }
0x91: {  	s18 =	sld [smem:$0x3FD0];
	(tm) =	ssettm $0x1  }
0x92: {  	s4 =	sld [smem:$0x3FFB];
	_ =	sdelay $0x3  }
0x93: {  	_ =	strace s4  }
0x94: {  	s4 =	sld [smem:$0x3FFC];
	_ =	sdelay $0x3  }
0x95: {  	_ =	strace s4  }
0x96: {  	s4 =	sld [smem:$0x3FFD];
	_ =	sdelay $0x3  }
0x97: {  	_ =	strace s4  }
0x98: {  	_ =	strace $0x8FFFFFFF  }
0x99: {  	s19 =	sld [smem:$0x3FDB];
	_ =	sdelay $0x1  }
0x9a: {  	s5 =	simm.s32 $_scs_section_size  }
0x9b: {  	s6 =	simm.s32 $_size__tile_overlayer_lowered;
	s7 =	simm.s32 $_tile_overlayer_lowered  }
0x9c: {  	s22 =	simm.s32 $0x1BFF;
	s21 =	sshll.u32 s7, $0x1;
	s4 =	sadd.s32 s5, s19  }
0x9d: {  	s8 =	simm.s32 $0x0;
	s20 =	sshll.u32 s6, $0x1;
	s6 =	sadd.s32 s21, s4  }
0x9e: {  	[timem:s8], [sflag:s22] =	dma.local [hbm:s6], s20  }
0x9f: {  	_ =	swait.ge [sflag:s22], s20  }
0xa0: {  	s5 =	ssub.s32 $0x0, s20;
	[sflag:s22] =	ssyncset.done $0x0  }
0xa1: {  	[sflag:s22] =	ssyncadd.s32 s5;
	_ =	sdelay $0x1  }
0xa2: {  	s23 =	simm.s32 $0x1B8B  }
0xa3: {  	_ =	swait.ge [sflag:s23], $0x1  }
0xa4: {  	[sflag:s23] =	ssyncset.done $0x0  }
0xa5: {  	s25 =	simm.s32 $0x1B8E;
	s24 =	sld [smem:$0x3FFE];
	[sflag:s23] =	ssyncadd.s32 $0xFFFFFFFF  }
0xa6: {  	s26 =	simm.s32 $execute0_lowered;
	[smem:$0x3FD2] =	sst s25  }
0xa7: {  	s6 =	sshll.u32 s26, $0x1;
	_ =	strace $0x80000049;
	[dreg:$0x1] =	wrdreg $0xFFFFFFFF  }
0xa8: {  	s28 =	simm.s32 $_size_execute0_lowered;
	s4 =	sadd.s32 s4, s6;
	[dreg:$0x0] =	wrdreg $0x0  }
0xa9: {  	s6 =	sshll.u32 s28, $0x1;
	[dreg:$0x2] =	wrdreg s4  }
0xaa: {  	[dreg:$0x3] =	wrdreg s6  }
0xab: {  	[dreg:$0x4] =	wrdreg $0xC0  }
0xac: {  	_ =	task [dreg:s8], $0x5FFFF  }
0xad: {  	[dreg:$0x1] =	wrdreg $0xFFFFFFFF  }
0xae: {  	[dreg:$0x0] =	wrdreg $0x60  }
0xaf: {  	[dreg:$0x2] =	wrdreg s2  }
0xb0: {  	[dreg:$0x3] =	wrdreg s24  }
0xb1: {  	[dreg:$0x4] =	wrdreg s18  }
0xb2: {  	[dreg:$0x5] =	wrdreg $0x142800  }
0xb3: {  	[dreg:$0x6] =	wrdreg $0x9  }
0xb4: {  	_ =	task.clear_ibuf [dreg:s8], $0x7FFFF;
	_ =	strace $0x90000049  }
0xb5: {  	s29 =	simm.s32 $0x9;
	_ =	strace $0x8000004B  }
0xb6: {  	_ =	swait.ge [sflag:s29], $0x1  }
0xb7: {  	[sflag:s29] =	ssyncadd.s32 $0xFFFFFFFF  }
0xb8: {  	_ =	strace $0x9000004B  }
0xb9: {  	_ =	sfence  }
0xba: {  	s30 =	sld [smem:$0x0];
	_ =	sdelay $0x2  }
0xbb: {  	s31 =	sshll.u32 s1, $0xD;
	s1 =	sshrl.u32 s1, $0x2  }
0xbc: {  	s3 =	sand.u32 $0x4000, s31;
	s1 =	sadd.s32 s1, s30  }
0xbd: {  	s0 =	sor.u32 s3, s0;
	s1 =	sshll.u32 s1, $0x11  }
0xbe: {  	s0 =	sor.u32 s1, s0  }
0xbf: {  	s0 =	sadd.s32 $0x8F2B, s0  }
0xc0: {  	[sflag:s0] =	ssyncadd.remote.s32 $0x1  }
0xc1: {  	_ =	sfence.sel $0xFFFF  }
0xc2: {  	[dreg:$0x0] =	wrdreg $0xFFFFFFFF;
	(pc) =	sbr.abs _section_cstart, $3  }
0xc3: {  	[dreg:$0x1] =	wrdreg $0xFFFFFFFF  }
0xc4: {  	_ =	task.clear_ibuf [dreg:s8], $0x2FFFF;
	_ =	strace $0x9FFFFFFF  }
0xc5: {  	(tm) =	ssettm $0x7FFFFFFF  }
tec
execute0_lowered:
.L_overlay_start_1:
0x0: {  	(tag) =	ssettag $0x1  }
0x1: {  	s1 =	rddreg [dreg:$0x0]  }
0x2: {  	s4 =	rddreg [dreg:$0x1]  }
0x3: {  	s9 =	rddreg [dreg:$0x2]  }
0x4: {  	s2 =	rddreg [dreg:$0x3]  }
0x5: {  	s0 =	rddreg [dreg:$0x4]  }
0x6: {  	s3 =	simm.s32 $0x0;
	s5 =	srdreg.scid;
	v0 =	vlaneseq.u32;
	s13 =	stileid.u32  }
0x7: {  	v1 =	vimm.s32 $0x0;
	s14 =	simm.s32 $0x4000;
	s15 =	simm.s32 $0x2;
	s16 =	simm.s32 $0x80;
	v33 =	vimm.s32 $0x1;
	v2 =	vor.u32 $0x10, v0  }
0x8: {  	s17 =	simm.s32 $0x14000;
	s18 =	simm.s32 $0x14080;
	s19 =	simm.s32 $0x8000;
	v3 =	vor.u32 $0x20, v0;
	v4 =	vor.u32 $0x30, v0;
	v5 =	vor.u32 $0x40, v0  }
0x9: {  	s20 =	simm.s32 $0x14100;
	s21 =	simm.s32 $0xC000;
	s22 =	simm.s32 $0x14180;
	v6 =	vor.u32 $0x50, v0;
	v7 =	vor.u32 $0x60, v0;
	v8 =	vor.u32 $0x70, v0  }
0xa: {  	s23 =	simm.s32 $0x10000;
	s24 =	simm.s32 $0x0;
	[smem:$0x7FF] =	sst s3;
	v9 =	vor.u32 $0x80, v0;
	v10 =	vor.u32 $0x90, v0;
	v11 =	vor.u32 $0xA0, v0  }
0xb: {  	s8 =	sand.u32 $0x1, s5;
	s4 =	sadd.s32 $0x4000, s4;
	s31 =	sshll.u32 s13, $0x3;
	v12 =	vor.u32 $0xB0, v0;
	v13 =	vor.u32 $0xC0, v0;
	v14 =	vor.u32 $0xD0, v0  }
0xc: {  	s11 =	sshll.u32 s13, $0xF;
	v15 =	vor.u32 $0xE0, v0;
	v16 =	vor.u32 $0xF0, v0;
	v17 =	vor.u32 $0x100, v0;
	p0 =	sne.s32 s13, $0x0;
	s13 =	simm.s32 $0x1  }
0xd: {  	v18 =	vor.u32 $0x110, v0;
	v19 =	vor.u32 $0x120, v0;
	v20 =	vor.u32 $0x130, v0;
	_ =	strace $0x8000004A;
	s5 =	ssub.s32 $0x2, s8;
	s7 =	sshll.u32 s8, $0x6  }
0xe: {  	v21 =	vor.u32 $0x140, v0;
	v22 =	vor.u32 $0x150, v0;
	v23 =	vor.u32 $0x160, v0;
	s12 =	sshll.u32 s8, $0xD;
	s6 =	sshrl.u32 s5, $0x1;
	s7 =	sadd.s32 s1, s7  }
0xf: {  	v24 =	vor.u32 $0x170, v0;
	v25 =	vor.u32 $0x180, v0;
	v26 =	vor.u32 $0x190, v0;
	s9 =	sadd.s32 s9, s12;
	s12 =	simm.s32 $0x3;
	s10 =	ssub.s32 s5, s6  }
0x10: {  	v27 =	vor.u32 $0x1A0, v0;
	v28 =	vor.u32 $0x1B0, v0;
	v29 =	vor.u32 $0x1C0, v0;
	s5 =	sshll.u32 s8, $0x2;
	s7 =	sadd.s32 s11, s7;
	s8 =	sadd.s32 s1, s11  }
0x11: {  	v30 =	vor.u32 $0x1D0, v0;
	v31 =	vor.u32 $0x1E0, v0;
	v32 =	vor.u32 $0x1F0, v0;
	s11 =	simm.s32 $0x14200;
	s6 =	sor.u32 s5, s31;
	s10 =	smax.u32 s10, $0x1  }
.LBB2_1:
0x12: {  	s25 =	simm.s32 $0x80  }
0x13: {  	s29 =	sadd.s32 $0x0, s7;
	s26 =	simm.s32 $0x100;
	s28 =	simm.s32 $0x0  }
.LBB2_2:
0x14: {  	[tilespmem:s28], [sflag:$0x1] =	stream.linear.gather [hbm4b:s29+s3], $0x80, $0x38;
	[tilespmem:$0x15280] =	vst v63  }
0x15: {  	s29 =	smov.u32 s25;
	s28 =	smov.u32 s26;
	p1 =	sne.s32 s25, $0x1F80  }
.Ltmp0:
0x16: {  	s25 =	sadd.s32 $0x80, s25;
	(pc) =	sbr.rel @p1 .LBB2_2-.Ltmp0, $2  }
0x17: {  	_ =	sdelay $0x2  }
0x18: {  	s26 =	sadd.s32 $0x100, s26;
	s29 =	sadd.s32 s29, s7  }
0x19: {  	[tilespmem:s28], [sflag:$0x1] =	stream.linear.gather [hbm4b:s29+s3], $0x80, $0x38;
	[tilespmem:$0x15280] =	vst v63  }
0x1a: {  	_ = 	snop  }
0x1b: {  	[tilespmem:s11], [sflag:$0x3] =	stream.linear.gather [hbm4b:s4+s3], $0x10, $0x38;
	[tilespmem:$0x15280] =	vst v63  }
0x1c: {  	_ =	swait.ge [sflag:s12], $0x10  }
0x1d: {  	[sflag:s12] =	ssyncset.done $0x0  }
0x1e: {  	s25 =	simm.s32 $0x4100;
	[sflag:s12] =	ssyncadd.s32 $0xFFFFFFF0  }
0x1f: {  	[tilespmem:s25+$0xFFFFFF00] =	vst v1  }
0x20: {  	[tilespmem:s25+$0xF0] =	vst v1  }
0x21: {  	[tilespmem:s25+$0xE0] =	vst v1  }
0x22: {  	[tilespmem:s25+$0xD0] =	vst v1  }
0x23: {  	[tilespmem:s25+$0xC0] =	vst v1  }
0x24: {  	[tilespmem:s25+$0xB0] =	vst v1  }
0x25: {  	[tilespmem:s25+$0xA0] =	vst v1  }
0x26: {  	[tilespmem:s25+$0x90] =	vst v1  }
0x27: {  	[tilespmem:s25+$0x80] =	vst v1  }
0x28: {  	[tilespmem:s25+$0x70] =	vst v1  }
0x29: {  	[tilespmem:s25+$0x60] =	vst v1  }
0x2a: {  	[tilespmem:s25+$0x50] =	vst v1  }
0x2b: {  	[tilespmem:s25+$0x40] =	vst v1  }
0x2c: {  	[tilespmem:s25+$0x30] =	vst v1  }
0x2d: {  	[tilespmem:s25+$0x20] =	vst v1  }
0x2e: {  	[tilespmem:s25+$0x10] =	vst v1  }
0x2f: {  	[tilespmem:s25+$0x0] =	vst v1  }
0x30: {  	[tilespmem:s25+$0xFFFFFFF0] =	vst v1  }
0x31: {  	[tilespmem:s25+$0xFFFFFFE0] =	vst v1  }
0x32: {  	[tilespmem:s25+$0xFFFFFFD0] =	vst v1  }
0x33: {  	[tilespmem:s25+$0xFFFFFFC0] =	vst v1  }
0x34: {  	[tilespmem:s25+$0xFFFFFFB0] =	vst v1  }
0x35: {  	[tilespmem:s25+$0xFFFFFFA0] =	vst v1  }
0x36: {  	[tilespmem:s25+$0xFFFFFF90] =	vst v1  }
0x37: {  	[tilespmem:s25+$0xFFFFFF80] =	vst v1  }
0x38: {  	[tilespmem:s25+$0xFFFFFF70] =	vst v1  }
0x39: {  	[tilespmem:s25+$0xFFFFFF60] =	vst v1  }
0x3a: {  	[tilespmem:s25+$0xFFFFFF50] =	vst v1  }
0x3b: {  	[tilespmem:s25+$0xFFFFFF40] =	vst v1  }
0x3c: {  	[tilespmem:s25+$0xFFFFFF30] =	vst v1  }
0x3d: {  	s26 =	simm.s32 $0x0;
	[tilespmem:s25+$0xFFFFFF20] =	vst v1  }
.LBB2_4:
0x3e: {  	s26 =	sadd.s32 $0x4, s26;
	[tilespmem:s25+$0xFFFFFF10] =	vst v1;
	s25 =	sadd.s32 $0x200, s25  }
0x3f: {  	[tilespmem:s25+$0xFFFFFF00] =	vst v1;
	p1 =	slt.u32 s26, $0x1FC  }
0x40: {  	[tilespmem:s25+$0xF0] =	vst v1  }
0x41: {  	[tilespmem:s25+$0xE0] =	vst v1  }
0x42: {  	[tilespmem:s25+$0xD0] =	vst v1  }
0x43: {  	[tilespmem:s25+$0xC0] =	vst v1  }
0x44: {  	[tilespmem:s25+$0xB0] =	vst v1  }
0x45: {  	[tilespmem:s25+$0xA0] =	vst v1  }
0x46: {  	[tilespmem:s25+$0x90] =	vst v1  }
0x47: {  	[tilespmem:s25+$0x80] =	vst v1  }
0x48: {  	[tilespmem:s25+$0x70] =	vst v1  }
0x49: {  	[tilespmem:s25+$0x60] =	vst v1  }
0x4a: {  	[tilespmem:s25+$0x50] =	vst v1  }
0x4b: {  	[tilespmem:s25+$0x40] =	vst v1  }
0x4c: {  	[tilespmem:s25+$0x30] =	vst v1  }
0x4d: {  	[tilespmem:s25+$0x20] =	vst v1  }
0x4e: {  	[tilespmem:s25+$0x10] =	vst v1  }
0x4f: {  	[tilespmem:s25+$0x0] =	vst v1  }
0x50: {  	[tilespmem:s25+$0xFFFFFFF0] =	vst v1  }
0x51: {  	[tilespmem:s25+$0xFFFFFFE0] =	vst v1  }
0x52: {  	[tilespmem:s25+$0xFFFFFFD0] =	vst v1  }
0x53: {  	[tilespmem:s25+$0xFFFFFFC0] =	vst v1  }
0x54: {  	[tilespmem:s25+$0xFFFFFFB0] =	vst v1  }
0x55: {  	[tilespmem:s25+$0xFFFFFFA0] =	vst v1  }
0x56: {  	[tilespmem:s25+$0xFFFFFF90] =	vst v1  }
0x57: {  	[tilespmem:s25+$0xFFFFFF80] =	vst v1  }
0x58: {  	[tilespmem:s25+$0xFFFFFF70] =	vst v1  }
.Ltmp1:
0x59: {  	[tilespmem:s25+$0xFFFFFF60] =	vst v1;
	(pc) =	sbr.rel @p1 .LBB2_4-.Ltmp1, $4  }
0x5a: {  	[tilespmem:s25+$0xFFFFFF50] =	vst v1  }
0x5b: {  	[tilespmem:s25+$0xFFFFFF40] =	vst v1  }
0x5c: {  	[tilespmem:s25+$0xFFFFFF30] =	vst v1  }
0x5d: {  	[tilespmem:s25+$0xFFFFFF20] =	vst v1  }
0x5e: {  	[tilespmem:s25+$0xFFFFFF10] =	vst v1  }
0x5f: {  	[tilespmem:$0x14000] =	vst v0  }
0x60: {  	[tilespmem:$0x14010] =	vst v2  }
0x61: {  	[tilespmem:$0x14020] =	vst v3  }
0x62: {  	[tilespmem:$0x14030] =	vst v4  }
0x63: {  	[tilespmem:$0x14040] =	vst v5  }
0x64: {  	[tilespmem:$0x14050] =	vst v6  }
0x65: {  	[tilespmem:$0x14060] =	vst v7  }
0x66: {  	[tilespmem:$0x14070] =	vst v8  }
0x67: {  	[tilespmem:$0x14080] =	vst v9  }
0x68: {  	[tilespmem:$0x14090] =	vst v10  }
0x69: {  	[tilespmem:$0x140A0] =	vst v11  }
0x6a: {  	[tilespmem:$0x140B0] =	vst v12  }
0x6b: {  	[tilespmem:$0x140C0] =	vst v13  }
0x6c: {  	[tilespmem:$0x140D0] =	vst v14  }
0x6d: {  	[tilespmem:$0x140E0] =	vst v15  }
0x6e: {  	[tilespmem:$0x140F0] =	vst v16  }
0x6f: {  	[tilespmem:$0x14100] =	vst v17  }
0x70: {  	[tilespmem:$0x14110] =	vst v18  }
0x71: {  	[tilespmem:$0x14120] =	vst v19  }
0x72: {  	[tilespmem:$0x14130] =	vst v20  }
0x73: {  	[tilespmem:$0x14140] =	vst v21  }
0x74: {  	[tilespmem:$0x14150] =	vst v22  }
0x75: {  	[tilespmem:$0x14160] =	vst v23  }
0x76: {  	[tilespmem:$0x14170] =	vst v24  }
0x77: {  	[tilespmem:$0x14180] =	vst v25  }
0x78: {  	[tilespmem:$0x14190] =	vst v26  }
0x79: {  	[tilespmem:$0x141A0] =	vst v27  }
0x7a: {  	[tilespmem:$0x141B0] =	vst v28  }
0x7b: {  	[tilespmem:$0x141C0] =	vst v29  }
0x7c: {  	[tilespmem:$0x141D0] =	vst v30  }
0x7d: {  	[tilespmem:$0x141E0] =	vst v31  }
0x7e: {  	s25 =	simm.s32 @!p0 $0x4000;
	[tilespmem:$0x141F0] =	vst v32  }
0x7f: {  	[spmem:s2] =	stream.linear.scatter @!p0 [tilespmem:s25], [sflag:$0x3], $0x10000, $0x38;
	[tilespmem:$0x15280] =	vst v63  }
0x80: {  	s25 =	simm.s32 @!p0 $0x3  }
0x81: {  	_ =	swait.ge @!p0 [sflag:s25], $0x10000  }
0x82: {  	[sflag:s25] =	ssyncset.done @!p0 $0x0  }
0x83: {  	[sflag:s25] =	ssyncadd.s32 @!p0 $0xFFFF0000  }
0x84: {  	s25 =	simm.s32 $0x0;
	v34 =	vld [tilespmem:$0x14200]  }
.LBB2_6:
0x85: {  	s26 =	sshll.u32 s25, $0xE;
	s28 =	sshrl.u32 s25, $0x1  }
0x86: {  	s26 =	sand.u32 $0x4000, s26;
	s28 =	sadd.s32 s5, s28  }
0x87: {  	s28 =	sshll.u32 s28, $0x4;
	s26 =	sadd.s32 s26, s8  }
0x88: {  	s26 =	sadd.s32 s28, s26  }
0x89: {  	s29 =	simm.s32 $0x80;
	s26 =	sadd.s32 $0x2000, s26  }
0x8a: {  	s30 =	simm.s32 $0x180;
	s28 =	simm.s32 $0x80;
	s31 =	sadd.s32 $0x0, s26  }
.LBB2_7:
0x8b: {  	[tilespmem:s28], [sflag:$0x2] =	stream.linear.gather [hbm4b:s31+s3], $0x80, $0x38;
	[tilespmem:$0x15280] =	vst v63  }
0x8c: {  	s31 =	smov.u32 s29;
	s28 =	smov.u32 s30;
	p1 =	sne.s32 s29, $0x1F80  }
.Ltmp2:
0x8d: {  	s29 =	sadd.s32 $0x80, s29;
	(pc) =	sbr.rel @p1 .LBB2_7-.Ltmp2, $2  }
0x8e: {  	_ =	sdelay $0x2  }
0x8f: {  	s30 =	sadd.s32 $0x100, s30;
	s31 =	sadd.s32 s31, s26  }
0x90: {  	[tilespmem:s28], [sflag:$0x2] =	stream.linear.gather [hbm4b:s31+s3], $0x80, $0x38;
	[tilespmem:$0x15280] =	vst v63  }
0x91: {  	_ =	swait.ge [sflag:s13], $0x2000  }
0x92: {  	[sflag:s13] =	ssyncset.done $0x0  }
0x93: {  	s26 =	simm.s32 $0x100;
	[sflag:s13] =	ssyncadd.s32 $0xFFFFE000  }
0x94: {  	v35 =	vld [tilespmem:s26+$0x70]  }
0x95: {  	v36 =	vld [tilespmem:s26+$0xFFFFFF10]  }
0x96: {  	v37 =	vld [tilespmem:s26+$0xFFFFFF20]  }
0x97: {  	v43 =	vld [tilespmem:s26+$0xFFFFFF60]  }
0x98: {  	v38 =	vld [tilespmem:s26+$0xFFFFFF30]  }
0x99: {  	v39 =	vld [tilespmem:s26+$0xFFFFFF40]  }
0x9a: {  	v40 =	vld [tilespmem:s26+$0xFFFFFF50]  }
0x9b: {  	v58 =	vimm.s32 $0x0;
	v45 =	vld [tilespmem:s26+$0xFFFFFF70];
	v41 =	vshrl.u32 v35, $0x10;
	v42 =	vshrl.u32 v36, $0x10  }
0x9c: {  	v46 =	vld [tilespmem:s26+$0x0];
	v36 =	vand.u32 $0xFFFF, v36;
	v54 =	vshrl.u32 v43, $0x10;
	v42 =	vand.u32 $0x7FFF, v42  }
0x9d: {  	v49 =	vld [tilespmem:s26+$0x30];
	v44 =	vshrl.u32 v37, $0x10;
	vm5 =	veq.s32 v42, v34;
	v42 =	vand.u32 $0x7FFF, v54  }
0x9e: {  	v48 =	vld [tilespmem:s26+$0x20];
	v51 =	vshrl.u32 v38, $0x10;
	v35 =	vand.u32 $0xFFFF, v35;
	vm0 =	veq.s32 v42, v34  }
0x9f: {  	v47 =	vshrl.u32 v39, $0x10;
	v50 =	vand.u32 $0x7FFF, v44;
	v44 =	vld [tilespmem:s26+$0x10];
	v42 =	vsel vm0, $0xFFFFFFFF, v58  }
0xa0: {  	v53 =	vshrl.u32 v40, $0x10;
	v55 =	vshrl.u32 v45, $0x10;
	vm3 =	veq.s32 v50, v34;
	v50 =	vld [tilespmem:s26+$0x40];
	[tilespmem:$0x1FFF0] =	vst v42  }
0xa1: {  	v57 =	vshrl.u32 v46, $0x10;
	v41 =	vand.u32 $0x7FFF, v41;
	v52 =	vand.u32 $0x7FFF, v51;
	v51 =	vld [tilespmem:s26+$0xFFFFFF00]  }
0xa2: {  	v62 =	vshrl.u32 v49, $0x10;
	v37 =	vand.u32 $0xFFFF, v37;
	vm2 =	veq.s32 v41, v34  }
0xa3: {  	v38 =	vand.u32 $0xFFFF, v38;
	v47 =	vand.u32 $0x7FFF, v47;
	v56 =	vand.u32 $0x7FFF, v55  }
0xa4: {  	vm4 =	veq.s32 v52, v34;
	v41 =	vand.u32 $0x7FFF, v53;
	vm1 =	veq.s32 v47, v34  }
0xa5: {  	v47 =	vand.u32 $0x7FFF, v57;
	vm6 =	veq.s32 v56, v34;
	v54 =	vand.u32 $0x7FFF, v62  }
0xa6: {  	vm8 =	veq.s32 v41, v34;
	vm12 =	veq.s32 v54, v34;
	v56 =	vshrl.u32 v51, $0x10  }
0xa7: {  	v54 =	vand.u32 $0xFFFF, v40;
	v59 =	vshrl.u32 v44, $0x10;
	v53 =	vld [tilespmem:s26+$0x60];
	v57 =	vand.u32 $0x7FFF, v56  }
0xa8: {  	v60 =	vand.u32 $0x7FFF, v59;
	v59 =	vand.u32 $0xFFFF, v39;
	[tilespmem:v35+s14+$0x0] =	vst.idx.add.s32.msk vm2, v33;
	vm14 =	veq.s32 v57, v34  }
0xa9: {  	[tilespmem:v36+s14+$0x0] =	vst.idx.add.s32.msk vm5, v33;
	v51 =	vand.u32 $0xFFFF, v51  }
0xaa: {  	[tilespmem:v37+s14+$0x0] =	vst.idx.add.s32.msk vm3, v33  }
0xab: {  	[tilespmem:v38+s14+$0x0] =	vst.idx.add.s32.msk vm4, v33  }
0xac: {  	[tilespmem:v54+s14+$0x0] =	vst.idx.add.s32.msk vm8, v33  }
0xad: {  	v61 =	vshrl.u32 v48, $0x10;
	[tilespmem:v59+s14+$0x0] =	vst.idx.add.s32.msk vm1, v33  }
0xae: {  	v63 =	vand.u32 $0x7FFF, v61;
	[tilespmem:v51+s14+$0x0] =	vst.idx.add.s32.msk vm14, v33  }
0xaf: {  	vm11 =	veq.s32 v63, v34;
	v63 =	vld [tilespmem:$0x1FFF0];
	_ =	sdelay $0x1  }
0xb0: {  	v55 =	vshrl.u32 v50, $0x10;
	v61 =	vshrl.u32 v53, $0x10  }
0xb1: {  	v43 =	vand.u32 $0xFFFF, v43;
	v52 =	vld [tilespmem:s26+$0x50];
	v41 =	vand.u32 $0x7FFF, v55;
	v62 =	vand.u32 $0x7FFF, v61  }
0xb2: {  	vm9 =	veq.s32 v47, v34;
	vm13 =	veq.s32 v41, v34;
	vm0 =	veq.s32 v62, v34  }
0xb3: {  	vm2 =	vmmov vm13;
	vm13 =	vmmov vm0;
	vm0 =	vnez.u8 v63  }
0xb4: {  	vm7 =	vmmov vm6;
	vm6 =	vmmov vm9;
	v42 =	vand.u32 $0xFFFF, v45  }
0xb5: {  	v40 =	vand.u32 $0xFFFF, v44;
	v39 =	vand.u32 $0xFFFF, v48;
	vm10 =	veq.s32 v60, v34  }
0xb6: {  	v38 =	vand.u32 $0xFFFF, v49;
	v37 =	vand.u32 $0xFFFF, v50;
	v58 =	vshrl.u32 v52, $0x10  }
0xb7: {  	vm4 =	vmmov vm11;
	vm3 =	vmmov vm12;
	v60 =	vand.u32 $0x7FFF, v58  }
0xb8: {  	v41 =	vand.u32 $0xFFFF, v46;
	vm5 =	vmmov vm10;
	vm15 =	veq.s32 v60, v34  }
0xb9: {  	s28 =	simm.s32 $0x300;
	s26 =	simm.s32 $0x0;
	v36 =	vand.u32 $0xFFFF, v52;
	v35 =	vand.u32 $0xFFFF, v53;
	vm1 =	vmmov vm15;
	[tilespmem:v43+s14+$0x0] =	vst.idx.add.s32.msk vm0, v33  }
.LBB2_9:
0xba: {  	v43 =	vld [tilespmem:s28+$0x70]  }
0xbb: {  	v44 =	vld [tilespmem:s28+$0xFFFFFF10]  }
0xbc: {  	v45 =	vld [tilespmem:s28+$0xFFFFFF20]  }
0xbd: {  	v46 =	vld [tilespmem:s28+$0xFFFFFF30]  }
0xbe: {  	v47 =	vld [tilespmem:s28+$0xFFFFFF40]  }
0xbf: {  	v48 =	vld [tilespmem:s28+$0xFFFFFF50];
	_ =	sdelay $0x1  }
0xc0: {  	v59 =	vimm.s32 $0x0  }
0xc1: {  	v49 =	vshrl.u32 v43, $0x10;
	v50 =	vshrl.u32 v44, $0x10;
	v52 =	vshrl.u32 v45, $0x10  }
0xc2: {  	v62 =	vshrl.u32 v46, $0x10;
	v43 =	vand.u32 $0xFFFF, v43;
	v58 =	vshrl.u32 v47, $0x10  }
0xc3: {  	v51 =	vld [tilespmem:s28+$0xFFFFFF60];
	v60 =	vshrl.u32 v48, $0x10;
	v49 =	vand.u32 $0x7FFF, v49;
	v61 =	vand.u32 $0x7FFF, v52  }
0xc4: {  	v53 =	vld [tilespmem:s28+$0xFFFFFF70];
	v50 =	vand.u32 $0x7FFF, v50;
	vm8 =	veq.s32 v49, v34;
	vm9 =	veq.s32 v61, v34  }
0xc5: {  	v55 =	vld [tilespmem:s28+$0x10];
	v63 =	vand.u32 $0x7FFF, v62;
	vm0 =	veq.s32 v50, v34;
	v49 =	vsel vm9, $0xFFFFFFFF, v59  }
0xc6: {  	v61 =	vimm.s32 $0x0;
	vm9 =	veq.s32 v63, v34;
	[tilespmem:$0x1FF90] =	vst v49;
	v49 =	vand.u32 $0x7FFF, v58  }
0xc7: {  	v54 =	vld [tilespmem:s28+$0x0];
	v59 =	vimm.s32 $0x0;
	v50 =	vsel vm9, $0xFFFFFFFF, v61;
	vm9 =	veq.s32 v49, v34  }
0xc8: {  	v57 =	vld [tilespmem:s28+$0x30];
	v62 =	vand.u32 $0x7FFF, v60;
	v49 =	vsel vm9, $0xFFFFFFFF, v59  }
0xc9: {  	v60 =	vshrl.u32 v53, $0x10;
	v63 =	vshrl.u32 v51, $0x10;
	v58 =	vld [tilespmem:s28+$0x40];
	vm9 =	veq.s32 v62, v34;
	[tilespmem:$0x1FFC0] =	vst v49  }
0xca: {  	v62 =	vand.u32 $0x7FFF, v60;
	v60 =	vshrl.u32 v55, $0x10;
	v49 =	vand.u32 $0x7FFF, v63;
	[tilespmem:v43+s14+$0x0] =	vst.idx.add.s32.msk vm8, v33  }
0xcb: {  	vm8 =	veq.s32 v49, v34;
	v49 =	vand.u32 $0x7FFF, v60;
	v60 =	vld [tilespmem:s28+$0xFFFFFF00]  }
0xcc: {  	v44 =	vand.u32 $0xFFFF, v44;
	v61 =	vimm.s32 $0x0  }
0xcd: {  	[tilespmem:$0x1FFA0] =	vst v50;
	v59 =	vimm.s32 $0x0;
	v50 =	vsel vm9, $0xFFFFFFFF, v61;
	v63 =	vshrl.u32 v54, $0x10  }
0xce: {  	v61 =	vimm.s32 $0x0;
	v43 =	vsel vm8, $0xFFFFFFFF, v59;
	vm8 =	veq.s32 v62, v34  }
0xcf: {  	v56 =	vld [tilespmem:s28+$0x20];
	v62 =	vshrl.u32 v57, $0x10;
	vm15 =	veq.s32 v49, v34;
	[tilespmem:$0x1FFE0] =	vst v43;
	v43 =	vand.u32 $0x7FFF, v63  }
0xd0: {  	[tilespmem:$0x1FFD0] =	vst v50;
	v59 =	vld [tilespmem:s28+$0x60];
	v50 =	vsel vm8, $0xFFFFFFFF, v61;
	v61 =	vshrl.u32 v58, $0x10;
	v49 =	vshrl.u32 v60, $0x10  }
0xd1: {  	v52 =	vld [tilespmem:s28+$0x50];
	v63 =	vand.u32 $0x7FFF, v62;
	[tilespmem:$0x1FFB0] =	vst v50;
	v62 =	vand.u32 $0x7FFF, v61;
	v61 =	vand.u32 $0x7FFF, v49  }
0xd2: {  	vm9 =	veq.s32 v62, v34;
	v62 =	vand.u32 $0xFFFF, v60;
	v60 =	vld [tilespmem:$0x1FFB0];
	vm12 =	veq.s32 v61, v34  }
0xd3: {  	v61 =	vld [tilespmem:$0x1FFC0]  }
0xd4: {  	[tilespmem:v42+s14+$0x0] =	vst.idx.add.s32.msk vm7, v33  }
0xd5: {  	[tilespmem:v44+s14+$0x0] =	vst.idx.add.s32.msk vm0, v33;
	v44 =	vand.u32 $0xFFFF, v46;
	v50 =	vshrl.u32 v56, $0x10;
	v46 =	vshrl.u32 v59, $0x10  }
0xd6: {  	[tilespmem:v36+s14+$0x0] =	vst.idx.add.s32.msk vm1, v33;
	vm14 =	veq.s32 v43, v34;
	v43 =	vand.u32 $0x7FFF, v50;
	v50 =	vand.u32 $0x7FFF, v46  }
0xd7: {  	vm8 =	veq.s32 v63, v34;
	vm11 =	veq.s32 v50, v34;
	v50 =	vld [tilespmem:$0x1FF90];
	vm1 =	vnez.u8 v60  }
0xd8: {  	v63 =	vshrl.u32 v52, $0x10;
	vm7 =	vmmov vm1;
	vm1 =	vnez.u8 v61;
	[tilespmem:v62+s14+$0x0] =	vst.idx.add.s32.msk vm12, v33  }
0xd9: {  	v42 =	vand.u32 $0xFFFF, v45;
	v45 =	vand.u32 $0x7FFF, v63;
	v63 =	vand.u32 $0xFFFF, v47;
	v62 =	vld [tilespmem:$0x1FFD0]  }
0xda: {  	[tilespmem:v41+s14+$0x0] =	vst.idx.add.s32.msk vm6, v33  }
0xdb: {  	[tilespmem:v39+s14+$0x0] =	vst.idx.add.s32.msk vm4, v33  }
0xdc: {  	[tilespmem:v37+s14+$0x0] =	vst.idx.add.s32.msk vm2, v33  }
0xdd: {  	v41 =	vand.u32 $0xFFFF, v54;
	v54 =	vld [tilespmem:$0x1FFA0];
	vm0 =	veq.s32 v43, v34;
	vm2 =	vnez.u8 v50  }
0xde: {  	vm4 =	vmmov vm0;
	[tilespmem:v63+s14+$0x0] =	vst.idx.add.s32.msk vm1, v33;
	vm0 =	vnez.u8 v62  }
0xdf: {  	v49 =	vand.u32 $0xFFFF, v48;
	v63 =	vld [tilespmem:$0x1FFE0];
	_ =	sdelay $0x3  }
0xe0: {  	[tilespmem:v42+s14+$0x0] =	vst.idx.add.s32.msk vm2, v33;
	vm2 =	vnez.u8 v54  }
0xe1: {  	s26 =	sadd.s32 $0x10, s26;
	[tilespmem:v49+s14+$0x0] =	vst.idx.add.s32.msk vm0, v33;
	vm0 =	vnez.u8 v63  }
0xe2: {  	p1 =	slt.u32 s26, $0x1F0;
	v51 =	vand.u32 $0xFFFF, v51  }
.Ltmp3:
0xe3: {  	[tilespmem:v40+s14+$0x0] =	vst.idx.add.s32.msk vm5, v33;
	v40 =	vand.u32 $0xFFFF, v55;
	v39 =	vand.u32 $0xFFFF, v56;
	(pc) =	sbr.rel @p1 .LBB2_9-.Ltmp3, $4  }
0xe4: {  	[tilespmem:v38+s14+$0x0] =	vst.idx.add.s32.msk vm3, v33;
	v38 =	vand.u32 $0xFFFF, v57;
	v36 =	vand.u32 $0xFFFF, v52;
	v37 =	vand.u32 $0xFFFF, v58  }
0xe5: {  	[tilespmem:v35+s14+$0x0] =	vst.idx.add.s32.msk vm13, v33;
	vm5 =	vmmov vm15;
	vm6 =	vmmov vm14;
	vm3 =	vmmov vm8  }
0xe6: {  	vm10 =	veq.s32 v45, v34;
	v59 =	vand.u32 $0xFFFF, v59;
	vm13 =	vmmov vm11;
	[tilespmem:v44+s14+$0x0] =	vst.idx.add.s32.msk vm2, v33  }
0xe7: {  	s28 =	sadd.s32 $0x200, s28;
	v35 =	vmovc v59;
	vm1 =	vmmov vm10;
	v42 =	vand.u32 $0xFFFF, v53;
	vm2 =	vmmov vm9;
	[tilespmem:v51+s14+$0x0] =	vst.idx.add.s32.msk vm0, v33  }
0xe8: {  	_ =	sdelay $0x4  }
0xe9: {  	[tilespmem:v42+s14+$0x0] =	vst.idx.add.s32.msk vm7, v33  }
0xea: {  	[tilespmem:v41+s14+$0x0] =	vst.idx.add.s32.msk vm6, v33  }
0xeb: {  	[tilespmem:v40+s14+$0x0] =	vst.idx.add.s32.msk vm5, v33;
	p1 =	seq.s32 s25, $0x7  }
.Ltmp4:
0xec: {  	[tilespmem:v39+s14+$0x0] =	vst.idx.add.s32.msk vm4, v33;
	(pc) =	sbr.rel @p1 .LBB2_14-.Ltmp4, $4  }
0xed: {  	[tilespmem:v38+s14+$0x0] =	vst.idx.add.s32.msk vm3, v33  }
0xee: {  	[tilespmem:v37+s14+$0x0] =	vst.idx.add.s32.msk vm2, v33  }
0xef: {  	[tilespmem:v36+s14+$0x0] =	vst.idx.add.s32.msk vm1, v33  }
0xf0: {  	[tilespmem:v35+s14+$0x0] =	vst.idx.add.s32.msk vm13, v33  }
0xf1: {  	s26 =	sshll.u32 s25, $0x1  }
0xf2: {  	s26 =	sadd.s32 $0x2, s26  }
0xf3: {  	s28 =	sshrl.u32 s26, $0x2  }
0xf4: {  	s28 =	sadd.s32 s28, s6  }
0xf5: {  	s26 =	sshll.u32 s26, $0xD;
	s29 =	sshll.u32 s28, $0xC;
	s28 =	sshll.u32 s28, $0x4  }
0xf6: {  	s26 =	sand.u32 $0x4000, s26;
	s29 =	sand.u32 $0xFFF8000, s29;
	s28 =	sand.u32 $0x70, s28  }
0xf7: {  	s26 =	sor.u32 s29, s26;
	s28 =	sadd.s32 s1, s28  }
0xf8: {  	s30 =	simm.s32 $0x100;
	s26 =	sadd.s32 s26, s28  }
0xf9: {  	s29 =	simm.s32 $0x80;
	s28 =	simm.s32 $0x0;
	s31 =	sadd.s32 $0x0, s26  }
.LBB2_12:
0xfa: {  	[tilespmem:s28], [sflag:$0x1] =	stream.linear.gather [hbm4b:s31+s3], $0x80, $0x38;
	[tilespmem:$0x15280] =	vst v63  }
0xfb: {  	s31 =	smov.u32 s29;
	s28 =	smov.u32 s30;
	p1 =	sne.s32 s29, $0x1F80  }
.Ltmp5:
0xfc: {  	s29 =	sadd.s32 $0x80, s29;
	(pc) =	sbr.rel @p1 .LBB2_12-.Ltmp5, $2  }
0xfd: {  	_ =	sdelay $0x2  }
0xfe: {  	s30 =	sadd.s32 $0x100, s30;
	s31 =	sadd.s32 s31, s26  }
0xff: {  	[tilespmem:s28], [sflag:$0x1] =	stream.linear.gather [hbm4b:s31+s3], $0x80, $0x38;
	[tilespmem:$0x15280] =	vst v63  }
.LBB2_14:
0x100: {  	_ =	swait.ge [sflag:s15], $0x2000  }
0x101: {  	[sflag:s15] =	ssyncset.done $0x0  }
0x102: {  	s26 =	simm.s32 $0x180;
	[sflag:s15] =	ssyncadd.s32 $0xFFFFE000  }
0x103: {  	v35 =	vld [tilespmem:s26+$0x70]  }
0x104: {  	v36 =	vld [tilespmem:s26+$0xFFFFFF10]  }
0x105: {  	v37 =	vld [tilespmem:s26+$0xFFFFFF20]  }
0x106: {  	v43 =	vld [tilespmem:s26+$0xFFFFFF60]  }
0x107: {  	v38 =	vld [tilespmem:s26+$0xFFFFFF30]  }
0x108: {  	v39 =	vld [tilespmem:s26+$0xFFFFFF40]  }
0x109: {  	v40 =	vld [tilespmem:s26+$0xFFFFFF50]  }
0x10a: {  	v58 =	vimm.s32 $0x0;
	v45 =	vld [tilespmem:s26+$0xFFFFFF70];
	v41 =	vshrl.u32 v35, $0x10;
	v42 =	vshrl.u32 v36, $0x10  }
0x10b: {  	v46 =	vld [tilespmem:s26+$0x0];
	v36 =	vand.u32 $0xFFFF, v36;
	v54 =	vshrl.u32 v43, $0x10;
	v42 =	vand.u32 $0x7FFF, v42  }
0x10c: {  	v49 =	vld [tilespmem:s26+$0x30];
	v44 =	vshrl.u32 v37, $0x10;
	vm5 =	veq.s32 v42, v34;
	v42 =	vand.u32 $0x7FFF, v54  }
0x10d: {  	v48 =	vld [tilespmem:s26+$0x20];
	v51 =	vshrl.u32 v38, $0x10;
	v35 =	vand.u32 $0xFFFF, v35;
	vm0 =	veq.s32 v42, v34  }
0x10e: {  	v47 =	vshrl.u32 v39, $0x10;
	v50 =	vand.u32 $0x7FFF, v44;
	v44 =	vld [tilespmem:s26+$0x10];
	v42 =	vsel vm0, $0xFFFFFFFF, v58  }
0x10f: {  	v53 =	vshrl.u32 v40, $0x10;
	v55 =	vshrl.u32 v45, $0x10;
	vm3 =	veq.s32 v50, v34;
	v50 =	vld [tilespmem:s26+$0x40];
	[tilespmem:$0x1FF80] =	vst v42  }
0x110: {  	v57 =	vshrl.u32 v46, $0x10;
	v41 =	vand.u32 $0x7FFF, v41;
	v52 =	vand.u32 $0x7FFF, v51;
	v51 =	vld [tilespmem:s26+$0xFFFFFF00]  }
0x111: {  	v62 =	vshrl.u32 v49, $0x10;
	v37 =	vand.u32 $0xFFFF, v37;
	vm2 =	veq.s32 v41, v34  }
0x112: {  	v38 =	vand.u32 $0xFFFF, v38;
	v47 =	vand.u32 $0x7FFF, v47;
	v56 =	vand.u32 $0x7FFF, v55  }
0x113: {  	vm4 =	veq.s32 v52, v34;
	v41 =	vand.u32 $0x7FFF, v53;
	vm1 =	veq.s32 v47, v34  }
0x114: {  	v47 =	vand.u32 $0x7FFF, v57;
	vm6 =	veq.s32 v56, v34;
	v54 =	vand.u32 $0x7FFF, v62  }
0x115: {  	vm8 =	veq.s32 v41, v34;
	vm12 =	veq.s32 v54, v34;
	v56 =	vshrl.u32 v51, $0x10  }
0x116: {  	v54 =	vand.u32 $0xFFFF, v40;
	v59 =	vshrl.u32 v44, $0x10;
	v53 =	vld [tilespmem:s26+$0x60];
	v57 =	vand.u32 $0x7FFF, v56  }
0x117: {  	v60 =	vand.u32 $0x7FFF, v59;
	v59 =	vand.u32 $0xFFFF, v39;
	[tilespmem:v35+s14+$0x0] =	vst.idx.add.s32.msk vm2, v33;
	vm14 =	veq.s32 v57, v34  }
0x118: {  	[tilespmem:v36+s14+$0x0] =	vst.idx.add.s32.msk vm5, v33;
	v51 =	vand.u32 $0xFFFF, v51  }
0x119: {  	[tilespmem:v37+s14+$0x0] =	vst.idx.add.s32.msk vm3, v33  }
0x11a: {  	[tilespmem:v38+s14+$0x0] =	vst.idx.add.s32.msk vm4, v33  }
0x11b: {  	[tilespmem:v54+s14+$0x0] =	vst.idx.add.s32.msk vm8, v33  }
0x11c: {  	v61 =	vshrl.u32 v48, $0x10;
	[tilespmem:v59+s14+$0x0] =	vst.idx.add.s32.msk vm1, v33  }
0x11d: {  	v63 =	vand.u32 $0x7FFF, v61;
	[tilespmem:v51+s14+$0x0] =	vst.idx.add.s32.msk vm14, v33  }
0x11e: {  	vm11 =	veq.s32 v63, v34;
	v63 =	vld [tilespmem:$0x1FF80];
	_ =	sdelay $0x1  }
0x11f: {  	v55 =	vshrl.u32 v50, $0x10;
	v61 =	vshrl.u32 v53, $0x10  }
0x120: {  	v43 =	vand.u32 $0xFFFF, v43;
	v52 =	vld [tilespmem:s26+$0x50];
	v41 =	vand.u32 $0x7FFF, v55;
	v62 =	vand.u32 $0x7FFF, v61  }
0x121: {  	vm9 =	veq.s32 v47, v34;
	vm13 =	veq.s32 v41, v34;
	vm0 =	veq.s32 v62, v34  }
0x122: {  	vm2 =	vmmov vm13;
	vm13 =	vmmov vm0;
	vm0 =	vnez.u8 v63  }
0x123: {  	vm7 =	vmmov vm6;
	vm6 =	vmmov vm9;
	v42 =	vand.u32 $0xFFFF, v45  }
0x124: {  	v40 =	vand.u32 $0xFFFF, v44;
	v39 =	vand.u32 $0xFFFF, v48;
	vm10 =	veq.s32 v60, v34  }
0x125: {  	v38 =	vand.u32 $0xFFFF, v49;
	v37 =	vand.u32 $0xFFFF, v50;
	v58 =	vshrl.u32 v52, $0x10  }
0x126: {  	vm4 =	vmmov vm11;
	vm3 =	vmmov vm12;
	v60 =	vand.u32 $0x7FFF, v58  }
0x127: {  	v41 =	vand.u32 $0xFFFF, v46;
	vm5 =	vmmov vm10;
	vm15 =	veq.s32 v60, v34  }
0x128: {  	s28 =	simm.s32 $0x380;
	s26 =	simm.s32 $0x0;
	v36 =	vand.u32 $0xFFFF, v52;
	v35 =	vand.u32 $0xFFFF, v53;
	vm1 =	vmmov vm15;
	[tilespmem:v43+s14+$0x0] =	vst.idx.add.s32.msk vm0, v33  }
.LBB2_15:
0x129: {  	v43 =	vld [tilespmem:s28+$0x70]  }
0x12a: {  	v44 =	vld [tilespmem:s28+$0xFFFFFF10]  }
0x12b: {  	v45 =	vld [tilespmem:s28+$0xFFFFFF20]  }
0x12c: {  	v46 =	vld [tilespmem:s28+$0xFFFFFF30]  }
0x12d: {  	v47 =	vld [tilespmem:s28+$0xFFFFFF40]  }
0x12e: {  	v48 =	vld [tilespmem:s28+$0xFFFFFF50];
	_ =	sdelay $0x1  }
0x12f: {  	v59 =	vimm.s32 $0x0  }
0x130: {  	v49 =	vshrl.u32 v43, $0x10;
	v50 =	vshrl.u32 v44, $0x10;
	v52 =	vshrl.u32 v45, $0x10  }
0x131: {  	v62 =	vshrl.u32 v46, $0x10;
	v43 =	vand.u32 $0xFFFF, v43;
	v58 =	vshrl.u32 v47, $0x10  }
0x132: {  	v51 =	vld [tilespmem:s28+$0xFFFFFF60];
	v60 =	vshrl.u32 v48, $0x10;
	v49 =	vand.u32 $0x7FFF, v49;
	v61 =	vand.u32 $0x7FFF, v52  }
0x133: {  	v53 =	vld [tilespmem:s28+$0xFFFFFF70];
	v50 =	vand.u32 $0x7FFF, v50;
	vm8 =	veq.s32 v49, v34;
	vm9 =	veq.s32 v61, v34  }
0x134: {  	v55 =	vld [tilespmem:s28+$0x10];
	v63 =	vand.u32 $0x7FFF, v62;
	vm0 =	veq.s32 v50, v34;
	v49 =	vsel vm9, $0xFFFFFFFF, v59  }
0x135: {  	v61 =	vimm.s32 $0x0;
	vm9 =	veq.s32 v63, v34;
	[tilespmem:$0x1FF20] =	vst v49;
	v49 =	vand.u32 $0x7FFF, v58  }
0x136: {  	v54 =	vld [tilespmem:s28+$0x0];
	v59 =	vimm.s32 $0x0;
	v50 =	vsel vm9, $0xFFFFFFFF, v61;
	vm9 =	veq.s32 v49, v34  }
0x137: {  	v57 =	vld [tilespmem:s28+$0x30];
	v62 =	vand.u32 $0x7FFF, v60;
	v49 =	vsel vm9, $0xFFFFFFFF, v59  }
0x138: {  	v60 =	vshrl.u32 v53, $0x10;
	v63 =	vshrl.u32 v51, $0x10;
	v58 =	vld [tilespmem:s28+$0x40];
	vm9 =	veq.s32 v62, v34;
	[tilespmem:$0x1FF50] =	vst v49  }
0x139: {  	v62 =	vand.u32 $0x7FFF, v60;
	v60 =	vshrl.u32 v55, $0x10;
	v49 =	vand.u32 $0x7FFF, v63;
	[tilespmem:v43+s14+$0x0] =	vst.idx.add.s32.msk vm8, v33  }
0x13a: {  	vm8 =	veq.s32 v49, v34;
	v49 =	vand.u32 $0x7FFF, v60;
	v60 =	vld [tilespmem:s28+$0xFFFFFF00]  }
0x13b: {  	v44 =	vand.u32 $0xFFFF, v44;
	v61 =	vimm.s32 $0x0  }
0x13c: {  	[tilespmem:$0x1FF30] =	vst v50;
	v59 =	vimm.s32 $0x0;
	v50 =	vsel vm9, $0xFFFFFFFF, v61;
	v63 =	vshrl.u32 v54, $0x10  }
0x13d: {  	v61 =	vimm.s32 $0x0;
	v43 =	vsel vm8, $0xFFFFFFFF, v59;
	vm8 =	veq.s32 v62, v34  }
0x13e: {  	v56 =	vld [tilespmem:s28+$0x20];
	v62 =	vshrl.u32 v57, $0x10;
	vm15 =	veq.s32 v49, v34;
	[tilespmem:$0x1FF70] =	vst v43;
	v43 =	vand.u32 $0x7FFF, v63  }
0x13f: {  	[tilespmem:$0x1FF60] =	vst v50;
	v59 =	vld [tilespmem:s28+$0x60];
	v50 =	vsel vm8, $0xFFFFFFFF, v61;
	v61 =	vshrl.u32 v58, $0x10;
	v49 =	vshrl.u32 v60, $0x10  }
0x140: {  	v52 =	vld [tilespmem:s28+$0x50];
	v63 =	vand.u32 $0x7FFF, v62;
	[tilespmem:$0x1FF40] =	vst v50;
	v62 =	vand.u32 $0x7FFF, v61;
	v61 =	vand.u32 $0x7FFF, v49  }
0x141: {  	vm9 =	veq.s32 v62, v34;
	v62 =	vand.u32 $0xFFFF, v60;
	v60 =	vld [tilespmem:$0x1FF40];
	vm12 =	veq.s32 v61, v34  }
0x142: {  	v61 =	vld [tilespmem:$0x1FF50]  }
0x143: {  	[tilespmem:v42+s14+$0x0] =	vst.idx.add.s32.msk vm7, v33  }
0x144: {  	[tilespmem:v44+s14+$0x0] =	vst.idx.add.s32.msk vm0, v33;
	v44 =	vand.u32 $0xFFFF, v46;
	v50 =	vshrl.u32 v56, $0x10;
	v46 =	vshrl.u32 v59, $0x10  }
0x145: {  	[tilespmem:v36+s14+$0x0] =	vst.idx.add.s32.msk vm1, v33;
	vm14 =	veq.s32 v43, v34;
	v43 =	vand.u32 $0x7FFF, v50;
	v50 =	vand.u32 $0x7FFF, v46  }
0x146: {  	vm8 =	veq.s32 v63, v34;
	vm11 =	veq.s32 v50, v34;
	v50 =	vld [tilespmem:$0x1FF20];
	vm1 =	vnez.u8 v60  }
0x147: {  	v63 =	vshrl.u32 v52, $0x10;
	vm7 =	vmmov vm1;
	vm1 =	vnez.u8 v61;
	[tilespmem:v62+s14+$0x0] =	vst.idx.add.s32.msk vm12, v33  }
0x148: {  	v42 =	vand.u32 $0xFFFF, v45;
	v45 =	vand.u32 $0x7FFF, v63;
	v63 =	vand.u32 $0xFFFF, v47;
	v62 =	vld [tilespmem:$0x1FF60]  }
0x149: {  	[tilespmem:v41+s14+$0x0] =	vst.idx.add.s32.msk vm6, v33  }
0x14a: {  	[tilespmem:v39+s14+$0x0] =	vst.idx.add.s32.msk vm4, v33  }
0x14b: {  	[tilespmem:v37+s14+$0x0] =	vst.idx.add.s32.msk vm2, v33  }
0x14c: {  	v41 =	vand.u32 $0xFFFF, v54;
	v54 =	vld [tilespmem:$0x1FF30];
	vm0 =	veq.s32 v43, v34;
	vm2 =	vnez.u8 v50  }
0x14d: {  	vm4 =	vmmov vm0;
	[tilespmem:v63+s14+$0x0] =	vst.idx.add.s32.msk vm1, v33;
	vm0 =	vnez.u8 v62  }
0x14e: {  	v49 =	vand.u32 $0xFFFF, v48;
	v63 =	vld [tilespmem:$0x1FF70];
	_ =	sdelay $0x3  }
0x14f: {  	[tilespmem:v42+s14+$0x0] =	vst.idx.add.s32.msk vm2, v33;
	vm2 =	vnez.u8 v54  }
0x150: {  	s26 =	sadd.s32 $0x10, s26;
	[tilespmem:v49+s14+$0x0] =	vst.idx.add.s32.msk vm0, v33;
	vm0 =	vnez.u8 v63  }
0x151: {  	p1 =	slt.u32 s26, $0x1F0;
	v51 =	vand.u32 $0xFFFF, v51  }
.Ltmp6:
0x152: {  	[tilespmem:v40+s14+$0x0] =	vst.idx.add.s32.msk vm5, v33;
	v40 =	vand.u32 $0xFFFF, v55;
	v39 =	vand.u32 $0xFFFF, v56;
	(pc) =	sbr.rel @p1 .LBB2_15-.Ltmp6, $4  }
0x153: {  	[tilespmem:v38+s14+$0x0] =	vst.idx.add.s32.msk vm3, v33;
	v38 =	vand.u32 $0xFFFF, v57;
	v36 =	vand.u32 $0xFFFF, v52;
	v37 =	vand.u32 $0xFFFF, v58  }
0x154: {  	[tilespmem:v35+s14+$0x0] =	vst.idx.add.s32.msk vm13, v33;
	vm5 =	vmmov vm15;
	vm6 =	vmmov vm14;
	vm3 =	vmmov vm8  }
0x155: {  	vm10 =	veq.s32 v45, v34;
	v59 =	vand.u32 $0xFFFF, v59;
	vm13 =	vmmov vm11;
	[tilespmem:v44+s14+$0x0] =	vst.idx.add.s32.msk vm2, v33  }
0x156: {  	s28 =	sadd.s32 $0x200, s28;
	v35 =	vmovc v59;
	vm1 =	vmmov vm10;
	v42 =	vand.u32 $0xFFFF, v53;
	vm2 =	vmmov vm9;
	[tilespmem:v51+s14+$0x0] =	vst.idx.add.s32.msk vm0, v33  }
0x157: {  	_ =	sdelay $0x4  }
0x158: {  	[tilespmem:v42+s14+$0x0] =	vst.idx.add.s32.msk vm7, v33  }
0x159: {  	[tilespmem:v41+s14+$0x0] =	vst.idx.add.s32.msk vm6, v33;
	s25 =	sadd.s32 $0x1, s25  }
0x15a: {  	[tilespmem:v40+s14+$0x0] =	vst.idx.add.s32.msk vm5, v33;
	p1 =	sne.s32 s25, $0x8  }
.Ltmp7:
0x15b: {  	[tilespmem:v39+s14+$0x0] =	vst.idx.add.s32.msk vm4, v33;
	(pc) =	sbr.rel @p1 .LBB2_6-.Ltmp7, $4  }
0x15c: {  	[tilespmem:v38+s14+$0x0] =	vst.idx.add.s32.msk vm3, v33  }
0x15d: {  	[tilespmem:v37+s14+$0x0] =	vst.idx.add.s32.msk vm2, v33  }
0x15e: {  	[tilespmem:v36+s14+$0x0] =	vst.idx.add.s32.msk vm1, v33  }
0x15f: {  	[tilespmem:v35+s14+$0x0] =	vst.idx.add.s32.msk vm13, v33  }
0x160: {  	[bflag:$0x0] =	sbarrier.arrive $0xFFFF  }
0x161: {  	[spmem:s2] =	stream.indirect.scatter.add.s32 [tilespmem:s14], [sflag:$0x3], $0x80, s17, s16, $0xb8;
	[tilespmem:$0x15280] =	vst v63  }
0x162: {  	_ =	swait.ge [sflag:s12], $0x4000  }
0x163: {  	[sflag:s12] =	ssyncset.done $0x0  }
0x164: {  	[sflag:s12] =	ssyncadd.s32 $0xFFFFC000  }
0x165: {  	[spmem:s2] =	stream.indirect.scatter.add.s32 [tilespmem:s19], [sflag:$0x3], $0x80, s18, s16, $0xb8;
	[tilespmem:$0x15280] =	vst v63  }
0x166: {  	_ =	swait.ge [sflag:s12], $0x4000  }
0x167: {  	[sflag:s12] =	ssyncset.done $0x0  }
0x168: {  	[sflag:s12] =	ssyncadd.s32 $0xFFFFC000  }
0x169: {  	[spmem:s2] =	stream.indirect.scatter.add.s32 [tilespmem:s21], [sflag:$0x3], $0x80, s20, s16, $0xb8;
	[tilespmem:$0x15280] =	vst v63  }
0x16a: {  	_ =	swait.ge [sflag:s12], $0x4000  }
0x16b: {  	[sflag:s12] =	ssyncset.done $0x0  }
0x16c: {  	[sflag:s12] =	ssyncadd.s32 $0xFFFFC000  }
0x16d: {  	[spmem:s2] =	stream.indirect.scatter.add.s32 [tilespmem:s23], [sflag:$0x3], $0x80, s22, s16, $0xb8;
	[tilespmem:$0x15280] =	vst v63  }
0x16e: {  	_ =	swait.ge [sflag:s12], $0x4000  }
0x16f: {  	[sflag:s12] =	ssyncset.done $0x0  }
0x170: {  	s25 =	sshrl.u32 @!p0 s2, $0x3;
	s24 =	sadd.s32 $0x1, s24;
	[sflag:s12] =	ssyncadd.s32 $0xFFFFC000  }
0x171: {  	s26 =	simm.s32 @!p0 $0x1C03;
	p1 =	sne.s32 s24, s10;
	[bflag:$0x0] =	sbarrier.arrive $0xFFFF  }
0x172: {  	[hbm:s9], [sflag:s26] =	dma.local @!p0 [spmem:s25], $0x2000  }
.Ltmp8:
0x173: {  	_ = 	snop;
	(pc) =	sbr.rel @p1 .LBB2_1-.Ltmp8, $4  }
0x174: {  	s25 =	simm.s32 @!p0 $0x3  }
0x175: {  	_ =	swait.ge @!p0 [sflag:s25], $0x2000  }
0x176: {  	[sflag:s25] =	ssyncset.done @!p0 $0x0  }
0x177: {  	[sflag:s25] =	ssyncadd.s32 @!p0 $0xFFFFE000  }
0x178: {  	_ =	sfence.sel $0x180000  }
0x179: {  	[bflag:$0x0] =	sbarrier.arrive $0xFFFF  }
0x17a: {  	_ =	strace $0x9000004A  }
0x17b: {  	s0 =	sadd.s32 @!p0 $0x100000, s0;
	[bflag:$0x2] =	sbarrier.arrive $0xFFFF  }
0x17c: {  	[sflag:s0] =	ssyncadd.tile.s32 @!p0 $0x1;
	_ =	shalt  }
.Lfunc_end2:
_tile_overlayer_lowered:
.L_overlay_start_2:
0x17d: {  	(tag) =	ssettag $0x2  }
0x17e: {  	s0 =	rddreg [dreg:$0x0];
	s2 =	stileid.u32  }
0x17f: {  	s1 =	rddreg [dreg:$0x1];
	p0 =	sne.s32 s2, $0x0  }
0x180: {  	s3 =	rddreg [dreg:$0x2];
	[bflag:$0x3] =	sbarrier.arrive $0xFFFF;
	s2 =	simm.s32 @!p0 $0x1C03  }
0x181: {  	[timem:s3], [sflag:s2] =	dma.local @!p0 [hbm:s0], s1  }
0x182: {  	s0 =	simm.s32 @!p0 $0x3  }
0x183: {  	_ =	swait.ge @!p0 [sflag:s0], s1  }
0x184: {  	s1 =	ssub.s32 @!p0 $0x0, s1;
	[sflag:s0] =	ssyncset.done @!p0 $0x0  }
0x185: {  	[sflag:s0] =	ssyncadd.s32 @!p0 s1  }
0x186: {  	[bflag:$0x3] =	sbarrier.arrive $0xFFFF  }
0x187: {  	_ =	shalt  }

</sc_bundles>
